<compile_context>
chip_gen: v7x
topology: tpu7x:2x2x1
jax: 0.10.2.dev20260603
libtpu: 0.0.44.dev20260713+nightly
codegen_flags: <defaults>
</compile_context>

<pallas_src>
import jax
import jax.numpy as jnp
from jax import lax
from jax.experimental import pallas as pl
from jax.experimental.pallas import tpu as pltpu
from jax.experimental.pallas import tpu_sc as plsc

BATCH = 4096
SEQ = 200
HIDDEN = 64
NUM_WORKERS = 32
BT = 128
LANES = 16
NC = 2
ZPAD = BT + 1


def _sc_body(idx_ref, table_ref, posp_ref, out_ref,
             idx0, idx1, pos0, pos1, rows0, rows1, zb0, zb1,
             sem_g0, sem_g1, sem_o):
    w = lax.axis_index("s") * NC + lax.axis_index("c")

    idxv = (idx0, idx1)
    posv = (pos0, pos1)
    rows = (rows0, rows1)
    zb = (zb0, zb1)
    sem_g = (sem_g0, sem_g1)

    iota = lax.iota(jnp.int32, LANES)
    zerov = jnp.zeros((LANES,), jnp.int32)
    htv = [(g16 * LANES + iota) // 8 for g16 in range(4)]
    hiv = [(g16 * LANES + iota) % 8 for g16 in range(4)]

    def stage(s, buf):
        pltpu.sync_copy(idx_ref.at[w, pl.ds(s, 1), :], idxv[buf])
        pltpu.sync_copy(posp_ref.at[pl.ds(s, 1), :], posv[buf])
        pltpu.async_copy(table_ref.at[idxv[buf].at[0]],
                         rows[buf].at[0], sem_g[buf])

    def out_dma(s, buf):
        return pltpu.async_copy(
            zb[buf].at[:, :, :, pl.ds(0, BT)],
            out_ref.at[s, :, pl.ds(w, 1), :, :], sem_o)

    def out_wait(s, buf):
        pltpu.make_async_copy(
            zb[buf].at[:, :, :, pl.ds(0, BT)],
            out_ref.at[s, :, pl.ds(w, 1), :, :], sem_o).wait()

    def process(buf):
        @pl.loop(0, BT // LANES)
        def _tile(bg):
            b0 = bg * LANES
            for g16 in range(4):
                pvec = posv[buf][0, pl.ds(g16 * LANES, LANES)]
                vs = [rows[buf][0, b0 + i, pl.ds(g16 * LANES, LANES)]
                      for i in range(LANES)]
                ws = [v + pvec for v in vs]
                for i in range(LANES):
                    bsplat = jnp.full((LANES,), b0 + i, jnp.int32)
                    plsc.store_scatter(zb[buf],
                                       [htv[g16], zerov, hiv[g16], bsplat],
                                       ws[i])

    stage(0, 0)

    @pl.loop(0, SEQ // 2)
    def _outer(s2):
        for half in range(2):
            buf = half
            s = s2 * 2 + half

            @pl.when(s < SEQ - 1)
            def _prefetch():
                stage(s + 1, 1 - buf)

            pltpu.make_async_copy(table_ref.at[idxv[buf].at[0]],
                                  rows[buf].at[0], sem_g[buf]).wait()

            @pl.when(s >= 2)
            def _drain_out():
                out_wait(s - 2, buf)

            process(buf)
            out_dma(s, buf)

    out_wait(SEQ - 2, 0)
    out_wait(SEQ - 1, 1)


@jax.jit
def _embed(idx3, table, posp):
    mesh = plsc.VectorSubcoreMesh(core_axis_name="c", subcore_axis_name="s")
    f = pl.kernel(
        _sc_body,
        out_type=jax.ShapeDtypeStruct((SEQ, 8, NUM_WORKERS, 8, BT),
                                      jnp.float32),
        mesh=mesh,
        scratch_types=[
            pltpu.VMEM((1, BT), jnp.int32),
            pltpu.VMEM((1, BT), jnp.int32),
            pltpu.VMEM((1, BT), jnp.float32),
            pltpu.VMEM((1, BT), jnp.float32),
            pltpu.VMEM((1, BT, BT), jnp.float32),
            pltpu.VMEM((1, BT, BT), jnp.float32),
            pltpu.VMEM((8, 1, 8, ZPAD), jnp.float32),
            pltpu.VMEM((8, 1, 8, ZPAD), jnp.float32),
            pltpu.SemaphoreType.DMA,
            pltpu.SemaphoreType.DMA,
            pltpu.SemaphoreType.DMA,
        ],
        compiler_params=pltpu.CompilerParams(use_tc_tiling_on_sc=False,
                                             needs_layout_passes=False),
    )
    return f(idx3, table, posp)


def kernel(input_ids, word_embeddings, position_embeddings):
    idx3 = (input_ids.reshape(NUM_WORKERS, BT, SEQ)
            .transpose(0, 2, 1).astype(jnp.int32))
    posp = jnp.pad(position_embeddings[:SEQ],
                   ((0, 0), (0, BT - HIDDEN)))
    wpad = jnp.pad(word_embeddings, ((0, 0), (0, BT - HIDDEN)))
    z = _embed(idx3, wpad, posp)
    return (z.transpose(2, 4, 0, 1, 3).reshape(BATCH, SEQ, HIDDEN))

# --- scband reference (transcript-rebuilt; emitter-appended) ---
"""Pipeline reference for scband-edge-former-embeddings-1743756722831 (READ-ONLY COPY).

The authoritative reference and input builder live on the scoring server;
editing this copy changes nothing except your own understanding.
"""

import jax, jax.numpy as jnp
import numpy as np

VOCAB = 1000000
HIDDEN = 64
MAX_POS = 512
BATCH = 4096
SEQ = 200

def setup_inputs(seed: int = 0) -> dict:
    key = jax.random.key(seed)
    k1, k2, k3 = jax.random.split(key, 3)
    input_ids = jax.random.randint(k1, (BATCH, SEQ), 0, VOCAB, dtype=jnp.int64 if jax.config.jax_enable_x64 else jnp.int32)
    word_embeddings = jax.random.normal(k2, (VOCAB, HIDDEN), dtype=jnp.float32) * 0.02
    position_embeddings = jax.random.normal(k3, (MAX_POS, HIDDEN), dtype=jnp.float32) * 0.02
    return {"input_ids": input_ids, "word_embeddings": word_embeddings, "position_embeddings": position_embeddings}

def reference(input_ids, word_embeddings, position_embeddings):
    seq_length = input_ids.shape[1]
    position_ids = jnp.arange(seq_length)[None, :]  # [1, S]
    word_emb = jnp.take(word_embeddings, input_ids, axis=0)          # [B, S, H]
    pos_emb = jnp.take(position_embeddings, position_ids, axis=0)    # [1, S, H]
    embeddings = word_emb + pos_emb
    # dropout prob = 0.0 (eval): identity
    return embeddings

if __name__ == "__main__":
    import jax
    _d = setup_inputs()
    print(jax.jit(kernel)(*tuple(_d.values())))

</pallas_src>

<mosaic_0001>
#map = affine_map<(d0, d1) -> (0, 0, 0)>
#map1 = affine_map<(d0, d1) -> (0, 0)>
#map2 = affine_map<(d0, d1) -> (0, 0, 0, 0, 0)>
module attributes {stable_mosaic.version = 14 : i64} {
  func.func @_sc_body(%arg0: i32, %arg1: i32, %arg2: memref<32x200x128xi32, #tpu.memory_space<hbm>>, %arg3: memref<1000000x128xf32, #tpu.memory_space<hbm>>, %arg4: memref<200x128xf32, #tpu.memory_space<hbm>>, %arg5: memref<200x8x32x8x128xf32, #tpu.memory_space<hbm>>, %arg6: memref<1x128xi32, #tpu.memory_space<vmem>>, %arg7: memref<1x128xi32, #tpu.memory_space<vmem>>, %arg8: memref<1x128xf32, #tpu.memory_space<vmem>>, %arg9: memref<1x128xf32, #tpu.memory_space<vmem>>, %arg10: memref<1x128x128xf32, #tpu.memory_space<vmem>>, %arg11: memref<1x128x128xf32, #tpu.memory_space<vmem>>, %arg12: memref<8x1x8x129xf32, #tpu.memory_space<vmem>>, %arg13: memref<8x1x8x129xf32, #tpu.memory_space<vmem>>, %arg14: memref<!tpu.dma_semaphore, #tpu.memory_space<semaphore_mem>>, %arg15: memref<!tpu.dma_semaphore, #tpu.memory_space<semaphore_mem>>, %arg16: memref<!tpu.dma_semaphore, #tpu.memory_space<semaphore_mem>>) attributes {dimension_semantics = [#tpu.dimension_semantics<core_parallel>, #tpu.dimension_semantics<subcore_parallel>], iteration_bounds = array<i64: 2, 16>, scalar_prefetch = 0 : i64, scratch_operands = 11 : i64, tpu.core_type = #tpu.core_type<sc_vector_subcore>, window_params = [{transform_indices = #map}, {transform_indices = #map1}, {transform_indices = #map1}, {transform_indices = #map2}]} {
    %mul3A = arith.constant 2 : i32
    %mul3A_0 = arith.muli %arg1, %mul3A : i32
    %add3A = arith.addi %mul3A_0, %arg0 : i32
    %iota3A = tpu.iota {dimensions = array<i32: 0>} : vector<16xi32>
    %broadcast_in_dim3A = arith.constant 0 : i32
    %broadcast_in_dim3A_1 = vector.broadcast %broadcast_in_dim3A : i32 to vector<16xi32>
    %add3A_2 = arith.constant 0 : i32
    %add3A_3 = vector.broadcast %add3A_2 : i32 to vector<16xi32>
    %add3A_4 = arith.addi %add3A_3, %iota3A : vector<16xi32>
    %jit3A = arith.constant 8 : i32
    %div3A = vector.broadcast %jit3A : i32 to vector<16xi32>
    %div3A_5 = arith.divsi %add3A_4, %div3A : vector<16xi32>
    %sign3A = arith.constant 0 : i32
    %sign3A_6 = vector.broadcast %sign3A : i32 to vector<16xi32>
    %sign3A_7 = arith.cmpi sgt, %add3A_4, %sign3A_6 : vector<16xi32>
    %sign3A_8 = arith.extui %sign3A_7 : vector<16xi1> to vector<16xi32>
    %sign3A_9 = arith.constant 0 : i32
    %sign3A_10 = vector.broadcast %sign3A_9 : i32 to vector<16xi32>
    %sign3A_11 = arith.cmpi slt, %add3A_4, %sign3A_10 : vector<16xi32>
    %sign3A_12 = arith.extui %sign3A_11 : vector<16xi1> to vector<16xi32>
    %sign3A_13 = arith.subi %sign3A_8, %sign3A_12 : vector<16xi32>
    %sign3A_14 = arith.constant 0 : i32
    %sign3A_15 = arith.cmpi sgt, %jit3A, %sign3A_14 : i32
    %sign3A_16 = arith.extui %sign3A_15 : i1 to i32
    %sign3A_17 = arith.constant 0 : i32
    %sign3A_18 = arith.cmpi slt, %jit3A, %sign3A_17 : i32
    %sign3A_19 = arith.extui %sign3A_18 : i1 to i32
    %sign3A_20 = arith.subi %sign3A_16, %sign3A_19 : i32
    %ne3A = vector.broadcast %sign3A_20 : i32 to vector<16xi32>
    %ne3A_21 = arith.cmpi ne, %sign3A_13, %ne3A : vector<16xi32>
    %rem3A = vector.broadcast %jit3A : i32 to vector<16xi32>
    %rem3A_22 = arith.remsi %add3A_4, %rem3A : vector<16xi32>
    %ne3A_23 = arith.constant 0 : i32
    %ne3A_24 = vector.broadcast %ne3A_23 : i32 to vector<16xi32>
    %ne3A_25 = arith.cmpi ne, %rem3A_22, %ne3A_24 : vector<16xi32>
    %and3A = arith.andi %ne3A_21, %ne3A_25 : vector<16xi1>
    %sub3A = arith.constant 1 : i32
    %sub3A_26 = vector.broadcast %sub3A : i32 to vector<16xi32>
    %sub3A_27 = arith.subi %div3A_5, %sub3A_26 : vector<16xi32>
    %select_n3A = arith.select %and3A, %sub3A_27, %div3A_5 : vector<16xi1>, vector<16xi32>
    %add3A_28 = arith.constant 16 : i32
    %add3A_29 = vector.broadcast %add3A_28 : i32 to vector<16xi32>
    %add3A_30 = arith.addi %add3A_29, %iota3A : vector<16xi32>
    %jit3A_31 = arith.constant 8 : i32
    %div3A_32 = vector.broadcast %jit3A_31 : i32 to vector<16xi32>
    %div3A_33 = arith.divsi %add3A_30, %div3A_32 : vector<16xi32>
    %sign3A_34 = arith.constant 0 : i32
    %sign3A_35 = vector.broadcast %sign3A_34 : i32 to vector<16xi32>
    %sign3A_36 = arith.cmpi sgt, %add3A_30, %sign3A_35 : vector<16xi32>
    %sign3A_37 = arith.extui %sign3A_36 : vector<16xi1> to vector<16xi32>
    %sign3A_38 = arith.constant 0 : i32
    %sign3A_39 = vector.broadcast %sign3A_38 : i32 to vector<16xi32>
    %sign3A_40 = arith.cmpi slt, %add3A_30, %sign3A_39 : vector<16xi32>
    %sign3A_41 = arith.extui %sign3A_40 : vector<16xi1> to vector<16xi32>
    %sign3A_42 = arith.subi %sign3A_37, %sign3A_41 : vector<16xi32>
    %sign3A_43 = arith.constant 0 : i32
    %sign3A_44 = arith.cmpi sgt, %jit3A_31, %sign3A_43 : i32
    %sign3A_45 = arith.extui %sign3A_44 : i1 to i32
    %sign3A_46 = arith.constant 0 : i32
    %sign3A_47 = arith.cmpi slt, %jit3A_31, %sign3A_46 : i32
    %sign3A_48 = arith.extui %sign3A_47 : i1 to i32
    %sign3A_49 = arith.subi %sign3A_45, %sign3A_48 : i32
    %ne3A_50 = vector.broadcast %sign3A_49 : i32 to vector<16xi32>
    %ne3A_51 = arith.cmpi ne, %sign3A_42, %ne3A_50 : vector<16xi32>
    %rem3A_52 = vector.broadcast %jit3A_31 : i32 to vector<16xi32>
    %rem3A_53 = arith.remsi %add3A_30, %rem3A_52 : vector<16xi32>
    %ne3A_54 = arith.constant 0 : i32
    %ne3A_55 = vector.broadcast %ne3A_54 : i32 to vector<16xi32>
    %ne3A_56 = arith.cmpi ne, %rem3A_53, %ne3A_55 : vector<16xi32>
    %and3A_57 = arith.andi %ne3A_51, %ne3A_56 : vector<16xi1>
    %sub3A_58 = arith.constant 1 : i32
    %sub3A_59 = vector.broadcast %sub3A_58 : i32 to vector<16xi32>
    %sub3A_60 = arith.subi %div3A_33, %sub3A_59 : vector<16xi32>
    %select_n3A_61 = arith.select %and3A_57, %sub3A_60, %div3A_33 : vector<16xi1>, vector<16xi32>
    %add3A_62 = arith.constant 32 : i32
    %add3A_63 = vector.broadcast %add3A_62 : i32 to vector<16xi32>
    %add3A_64 = arith.addi %add3A_63, %iota3A : vector<16xi32>
    %jit3A_65 = arith.constant 8 : i32
    %div3A_66 = vector.broadcast %jit3A_65 : i32 to vector<16xi32>
    %div3A_67 = arith.divsi %add3A_64, %div3A_66 : vector<16xi32>
    %sign3A_68 = arith.constant 0 : i32
    %sign3A_69 = vector.broadcast %sign3A_68 : i32 to vector<16xi32>
    %sign3A_70 = arith.cmpi sgt, %add3A_64, %sign3A_69 : vector<16xi32>
    %sign3A_71 = arith.extui %sign3A_70 : vector<16xi1> to vector<16xi32>
    %sign3A_72 = arith.constant 0 : i32
    %sign3A_73 = vector.broadcast %sign3A_72 : i32 to vector<16xi32>
    %sign3A_74 = arith.cmpi slt, %add3A_64, %sign3A_73 : vector<16xi32>
    %sign3A_75 = arith.extui %sign3A_74 : vector<16xi1> to vector<16xi32>
    %sign3A_76 = arith.subi %sign3A_71, %sign3A_75 : vector<16xi32>
    %sign3A_77 = arith.constant 0 : i32
    %sign3A_78 = arith.cmpi sgt, %jit3A_65, %sign3A_77 : i32
    %sign3A_79 = arith.extui %sign3A_78 : i1 to i32
    %sign3A_80 = arith.constant 0 : i32
    %sign3A_81 = arith.cmpi slt, %jit3A_65, %sign3A_80 : i32
    %sign3A_82 = arith.extui %sign3A_81 : i1 to i32
    %sign3A_83 = arith.subi %sign3A_79, %sign3A_82 : i32
    %ne3A_84 = vector.broadcast %sign3A_83 : i32 to vector<16xi32>
    %ne3A_85 = arith.cmpi ne, %sign3A_76, %ne3A_84 : vector<16xi32>
    %rem3A_86 = vector.broadcast %jit3A_65 : i32 to vector<16xi32>
    %rem3A_87 = arith.remsi %add3A_64, %rem3A_86 : vector<16xi32>
    %ne3A_88 = arith.constant 0 : i32
    %ne3A_89 = vector.broadcast %ne3A_88 : i32 to vector<16xi32>
    %ne3A_90 = arith.cmpi ne, %rem3A_87, %ne3A_89 : vector<16xi32>
    %and3A_91 = arith.andi %ne3A_85, %ne3A_90 : vector<16xi1>
    %sub3A_92 = arith.constant 1 : i32
    %sub3A_93 = vector.broadcast %sub3A_92 : i32 to vector<16xi32>
    %sub3A_94 = arith.subi %div3A_67, %sub3A_93 : vector<16xi32>
    %select_n3A_95 = arith.select %and3A_91, %sub3A_94, %div3A_67 : vector<16xi1>, vector<16xi32>
    %add3A_96 = arith.constant 48 : i32
    %add3A_97 = vector.broadcast %add3A_96 : i32 to vector<16xi32>
    %add3A_98 = arith.addi %add3A_97, %iota3A : vector<16xi32>
    %jit3A_99 = arith.constant 8 : i32
    %div3A_100 = vector.broadcast %jit3A_99 : i32 to vector<16xi32>
    %div3A_101 = arith.divsi %add3A_98, %div3A_100 : vector<16xi32>
    %sign3A_102 = arith.constant 0 : i32
    %sign3A_103 = vector.broadcast %sign3A_102 : i32 to vector<16xi32>
    %sign3A_104 = arith.cmpi sgt, %add3A_98, %sign3A_103 : vector<16xi32>
    %sign3A_105 = arith.extui %sign3A_104 : vector<16xi1> to vector<16xi32>
    %sign3A_106 = arith.constant 0 : i32
    %sign3A_107 = vector.broadcast %sign3A_106 : i32 to vector<16xi32>
    %sign3A_108 = arith.cmpi slt, %add3A_98, %sign3A_107 : vector<16xi32>
    %sign3A_109 = arith.extui %sign3A_108 : vector<16xi1> to vector<16xi32>
    %sign3A_110 = arith.subi %sign3A_105, %sign3A_109 : vector<16xi32>
    %sign3A_111 = arith.constant 0 : i32
    %sign3A_112 = arith.cmpi sgt, %jit3A_99, %sign3A_111 : i32
    %sign3A_113 = arith.extui %sign3A_112 : i1 to i32
    %sign3A_114 = arith.constant 0 : i32
    %sign3A_115 = arith.cmpi slt, %jit3A_99, %sign3A_114 : i32
    %sign3A_116 = arith.extui %sign3A_115 : i1 to i32
    %sign3A_117 = arith.subi %sign3A_113, %sign3A_116 : i32
    %ne3A_118 = vector.broadcast %sign3A_117 : i32 to vector<16xi32>
    %ne3A_119 = arith.cmpi ne, %sign3A_110, %ne3A_118 : vector<16xi32>
    %rem3A_120 = vector.broadcast %jit3A_99 : i32 to vector<16xi32>
    %rem3A_121 = arith.remsi %add3A_98, %rem3A_120 : vector<16xi32>
    %ne3A_122 = arith.constant 0 : i32
    %ne3A_123 = vector.broadcast %ne3A_122 : i32 to vector<16xi32>
    %ne3A_124 = arith.cmpi ne, %rem3A_121, %ne3A_123 : vector<16xi32>
    %and3A_125 = arith.andi %ne3A_119, %ne3A_124 : vector<16xi1>
    %sub3A_126 = arith.constant 1 : i32
    %sub3A_127 = vector.broadcast %sub3A_126 : i32 to vector<16xi32>
    %sub3A_128 = arith.subi %div3A_101, %sub3A_127 : vector<16xi32>
    %select_n3A_129 = arith.select %and3A_125, %sub3A_128, %div3A_101 : vector<16xi1>, vector<16xi32>
    %add3A_130 = arith.constant 0 : i32
    %add3A_131 = vector.broadcast %add3A_130 : i32 to vector<16xi32>
    %add3A_132 = arith.addi %add3A_131, %iota3A : vector<16xi32>
    %jit3A_133 = arith.constant 8 : i32
    %eq3A = arith.constant 0 : i32
    %eq3A_134 = arith.cmpi eq, %jit3A_133, %eq3A : i32
    %jit3A_135 = arith.constant 1 : i32
    %select_n3A_136 = arith.select %eq3A_134, %jit3A_135, %jit3A_133 : i32
    %rem3A_137 = vector.broadcast %select_n3A_136 : i32 to vector<16xi32>
    %rem3A_138 = arith.remsi %add3A_132, %rem3A_137 : vector<16xi32>
    %ne3A_139 = arith.constant 0 : i32
    %ne3A_140 = vector.broadcast %ne3A_139 : i32 to vector<16xi32>
    %ne3A_141 = arith.cmpi ne, %rem3A_138, %ne3A_140 : vector<16xi32>
    %lt3A = arith.constant 0 : i32
    %lt3A_142 = vector.broadcast %lt3A : i32 to vector<16xi32>
    %lt3A_143 = arith.cmpi slt, %rem3A_138, %lt3A_142 : vector<16xi32>
    %lt3A_144 = arith.constant 0 : i32
    %lt3A_145 = arith.cmpi slt, %select_n3A_136, %lt3A_144 : i32
    %ne3A_146 = vector.broadcast %lt3A_145 : i1 to vector<16xi1>
    %ne3A_147 = vector.broadcast %ne3A_146 : vector<16xi1> to vector<16xi1>
    %ne3A_148 = arith.xori %lt3A_143, %ne3A_147 : vector<16xi1>
    %and3A_149 = arith.andi %ne3A_148, %ne3A_141 : vector<16xi1>
    %add3A_150 = vector.broadcast %select_n3A_136 : i32 to vector<16xi32>
    %add3A_151 = arith.addi %rem3A_138, %add3A_150 : vector<16xi32>
    %select_n3A_152 = arith.select %and3A_149, %add3A_151, %rem3A_138 : vector<16xi1>, vector<16xi32>
    %add3A_153 = arith.constant 16 : i32
    %add3A_154 = vector.broadcast %add3A_153 : i32 to vector<16xi32>
    %add3A_155 = arith.addi %add3A_154, %iota3A : vector<16xi32>
    %jit3A_156 = arith.constant 8 : i32
    %eq3A_157 = arith.constant 0 : i32
    %eq3A_158 = arith.cmpi eq, %jit3A_156, %eq3A_157 : i32
    %jit3A_159 = arith.constant 1 : i32
    %select_n3A_160 = arith.select %eq3A_158, %jit3A_159, %jit3A_156 : i32
    %rem3A_161 = vector.broadcast %select_n3A_160 : i32 to vector<16xi32>
    %rem3A_162 = arith.remsi %add3A_155, %rem3A_161 : vector<16xi32>
    %ne3A_163 = arith.constant 0 : i32
    %ne3A_164 = vector.broadcast %ne3A_163 : i32 to vector<16xi32>
    %ne3A_165 = arith.cmpi ne, %rem3A_162, %ne3A_164 : vector<16xi32>
    %lt3A_166 = arith.constant 0 : i32
    %lt3A_167 = vector.broadcast %lt3A_166 : i32 to vector<16xi32>
    %lt3A_168 = arith.cmpi slt, %rem3A_162, %lt3A_167 : vector<16xi32>
    %lt3A_169 = arith.constant 0 : i32
    %lt3A_170 = arith.cmpi slt, %select_n3A_160, %lt3A_169 : i32
    %ne3A_171 = vector.broadcast %lt3A_170 : i1 to vector<16xi1>
    %ne3A_172 = vector.broadcast %ne3A_171 : vector<16xi1> to vector<16xi1>
    %ne3A_173 = arith.xori %lt3A_168, %ne3A_172 : vector<16xi1>
    %and3A_174 = arith.andi %ne3A_173, %ne3A_165 : vector<16xi1>
    %add3A_175 = vector.broadcast %select_n3A_160 : i32 to vector<16xi32>
    %add3A_176 = arith.addi %rem3A_162, %add3A_175 : vector<16xi32>
    %select_n3A_177 = arith.select %and3A_174, %add3A_176, %rem3A_162 : vector<16xi1>, vector<16xi32>
    %add3A_178 = arith.constant 32 : i32
    %add3A_179 = vector.broadcast %add3A_178 : i32 to vector<16xi32>
    %add3A_180 = arith.addi %add3A_179, %iota3A : vector<16xi32>
    %jit3A_181 = arith.constant 8 : i32
    %eq3A_182 = arith.constant 0 : i32
    %eq3A_183 = arith.cmpi eq, %jit3A_181, %eq3A_182 : i32
    %jit3A_184 = arith.constant 1 : i32
    %select_n3A_185 = arith.select %eq3A_183, %jit3A_184, %jit3A_181 : i32
    %rem3A_186 = vector.broadcast %select_n3A_185 : i32 to vector<16xi32>
    %rem3A_187 = arith.remsi %add3A_180, %rem3A_186 : vector<16xi32>
    %ne3A_188 = arith.constant 0 : i32
    %ne3A_189 = vector.broadcast %ne3A_188 : i32 to vector<16xi32>
    %ne3A_190 = arith.cmpi ne, %rem3A_187, %ne3A_189 : vector<16xi32>
    %lt3A_191 = arith.constant 0 : i32
    %lt3A_192 = vector.broadcast %lt3A_191 : i32 to vector<16xi32>
    %lt3A_193 = arith.cmpi slt, %rem3A_187, %lt3A_192 : vector<16xi32>
    %lt3A_194 = arith.constant 0 : i32
    %lt3A_195 = arith.cmpi slt, %select_n3A_185, %lt3A_194 : i32
    %ne3A_196 = vector.broadcast %lt3A_195 : i1 to vector<16xi1>
    %ne3A_197 = vector.broadcast %ne3A_196 : vector<16xi1> to vector<16xi1>
    %ne3A_198 = arith.xori %lt3A_193, %ne3A_197 : vector<16xi1>
    %and3A_199 = arith.andi %ne3A_198, %ne3A_190 : vector<16xi1>
    %add3A_200 = vector.broadcast %select_n3A_185 : i32 to vector<16xi32>
    %add3A_201 = arith.addi %rem3A_187, %add3A_200 : vector<16xi32>
    %select_n3A_202 = arith.select %and3A_199, %add3A_201, %rem3A_187 : vector<16xi1>, vector<16xi32>
    %add3A_203 = arith.constant 48 : i32
    %add3A_204 = vector.broadcast %add3A_203 : i32 to vector<16xi32>
    %add3A_205 = arith.addi %add3A_204, %iota3A : vector<16xi32>
    %jit3A_206 = arith.constant 8 : i32
    %eq3A_207 = arith.constant 0 : i32
    %eq3A_208 = arith.cmpi eq, %jit3A_206, %eq3A_207 : i32
    %jit3A_209 = arith.constant 1 : i32
    %select_n3A_210 = arith.select %eq3A_208, %jit3A_209, %jit3A_206 : i32
    %rem3A_211 = vector.broadcast %select_n3A_210 : i32 to vector<16xi32>
    %rem3A_212 = arith.remsi %add3A_205, %rem3A_211 : vector<16xi32>
    %ne3A_213 = arith.constant 0 : i32
    %ne3A_214 = vector.broadcast %ne3A_213 : i32 to vector<16xi32>
    %ne3A_215 = arith.cmpi ne, %rem3A_212, %ne3A_214 : vector<16xi32>
    %lt3A_216 = arith.constant 0 : i32
    %lt3A_217 = vector.broadcast %lt3A_216 : i32 to vector<16xi32>
    %lt3A_218 = arith.cmpi slt, %rem3A_212, %lt3A_217 : vector<16xi32>
    %lt3A_219 = arith.constant 0 : i32
    %lt3A_220 = arith.cmpi slt, %select_n3A_210, %lt3A_219 : i32
    %ne3A_221 = vector.broadcast %lt3A_220 : i1 to vector<16xi1>
    %ne3A_222 = vector.broadcast %ne3A_221 : vector<16xi1> to vector<16xi1>
    %ne3A_223 = arith.xori %lt3A_218, %ne3A_222 : vector<16xi1>
    %and3A_224 = arith.andi %ne3A_223, %ne3A_215 : vector<16xi1>
    %add3A_225 = vector.broadcast %select_n3A_210 : i32 to vector<16xi32>
    %add3A_226 = arith.addi %rem3A_212, %add3A_225 : vector<16xi32>
    %select_n3A_227 = arith.select %and3A_224, %add3A_226, %rem3A_212 : vector<16xi1>, vector<16xi32>
    "tpu.region"() ({
      %run_scoped3A = tpu.sem_alloc : memref<!tpu.dma_semaphore, #tpu.memory_space<semaphore_mem>>
      %dma_start3A_284 = arith.constant 0 : i32
      %dma_start3A_285 = arith.constant 0 : i32
      %dma_start3A_286 = tpu.memref_slice %arg2[%add3A, %dma_start3A_284, %dma_start3A_285] : memref<32x200x128xi32, #tpu.memory_space<hbm>> -> memref<1x1x128xi32, #tpu.memory_space<hbm>>
      %dma_start3A_287 = tpu.memref_squeeze %dma_start3A_286 : memref<1x1x128xi32, #tpu.memory_space<hbm>> -> memref<1x128xi32, #tpu.memory_space<hbm>>
      %dma_start3A_288 = arith.constant 0 : i32
      %dma_start3A_289 = arith.constant 0 : i32
      %dma_start3A_290 = tpu.memref_slice %arg2[%add3A, %dma_start3A_288, %dma_start3A_289] : memref<32x200x128xi32, #tpu.memory_space<hbm>> -> memref<1x1x128xi32, #tpu.memory_space<hbm>>
      %dma_start3A_291 = tpu.memref_squeeze %dma_start3A_290 : memref<1x1x128xi32, #tpu.memory_space<hbm>> -> memref<1x128xi32, #tpu.memory_space<hbm>>
      tpu.enqueue_dma source(%dma_start3A_291 : memref<1x128xi32, #tpu.memory_space<hbm>>) target(%arg6 : memref<1x128xi32, #tpu.memory_space<vmem>>) target_semaphore(%run_scoped3A : memref<!tpu.dma_semaphore, #tpu.memory_space<semaphore_mem>>)
      %dma_wait3A_292 = arith.constant 0 : i32
      %dma_wait3A_293 = arith.constant 0 : i32
      %dma_wait3A_294 = tpu.memref_slice %arg2[%add3A, %dma_wait3A_292, %dma_wait3A_293] : memref<32x200x128xi32, #tpu.memory_space<hbm>> -> memref<1x1x128xi32, #tpu.memory_space<hbm>>
      %dma_wait3A_295 = tpu.memref_squeeze %dma_wait3A_294 : memref<1x1x128xi32, #tpu.memory_space<hbm>> -> memref<1x128xi32, #tpu.memory_space<hbm>>
      %dma_wait3A_296 = arith.constant 0 : i32
      %dma_wait3A_297 = arith.constant 0 : i32
      %dma_wait3A_298 = tpu.memref_slice %arg2[%add3A, %dma_wait3A_296, %dma_wait3A_297] : memref<32x200x128xi32, #tpu.memory_space<hbm>> -> memref<1x1x128xi32, #tpu.memory_space<hbm>>
      %dma_wait3A_299 = tpu.memref_squeeze %dma_wait3A_298 : memref<1x1x128xi32, #tpu.memory_space<hbm>> -> memref<1x128xi32, #tpu.memory_space<hbm>>
      tpu.wait_dma2 semaphore(%run_scoped3A : memref<!tpu.dma_semaphore, #tpu.memory_space<semaphore_mem>>) src(%dma_wait3A_299 : memref<1x128xi32, #tpu.memory_space<hbm>>) dst(%arg6 : memref<1x128xi32, #tpu.memory_space<vmem>>)
      tpu.yield
    }) : () -> ()
    "tpu.region"() ({
      %run_scoped3A = tpu.sem_alloc : memref<!tpu.dma_semaphore, #tpu.memory_space<semaphore_mem>>
      %dma_start3A_284 = arith.constant 0 : i32
      %dma_start3A_285 = arith.constant 0 : i32
      %dma_start3A_286 = tpu.memref_slice %arg4[%dma_start3A_284, %dma_start3A_285] : memref<200x128xf32, #tpu.memory_space<hbm>> -> memref<1x128xf32, #tpu.memory_space<hbm>>
      %dma_start3A_287 = arith.constant 0 : i32
      %dma_start3A_288 = arith.constant 0 : i32
      %dma_start3A_289 = tpu.memref_slice %arg4[%dma_start3A_287, %dma_start3A_288] : memref<200x128xf32, #tpu.memory_space<hbm>> -> memref<1x128xf32, #tpu.memory_space<hbm>>
      tpu.enqueue_dma source(%dma_start3A_289 : memref<1x128xf32, #tpu.memory_space<hbm>>) target(%arg8 : memref<1x128xf32, #tpu.memory_space<vmem>>) target_semaphore(%run_scoped3A : memref<!tpu.dma_semaphore, #tpu.memory_space<semaphore_mem>>)
      %dma_wait3A_290 = arith.constant 0 : i32
      %dma_wait3A_291 = arith.constant 0 : i32
      %dma_wait3A_292 = tpu.memref_slice %arg4[%dma_wait3A_290, %dma_wait3A_291] : memref<200x128xf32, #tpu.memory_space<hbm>> -> memref<1x128xf32, #tpu.memory_space<hbm>>
      %dma_wait3A_293 = arith.constant 0 : i32
      %dma_wait3A_294 = arith.constant 0 : i32
      %dma_wait3A_295 = tpu.memref_slice %arg4[%dma_wait3A_293, %dma_wait3A_294] : memref<200x128xf32, #tpu.memory_space<hbm>> -> memref<1x128xf32, #tpu.memory_space<hbm>>
      tpu.wait_dma2 semaphore(%run_scoped3A : memref<!tpu.dma_semaphore, #tpu.memory_space<semaphore_mem>>) src(%dma_wait3A_295 : memref<1x128xf32, #tpu.memory_space<hbm>>) dst(%arg8 : memref<1x128xf32, #tpu.memory_space<vmem>>)
      tpu.yield
    }) : () -> ()
    %dma_start3A = arith.constant 0 : i32
    %dma_start3A_228 = arith.constant 0 : i32
    %dma_start3A_229 = arith.constant 0 : i32
    %dma_start3A_230 = arith.constant 0 : i32
    %dma_start3A_231 = tpu.memref_slice %arg10[%dma_start3A_228, %dma_start3A_229, %dma_start3A_230] : memref<1x128x128xf32, #tpu.memory_space<vmem>> -> memref<1x128x128xf32, #tpu.memory_space<vmem>>
    %dma_start3A_232 = tpu.memref_squeeze %dma_start3A_231 : memref<1x128x128xf32, #tpu.memory_space<vmem>> -> memref<128x128xf32, #tpu.memory_space<vmem>>
    %dma_start3A_233 = arith.constant 0 : i32
    %dma_start3A_234 = tpu.memref_slice %arg6[%dma_start3A, %dma_start3A_233] : memref<1x128xi32, #tpu.memory_space<vmem>> -> memref<1x128xi32, #tpu.memory_space<vmem>>
    %dma_start3A_235 = tpu.memref_squeeze %dma_start3A_234 : memref<1x128xi32, #tpu.memory_space<vmem>> -> memref<128xi32, #tpu.memory_space<vmem>>
    %dma_start3A_236 = arith.constant 0 : i32
    %dma_start3A_237 = arith.constant 0 : i32
    %dma_start3A_238 = tpu.memref_slice %arg3[%dma_start3A_236, %dma_start3A_237] : memref<1000000x128xf32, #tpu.memory_space<hbm>> -> memref<1000000x128xf32, #tpu.memory_space<hbm>>
    tpu.enqueue_indirect_dma source(%dma_start3A_238 : memref<1000000x128xf32, #tpu.memory_space<hbm>>) target(%dma_start3A_232 : memref<128x128xf32, #tpu.memory_space<vmem>>) offsets(%dma_start3A_235 : memref<128xi32, #tpu.memory_space<vmem>>) semaphore(%arg14 : memref<!tpu.dma_semaphore, #tpu.memory_space<semaphore_mem>>)
    %scan3A = arith.constant 0 : i32
    %scan3A_239 = arith.constant 100 : i32
    %scan3A_240 = arith.addi %scan3A, %scan3A_239 : i32
    %scan3A_241 = arith.constant 1 : i32
    scf.for %scan3A_284 = %scan3A to %scan3A_240 step %scan3A_241  : i32 {
      %mul3A_285 = arith.constant 1 : i32
      %mul3A_286 = arith.muli %scan3A_284, %mul3A_285 : i32
      %add3A_287 = arith.constant 0 : i32
      %add3A_288 = arith.addi %add3A_287, %mul3A_286 : i32
      %mul3A_289 = arith.constant 2 : i32
      %mul3A_290 = arith.muli %add3A_288, %mul3A_289 : i32
      %add3A_291 = arith.constant 0 : i32
      %add3A_292 = arith.addi %mul3A_290, %add3A_291 : i32
      %lt3A_293 = arith.constant 199 : i32
      %lt3A_294 = arith.cmpi slt, %add3A_292, %lt3A_293 : i32
      %convert_element_type3A = arith.extui %lt3A_294 : i1 to i32
      %cond3A = arith.constant 0 : i32
      %cond3A_295 = arith.cmpi ne, %convert_element_type3A, %cond3A : i32
      scf.if %cond3A_295 {
        %add3A_388 = arith.constant 1 : i32
        %add3A_389 = arith.addi %add3A_292, %add3A_388 : i32
        "tpu.region"() ({
          %run_scoped3A = tpu.sem_alloc : memref<!tpu.dma_semaphore, #tpu.memory_space<semaphore_mem>>
          %dma_start3A_402 = arith.constant 0 : i32
          %dma_start3A_403 = tpu.memref_slice %arg2[%add3A, %add3A_389, %dma_start3A_402] : memref<32x200x128xi32, #tpu.memory_space<hbm>> -> memref<1x1x128xi32, #tpu.memory_space<hbm>>
          %dma_start3A_404 = tpu.memref_squeeze %dma_start3A_403 : memref<1x1x128xi32, #tpu.memory_space<hbm>> -> memref<1x128xi32, #tpu.memory_space<hbm>>
          %dma_start3A_405 = arith.constant 0 : i32
          %dma_start3A_406 = tpu.memref_slice %arg2[%add3A, %add3A_389, %dma_start3A_405] : memref<32x200x128xi32, #tpu.memory_space<hbm>> -> memref<1x1x128xi32, #tpu.memory_space<hbm>>
          %dma_start3A_407 = tpu.memref_squeeze %dma_start3A_406 : memref<1x1x128xi32, #tpu.memory_space<hbm>> -> memref<1x128xi32, #tpu.memory_space<hbm>>
          tpu.enqueue_dma source(%dma_start3A_407 : memref<1x128xi32, #tpu.memory_space<hbm>>) target(%arg7 : memref<1x128xi32, #tpu.memory_space<vmem>>) target_semaphore(%run_scoped3A : memref<!tpu.dma_semaphore, #tpu.memory_space<semaphore_mem>>)
          %dma_wait3A_408 = arith.constant 0 : i32
          %dma_wait3A_409 = tpu.memref_slice %arg2[%add3A, %add3A_389, %dma_wait3A_408] : memref<32x200x128xi32, #tpu.memory_space<hbm>> -> memref<1x1x128xi32, #tpu.memory_space<hbm>>
          %dma_wait3A_410 = tpu.memref_squeeze %dma_wait3A_409 : memref<1x1x128xi32, #tpu.memory_space<hbm>> -> memref<1x128xi32, #tpu.memory_space<hbm>>
          %dma_wait3A_411 = arith.constant 0 : i32
          %dma_wait3A_412 = tpu.memref_slice %arg2[%add3A, %add3A_389, %dma_wait3A_411] : memref<32x200x128xi32, #tpu.memory_space<hbm>> -> memref<1x1x128xi32, #tpu.memory_space<hbm>>
          %dma_wait3A_413 = tpu.memref_squeeze %dma_wait3A_412 : memref<1x1x128xi32, #tpu.memory_space<hbm>> -> memref<1x128xi32, #tpu.memory_space<hbm>>
          tpu.wait_dma2 semaphore(%run_scoped3A : memref<!tpu.dma_semaphore, #tpu.memory_space<semaphore_mem>>) src(%dma_wait3A_413 : memref<1x128xi32, #tpu.memory_space<hbm>>) dst(%arg7 : memref<1x128xi32, #tpu.memory_space<vmem>>)
          tpu.yield
        }) : () -> ()
        "tpu.region"() ({
          %run_scoped3A = tpu.sem_alloc : memref<!tpu.dma_semaphore, #tpu.memory_space<semaphore_mem>>
          %dma_start3A_402 = arith.constant 0 : i32
          %dma_start3A_403 = tpu.memref_slice %arg4[%add3A_389, %dma_start3A_402] : memref<200x128xf32, #tpu.memory_space<hbm>> -> memref<1x128xf32, #tpu.memory_space<hbm>>
          %dma_start3A_404 = arith.constant 0 : i32
          %dma_start3A_405 = tpu.memref_slice %arg4[%add3A_389, %dma_start3A_404] : memref<200x128xf32, #tpu.memory_space<hbm>> -> memref<1x128xf32, #tpu.memory_space<hbm>>
          tpu.enqueue_dma source(%dma_start3A_405 : memref<1x128xf32, #tpu.memory_space<hbm>>) target(%arg9 : memref<1x128xf32, #tpu.memory_space<vmem>>) target_semaphore(%run_scoped3A : memref<!tpu.dma_semaphore, #tpu.memory_space<semaphore_mem>>)
          %dma_wait3A_406 = arith.constant 0 : i32
          %dma_wait3A_407 = tpu.memref_slice %arg4[%add3A_389, %dma_wait3A_406] : memref<200x128xf32, #tpu.memory_space<hbm>> -> memref<1x128xf32, #tpu.memory_space<hbm>>
          %dma_wait3A_408 = arith.constant 0 : i32
          %dma_wait3A_409 = tpu.memref_slice %arg4[%add3A_389, %dma_wait3A_408] : memref<200x128xf32, #tpu.memory_space<hbm>> -> memref<1x128xf32, #tpu.memory_space<hbm>>
          tpu.wait_dma2 semaphore(%run_scoped3A : memref<!tpu.dma_semaphore, #tpu.memory_space<semaphore_mem>>) src(%dma_wait3A_409 : memref<1x128xf32, #tpu.memory_space<hbm>>) dst(%arg9 : memref<1x128xf32, #tpu.memory_space<vmem>>)
          tpu.yield
        }) : () -> ()
        %dma_start3A_390 = arith.constant 0 : i32
        %dma_start3A_391 = arith.constant 0 : i32
        %dma_start3A_392 = arith.constant 0 : i32
        %dma_start3A_393 = arith.constant 0 : i32
        %dma_start3A_394 = tpu.memref_slice %arg11[%dma_start3A_391, %dma_start3A_392, %dma_start3A_393] : memref<1x128x128xf32, #tpu.memory_space<vmem>> -> memref<1x128x128xf32, #tpu.memory_space<vmem>>
        %dma_start3A_395 = tpu.memref_squeeze %dma_start3A_394 : memref<1x128x128xf32, #tpu.memory_space<vmem>> -> memref<128x128xf32, #tpu.memory_space<vmem>>
        %dma_start3A_396 = arith.constant 0 : i32
        %dma_start3A_397 = tpu.memref_slice %arg7[%dma_start3A_390, %dma_start3A_396] : memref<1x128xi32, #tpu.memory_space<vmem>> -> memref<1x128xi32, #tpu.memory_space<vmem>>
        %dma_start3A_398 = tpu.memref_squeeze %dma_start3A_397 : memref<1x128xi32, #tpu.memory_space<vmem>> -> memref<128xi32, #tpu.memory_space<vmem>>
        %dma_start3A_399 = arith.constant 0 : i32
        %dma_start3A_400 = arith.constant 0 : i32
        %dma_start3A_401 = tpu.memref_slice %arg3[%dma_start3A_399, %dma_start3A_400] : memref<1000000x128xf32, #tpu.memory_space<hbm>> -> memref<1000000x128xf32, #tpu.memory_space<hbm>>
        tpu.enqueue_indirect_dma source(%dma_start3A_401 : memref<1000000x128xf32, #tpu.memory_space<hbm>>) target(%dma_start3A_395 : memref<128x128xf32, #tpu.memory_space<vmem>>) offsets(%dma_start3A_398 : memref<128xi32, #tpu.memory_space<vmem>>) semaphore(%arg15 : memref<!tpu.dma_semaphore, #tpu.memory_space<semaphore_mem>>)
      } else {
      }
      %dma_wait3A_296 = arith.constant 0 : i32
      %dma_wait3A_297 = arith.constant 0 : i32
      %dma_wait3A_298 = arith.constant 0 : i32
      %dma_wait3A_299 = arith.constant 0 : i32
      %dma_wait3A_300 = tpu.memref_slice %arg10[%dma_wait3A_297, %dma_wait3A_298, %dma_wait3A_299] : memref<1x128x128xf32, #tpu.memory_space<vmem>> -> memref<1x128x128xf32, #tpu.memory_space<vmem>>
      %dma_wait3A_301 = tpu.memref_squeeze %dma_wait3A_300 : memref<1x128x128xf32, #tpu.memory_space<vmem>> -> memref<128x128xf32, #tpu.memory_space<vmem>>
      %dma_wait3A_302 = arith.constant 0 : i32
      %dma_wait3A_303 = tpu.memref_slice %arg6[%dma_wait3A_296, %dma_wait3A_302] : memref<1x128xi32, #tpu.memory_space<vmem>> -> memref<1x128xi32, #tpu.memory_space<vmem>>
      %dma_wait3A_304 = tpu.memref_squeeze %dma_wait3A_303 : memref<1x128xi32, #tpu.memory_space<vmem>> -> memref<128xi32, #tpu.memory_space<vmem>>
      %dma_wait3A_305 = arith.constant 0 : i32
      %dma_wait3A_306 = arith.constant 0 : i32
      %dma_wait3A_307 = tpu.memref_slice %arg3[%dma_wait3A_305, %dma_wait3A_306] : memref<1000000x128xf32, #tpu.memory_space<hbm>> -> memref<1000000x128xf32, #tpu.memory_space<hbm>>
      tpu.wait_indirect_dma semaphore(%arg14 : memref<!tpu.dma_semaphore, #tpu.memory_space<semaphore_mem>>) src(%dma_wait3A_307 : memref<1000000x128xf32, #tpu.memory_space<hbm>>) dst(%dma_wait3A_301 : memref<128x128xf32, #tpu.memory_space<vmem>>)
      %ge3A = arith.constant 2 : i32
      %ge3A_308 = arith.cmpi sge, %add3A_292, %ge3A : i32
      %convert_element_type3A_309 = arith.extui %ge3A_308 : i1 to i32
      %cond3A_310 = arith.constant 0 : i32
      %cond3A_311 = arith.cmpi ne, %convert_element_type3A_309, %cond3A_310 : i32
      scf.if %cond3A_311 {
        %sub3A_388 = arith.constant 2 : i32
        %sub3A_389 = arith.subi %add3A_292, %sub3A_388 : i32
        %dma_wait3A_390 = arith.constant 0 : i32
        %dma_wait3A_391 = arith.constant 0 : i32
        %dma_wait3A_392 = arith.constant 0 : i32
        %dma_wait3A_393 = arith.constant 0 : i32
        %dma_wait3A_394 = tpu.memref_slice %arg12[%dma_wait3A_390, %dma_wait3A_391, %dma_wait3A_392, %dma_wait3A_393] : memref<8x1x8x129xf32, #tpu.memory_space<vmem>> -> memref<8x1x8x128xf32, #tpu.memory_space<vmem>>
        %dma_wait3A_395 = arith.constant 0 : i32
        %dma_wait3A_396 = arith.constant 0 : i32
        %dma_wait3A_397 = arith.constant 0 : i32
        %dma_wait3A_398 = tpu.memref_slice %arg5[%sub3A_389, %dma_wait3A_395, %add3A, %dma_wait3A_396, %dma_wait3A_397] : memref<200x8x32x8x128xf32, #tpu.memory_space<hbm>> -> memref<1x8x1x8x128xf32, #tpu.memory_space<hbm>>
        %dma_wait3A_399 = tpu.memref_squeeze %dma_wait3A_398 : memref<1x8x1x8x128xf32, #tpu.memory_space<hbm>> -> memref<8x1x8x128xf32, #tpu.memory_space<hbm>>
        %dma_wait3A_400 = arith.constant 0 : i32
        %dma_wait3A_401 = arith.constant 0 : i32
        %dma_wait3A_402 = arith.constant 0 : i32
        %dma_wait3A_403 = tpu.memref_slice %arg5[%sub3A_389, %dma_wait3A_400, %add3A, %dma_wait3A_401, %dma_wait3A_402] : memref<200x8x32x8x128xf32, #tpu.memory_space<hbm>> -> memref<1x8x1x8x128xf32, #tpu.memory_space<hbm>>
        %dma_wait3A_404 = tpu.memref_squeeze %dma_wait3A_403 : memref<1x8x1x8x128xf32, #tpu.memory_space<hbm>> -> memref<8x1x8x128xf32, #tpu.memory_space<hbm>>
        %dma_wait3A_405 = arith.constant 0 : i32
        %dma_wait3A_406 = arith.constant 0 : i32
        %dma_wait3A_407 = arith.constant 0 : i32
        %dma_wait3A_408 = arith.constant 0 : i32
        %dma_wait3A_409 = tpu.memref_slice %arg12[%dma_wait3A_405, %dma_wait3A_406, %dma_wait3A_407, %dma_wait3A_408] : memref<8x1x8x129xf32, #tpu.memory_space<vmem>> -> memref<8x1x8x128xf32, #tpu.memory_space<vmem>>
        tpu.wait_dma2 semaphore(%arg16 : memref<!tpu.dma_semaphore, #tpu.memory_space<semaphore_mem>>) src(%dma_wait3A_409 : memref<8x1x8x128xf32, #tpu.memory_space<vmem>>) dst(%dma_wait3A_404 : memref<8x1x8x128xf32, #tpu.memory_space<hbm>>)
      } else {
      }
      %scan3A_312 = arith.constant 0 : i32
      %scan3A_313 = arith.constant 8 : i32
      %scan3A_314 = arith.addi %scan3A_312, %scan3A_313 : i32
      %scan3A_315 = arith.constant 1 : i32
      scf.for %scan3A_388 = %scan3A_312 to %scan3A_314 step %scan3A_315  : i32 {
        %mul3A_389 = arith.constant 1 : i32
        %mul3A_390 = arith.muli %scan3A_388, %mul3A_389 : i32
        %add3A_391 = arith.constant 0 : i32
        %add3A_392 = arith.addi %add3A_391, %mul3A_390 : i32
        %mul3A_393 = arith.constant 16 : i32
        %mul3A_394 = arith.muli %add3A_392, %mul3A_393 : i32
        %get3A = arith.constant 0 : i32
        %get3A_395 = arith.index_cast %get3A : i32 to index
        %get3A_396 = arith.constant 0 : index
        %get3A_397 = tpu.vector_load %arg8[%get3A_395, %get3A_396] {strides = array<i32>} : memref<1x128xf32, #tpu.memory_space<vmem>>, vector<16xf32>,
        %add3A_398 = arith.constant 0 : i32
        %add3A_399 = arith.addi %mul3A_394, %add3A_398 : i32
        %get3A_400 = arith.constant 0 : i32
        %get3A_401 = arith.index_cast %get3A_400 : i32 to index
        %get3A_402 = arith.index_cast %add3A_399 : i32 to index
        %get3A_403 = arith.constant 0 : index
        %get3A_404 = tpu.vector_load %arg10[%get3A_401, %get3A_402, %get3A_403] {strides = array<i32>} : memref<1x128x128xf32, #tpu.memory_space<vmem>>, vector<16xf32>,
        %add3A_405 = arith.constant 1 : i32
        %add3A_406 = arith.addi %mul3A_394, %add3A_405 : i32
        %get3A_407 = arith.constant 0 : i32
        %get3A_408 = arith.index_cast %get3A_407 : i32 to index
        %get3A_409 = arith.index_cast %add3A_406 : i32 to index
        %get3A_410 = arith.constant 0 : index
        %get3A_411 = tpu.vector_load %arg10[%get3A_408, %get3A_409, %get3A_410] {strides = array<i32>} : memref<1x128x128xf32, #tpu.memory_space<vmem>>, vector<16xf32>,
        %add3A_412 = arith.constant 2 : i32
        %add3A_413 = arith.addi %mul3A_394, %add3A_412 : i32
        %get3A_414 = arith.constant 0 : i32
        %get3A_415 = arith.index_cast %get3A_414 : i32 to index
        %get3A_416 = arith.index_cast %add3A_413 : i32 to index
        %get3A_417 = arith.constant 0 : index
        %get3A_418 = tpu.vector_load %arg10[%get3A_415, %get3A_416, %get3A_417] {strides = array<i32>} : memref<1x128x128xf32, #tpu.memory_space<vmem>>, vector<16xf32>,
        %add3A_419 = arith.constant 3 : i32
        %add3A_420 = arith.addi %mul3A_394, %add3A_419 : i32
        %get3A_421 = arith.constant 0 : i32
        %get3A_422 = arith.index_cast %get3A_421 : i32 to index
        %get3A_423 = arith.index_cast %add3A_420 : i32 to index
        %get3A_424 = arith.constant 0 : index
        %get3A_425 = tpu.vector_load %arg10[%get3A_422, %get3A_423, %get3A_424] {strides = array<i32>} : memref<1x128x128xf32, #tpu.memory_space<vmem>>, vector<16xf32>,
        %add3A_426 = arith.constant 4 : i32
        %add3A_427 = arith.addi %mul3A_394, %add3A_426 : i32
        %get3A_428 = arith.constant 0 : i32
        %get3A_429 = arith.index_cast %get3A_428 : i32 to index
        %get3A_430 = arith.index_cast %add3A_427 : i32 to index
        %get3A_431 = arith.constant 0 : index
        %get3A_432 = tpu.vector_load %arg10[%get3A_429, %get3A_430, %get3A_431] {strides = array<i32>} : memref<1x128x128xf32, #tpu.memory_space<vmem>>, vector<16xf32>,
        %add3A_433 = arith.constant 5 : i32
        %add3A_434 = arith.addi %mul3A_394, %add3A_433 : i32
        %get3A_435 = arith.constant 0 : i32
        %get3A_436 = arith.index_cast %get3A_435 : i32 to index
        %get3A_437 = arith.index_cast %add3A_434 : i32 to index
        %get3A_438 = arith.constant 0 : index
        %get3A_439 = tpu.vector_load %arg10[%get3A_436, %get3A_437, %get3A_438] {strides = array<i32>} : memref<1x128x128xf32, #tpu.memory_space<vmem>>, vector<16xf32>,
        %add3A_440 = arith.constant 6 : i32
        %add3A_441 = arith.addi %mul3A_394, %add3A_440 : i32
        %get3A_442 = arith.constant 0 : i32
        %get3A_443 = arith.index_cast %get3A_442 : i32 to index
        %get3A_444 = arith.index_cast %add3A_441 : i32 to index
        %get3A_445 = arith.constant 0 : index
        %get3A_446 = tpu.vector_load %arg10[%get3A_443, %get3A_444, %get3A_445] {strides = array<i32>} : memref<1x128x128xf32, #tpu.memory_space<vmem>>, vector<16xf32>,
        %add3A_447 = arith.constant 7 : i32
        %add3A_448 = arith.addi %mul3A_394, %add3A_447 : i32
        %get3A_449 = arith.constant 0 : i32
        %get3A_450 = arith.index_cast %get3A_449 : i32 to index
        %get3A_451 = arith.index_cast %add3A_448 : i32 to index
        %get3A_452 = arith.constant 0 : index
        %get3A_453 = tpu.vector_load %arg10[%get3A_450, %get3A_451, %get3A_452] {strides = array<i32>} : memref<1x128x128xf32, #tpu.memory_space<vmem>>, vector<16xf32>,
        %add3A_454 = arith.constant 8 : i32
        %add3A_455 = arith.addi %mul3A_394, %add3A_454 : i32
        %get3A_456 = arith.constant 0 : i32
        %get3A_457 = arith.index_cast %get3A_456 : i32 to index
        %get3A_458 = arith.index_cast %add3A_455 : i32 to index
        %get3A_459 = arith.constant 0 : index
        %get3A_460 = tpu.vector_load %arg10[%get3A_457, %get3A_458, %get3A_459] {strides = array<i32>} : memref<1x128x128xf32, #tpu.memory_space<vmem>>, vector<16xf32>,
        %add3A_461 = arith.constant 9 : i32
        %add3A_462 = arith.addi %mul3A_394, %add3A_461 : i32
        %get3A_463 = arith.constant 0 : i32
        %get3A_464 = arith.index_cast %get3A_463 : i32 to index
        %get3A_465 = arith.index_cast %add3A_462 : i32 to index
        %get3A_466 = arith.constant 0 : index
        %get3A_467 = tpu.vector_load %arg10[%get3A_464, %get3A_465, %get3A_466] {strides = array<i32>} : memref<1x128x128xf32, #tpu.memory_space<vmem>>, vector<16xf32>,
        %add3A_468 = arith.constant 10 : i32
        %add3A_469 = arith.addi %mul3A_394, %add3A_468 : i32
        %get3A_470 = arith.constant 0 : i32
        %get3A_471 = arith.index_cast %get3A_470 : i32 to index
        %get3A_472 = arith.index_cast %add3A_469 : i32 to index
        %get3A_473 = arith.constant 0 : index
        %get3A_474 = tpu.vector_load %arg10[%get3A_471, %get3A_472, %get3A_473] {strides = array<i32>} : memref<1x128x128xf32, #tpu.memory_space<vmem>>, vector<16xf32>,
        %add3A_475 = arith.constant 11 : i32
        %add3A_476 = arith.addi %mul3A_394, %add3A_475 : i32
        %get3A_477 = arith.constant 0 : i32
        %get3A_478 = arith.index_cast %get3A_477 : i32 to index
        %get3A_479 = arith.index_cast %add3A_476 : i32 to index
        %get3A_480 = arith.constant 0 : index
        %get3A_481 = tpu.vector_load %arg10[%get3A_478, %get3A_479, %get3A_480] {strides = array<i32>} : memref<1x128x128xf32, #tpu.memory_space<vmem>>, vector<16xf32>,
        %add3A_482 = arith.constant 12 : i32
        %add3A_483 = arith.addi %mul3A_394, %add3A_482 : i32
        %get3A_484 = arith.constant 0 : i32
        %get3A_485 = arith.index_cast %get3A_484 : i32 to index
        %get3A_486 = arith.index_cast %add3A_483 : i32 to index
        %get3A_487 = arith.constant 0 : index
        %get3A_488 = tpu.vector_load %arg10[%get3A_485, %get3A_486, %get3A_487] {strides = array<i32>} : memref<1x128x128xf32, #tpu.memory_space<vmem>>, vector<16xf32>,
        %add3A_489 = arith.constant 13 : i32
        %add3A_490 = arith.addi %mul3A_394, %add3A_489 : i32
        %get3A_491 = arith.constant 0 : i32
        %get3A_492 = arith.index_cast %get3A_491 : i32 to index
        %get3A_493 = arith.index_cast %add3A_490 : i32 to index
        %get3A_494 = arith.constant 0 : index
        %get3A_495 = tpu.vector_load %arg10[%get3A_492, %get3A_493, %get3A_494] {strides = array<i32>} : memref<1x128x128xf32, #tpu.memory_space<vmem>>, vector<16xf32>,
        %add3A_496 = arith.constant 14 : i32
        %add3A_497 = arith.addi %mul3A_394, %add3A_496 : i32
        %get3A_498 = arith.constant 0 : i32
        %get3A_499 = arith.index_cast %get3A_498 : i32 to index
        %get3A_500 = arith.index_cast %add3A_497 : i32 to index
        %get3A_501 = arith.constant 0 : index
        %get3A_502 = tpu.vector_load %arg10[%get3A_499, %get3A_500, %get3A_501] {strides = array<i32>} : memref<1x128x128xf32, #tpu.memory_space<vmem>>, vector<16xf32>,
        %add3A_503 = arith.constant 15 : i32
        %add3A_504 = arith.addi %mul3A_394, %add3A_503 : i32
        %get3A_505 = arith.constant 0 : i32
        %get3A_506 = arith.index_cast %get3A_505 : i32 to index
        %get3A_507 = arith.index_cast %add3A_504 : i32 to index
        %get3A_508 = arith.constant 0 : index
        %get3A_509 = tpu.vector_load %arg10[%get3A_506, %get3A_507, %get3A_508] {strides = array<i32>} : memref<1x128x128xf32, #tpu.memory_space<vmem>>, vector<16xf32>,
        %add3A_510 = arith.addf %get3A_404, %get3A_397 : vector<16xf32>
        %add3A_511 = arith.addf %get3A_411, %get3A_397 : vector<16xf32>
        %add3A_512 = arith.addf %get3A_418, %get3A_397 : vector<16xf32>
        %add3A_513 = arith.addf %get3A_425, %get3A_397 : vector<16xf32>
        %add3A_514 = arith.addf %get3A_432, %get3A_397 : vector<16xf32>
        %add3A_515 = arith.addf %get3A_439, %get3A_397 : vector<16xf32>
        %add3A_516 = arith.addf %get3A_446, %get3A_397 : vector<16xf32>
        %add3A_517 = arith.addf %get3A_453, %get3A_397 : vector<16xf32>
        %add3A_518 = arith.addf %get3A_460, %get3A_397 : vector<16xf32>
        %add3A_519 = arith.addf %get3A_467, %get3A_397 : vector<16xf32>
        %add3A_520 = arith.addf %get3A_474, %get3A_397 : vector<16xf32>
        %add3A_521 = arith.addf %get3A_481, %get3A_397 : vector<16xf32>
        %add3A_522 = arith.addf %get3A_488, %get3A_397 : vector<16xf32>
        %add3A_523 = arith.addf %get3A_495, %get3A_397 : vector<16xf32>
        %add3A_524 = arith.addf %get3A_502, %get3A_397 : vector<16xf32>
        %add3A_525 = arith.addf %get3A_509, %get3A_397 : vector<16xf32>
        %add3A_526 = arith.constant 0 : i32
        %add3A_527 = arith.addi %mul3A_394, %add3A_526 : i32
        %broadcast_in_dim3A_528 = vector.broadcast %add3A_527 : i32 to vector<16xi32>
        tpu.vector_store_idx %arg12[%select_n3A, %broadcast_in_dim3A_1, %select_n3A_152, %broadcast_in_dim3A_528], %add3A_510 : memref<8x1x8x129xf32, #tpu.memory_space<vmem>>[vector<16xi32>, vector<16xi32>, vector<16xi32>, vector<16xi32>], vector<16xf32>,
        %add3A_529 = arith.constant 1 : i32
        %add3A_530 = arith.addi %mul3A_394, %add3A_529 : i32
        %broadcast_in_dim3A_531 = vector.broadcast %add3A_530 : i32 to vector<16xi32>
        tpu.vector_store_idx %arg12[%select_n3A, %broadcast_in_dim3A_1, %select_n3A_152, %broadcast_in_dim3A_531], %add3A_511 : memref<8x1x8x129xf32, #tpu.memory_space<vmem>>[vector<16xi32>, vector<16xi32>, vector<16xi32>, vector<16xi32>], vector<16xf32>,
        %add3A_532 = arith.constant 2 : i32
        %add3A_533 = arith.addi %mul3A_394, %add3A_532 : i32
        %broadcast_in_dim3A_534 = vector.broadcast %add3A_533 : i32 to vector<16xi32>
        tpu.vector_store_idx %arg12[%select_n3A, %broadcast_in_dim3A_1, %select_n3A_152, %broadcast_in_dim3A_534], %add3A_512 : memref<8x1x8x129xf32, #tpu.memory_space<vmem>>[vector<16xi32>, vector<16xi32>, vector<16xi32>, vector<16xi32>], vector<16xf32>,
        %add3A_535 = arith.constant 3 : i32
        %add3A_536 = arith.addi %mul3A_394, %add3A_535 : i32
        %broadcast_in_dim3A_537 = vector.broadcast %add3A_536 : i32 to vector<16xi32>
        tpu.vector_store_idx %arg12[%select_n3A, %broadcast_in_dim3A_1, %select_n3A_152, %broadcast_in_dim3A_537], %add3A_513 : memref<8x1x8x129xf32, #tpu.memory_space<vmem>>[vector<16xi32>, vector<16xi32>, vector<16xi32>, vector<16xi32>], vector<16xf32>,
        %add3A_538 = arith.constant 4 : i32
        %add3A_539 = arith.addi %mul3A_394, %add3A_538 : i32
        %broadcast_in_dim3A_540 = vector.broadcast %add3A_539 : i32 to vector<16xi32>
        tpu.vector_store_idx %arg12[%select_n3A, %broadcast_in_dim3A_1, %select_n3A_152, %broadcast_in_dim3A_540], %add3A_514 : memref<8x1x8x129xf32, #tpu.memory_space<vmem>>[vector<16xi32>, vector<16xi32>, vector<16xi32>, vector<16xi32>], vector<16xf32>,
        %add3A_541 = arith.constant 5 : i32
        %add3A_542 = arith.addi %mul3A_394, %add3A_541 : i32
        %broadcast_in_dim3A_543 = vector.broadcast %add3A_542 : i32 to vector<16xi32>
        tpu.vector_store_idx %arg12[%select_n3A, %broadcast_in_dim3A_1, %select_n3A_152, %broadcast_in_dim3A_543], %add3A_515 : memref<8x1x8x129xf32, #tpu.memory_space<vmem>>[vector<16xi32>, vector<16xi32>, vector<16xi32>, vector<16xi32>], vector<16xf32>,
        %add3A_544 = arith.constant 6 : i32
        %add3A_545 = arith.addi %mul3A_394, %add3A_544 : i32
        %broadcast_in_dim3A_546 = vector.broadcast %add3A_545 : i32 to vector<16xi32>
        tpu.vector_store_idx %arg12[%select_n3A, %broadcast_in_dim3A_1, %select_n3A_152, %broadcast_in_dim3A_546], %add3A_516 : memref<8x1x8x129xf32, #tpu.memory_space<vmem>>[vector<16xi32>, vector<16xi32>, vector<16xi32>, vector<16xi32>], vector<16xf32>,
        %add3A_547 = arith.constant 7 : i32
        %add3A_548 = arith.addi %mul3A_394, %add3A_547 : i32
        %broadcast_in_dim3A_549 = vector.broadcast %add3A_548 : i32 to vector<16xi32>
        tpu.vector_store_idx %arg12[%select_n3A, %broadcast_in_dim3A_1, %select_n3A_152, %broadcast_in_dim3A_549], %add3A_517 : memref<8x1x8x129xf32, #tpu.memory_space<vmem>>[vector<16xi32>, vector<16xi32>, vector<16xi32>, vector<16xi32>], vector<16xf32>,
        %add3A_550 = arith.constant 8 : i32
        %add3A_551 = arith.addi %mul3A_394, %add3A_550 : i32
        %broadcast_in_dim3A_552 = vector.broadcast %add3A_551 : i32 to vector<16xi32>
        tpu.vector_store_idx %arg12[%select_n3A, %broadcast_in_dim3A_1, %select_n3A_152, %broadcast_in_dim3A_552], %add3A_518 : memref<8x1x8x129xf32, #tpu.memory_space<vmem>>[vector<16xi32>, vector<16xi32>, vector<16xi32>, vector<16xi32>], vector<16xf32>,
        %add3A_553 = arith.constant 9 : i32
        %add3A_554 = arith.addi %mul3A_394, %add3A_553 : i32
        %broadcast_in_dim3A_555 = vector.broadcast %add3A_554 : i32 to vector<16xi32>
        tpu.vector_store_idx %arg12[%select_n3A, %broadcast_in_dim3A_1, %select_n3A_152, %broadcast_in_dim3A_555], %add3A_519 : memref<8x1x8x129xf32, #tpu.memory_space<vmem>>[vector<16xi32>, vector<16xi32>, vector<16xi32>, vector<16xi32>], vector<16xf32>,
        %add3A_556 = arith.constant 10 : i32
        %add3A_557 = arith.addi %mul3A_394, %add3A_556 : i32
        %broadcast_in_dim3A_558 = vector.broadcast %add3A_557 : i32 to vector<16xi32>
        tpu.vector_store_idx %arg12[%select_n3A, %broadcast_in_dim3A_1, %select_n3A_152, %broadcast_in_dim3A_558], %add3A_520 : memref<8x1x8x129xf32, #tpu.memory_space<vmem>>[vector<16xi32>, vector<16xi32>, vector<16xi32>, vector<16xi32>], vector<16xf32>,
        %add3A_559 = arith.constant 11 : i32
        %add3A_560 = arith.addi %mul3A_394, %add3A_559 : i32
        %broadcast_in_dim3A_561 = vector.broadcast %add3A_560 : i32 to vector<16xi32>
        tpu.vector_store_idx %arg12[%select_n3A, %broadcast_in_dim3A_1, %select_n3A_152, %broadcast_in_dim3A_561], %add3A_521 : memref<8x1x8x129xf32, #tpu.memory_space<vmem>>[vector<16xi32>, vector<16xi32>, vector<16xi32>, vector<16xi32>], vector<16xf32>,
        %add3A_562 = arith.constant 12 : i32
        %add3A_563 = arith.addi %mul3A_394, %add3A_562 : i32
        %broadcast_in_dim3A_564 = vector.broadcast %add3A_563 : i32 to vector<16xi32>
        tpu.vector_store_idx %arg12[%select_n3A, %broadcast_in_dim3A_1, %select_n3A_152, %broadcast_in_dim3A_564], %add3A_522 : memref<8x1x8x129xf32, #tpu.memory_space<vmem>>[vector<16xi32>, vector<16xi32>, vector<16xi32>, vector<16xi32>], vector<16xf32>,
        %add3A_565 = arith.constant 13 : i32
        %add3A_566 = arith.addi %mul3A_394, %add3A_565 : i32
        %broadcast_in_dim3A_567 = vector.broadcast %add3A_566 : i32 to vector<16xi32>
        tpu.vector_store_idx %arg12[%select_n3A, %broadcast_in_dim3A_1, %select_n3A_152, %broadcast_in_dim3A_567], %add3A_523 : memref<8x1x8x129xf32, #tpu.memory_space<vmem>>[vector<16xi32>, vector<16xi32>, vector<16xi32>, vector<16xi32>], vector<16xf32>,
        %add3A_568 = arith.constant 14 : i32
        %add3A_569 = arith.addi %mul3A_394, %add3A_568 : i32
        %broadcast_in_dim3A_570 = vector.broadcast %add3A_569 : i32 to vector<16xi32>
        tpu.vector_store_idx %arg12[%select_n3A, %broadcast_in_dim3A_1, %select_n3A_152, %broadcast_in_dim3A_570], %add3A_524 : memref<8x1x8x129xf32, #tpu.memory_space<vmem>>[vector<16xi32>, vector<16xi32>, vector<16xi32>, vector<16xi32>], vector<16xf32>,
        %add3A_571 = arith.constant 15 : i32
        %add3A_572 = arith.addi %mul3A_394, %add3A_571 : i32
        %broadcast_in_dim3A_573 = vector.broadcast %add3A_572 : i32 to vector<16xi32>
        tpu.vector_store_idx %arg12[%select_n3A, %broadcast_in_dim3A_1, %select_n3A_152, %broadcast_in_dim3A_573], %add3A_525 : memref<8x1x8x129xf32, #tpu.memory_space<vmem>>[vector<16xi32>, vector<16xi32>, vector<16xi32>, vector<16xi32>], vector<16xf32>,
        %get3A_574 = arith.constant 0 : i32
        %get3A_575 = arith.index_cast %get3A_574 : i32 to index
        %get3A_576 = arith.constant 16 : index
        %get3A_577 = tpu.vector_load %arg8[%get3A_575, %get3A_576] {strides = array<i32>} : memref<1x128xf32, #tpu.memory_space<vmem>>, vector<16xf32>,
        %add3A_578 = arith.constant 0 : i32
        %add3A_579 = arith.addi %mul3A_394, %add3A_578 : i32
        %get3A_580 = arith.constant 0 : i32
        %get3A_581 = arith.index_cast %get3A_580 : i32 to index
        %get3A_582 = arith.index_cast %add3A_579 : i32 to index
        %get3A_583 = arith.constant 16 : index
        %get3A_584 = tpu.vector_load %arg10[%get3A_581, %get3A_582, %get3A_583] {strides = array<i32>} : memref<1x128x128xf32, #tpu.memory_space<vmem>>, vector<16xf32>,
        %add3A_585 = arith.constant 1 : i32
        %add3A_586 = arith.addi %mul3A_394, %add3A_585 : i32
        %get3A_587 = arith.constant 0 : i32
        %get3A_588 = arith.index_cast %get3A_587 : i32 to index
        %get3A_589 = arith.index_cast %add3A_586 : i32 to index
        %get3A_590 = arith.constant 16 : index
        %get3A_591 = tpu.vector_load %arg10[%get3A_588, %get3A_589, %get3A_590] {strides = array<i32>} : memref<1x128x128xf32, #tpu.memory_space<vmem>>, vector<16xf32>,
        %add3A_592 = arith.constant 2 : i32
        %add3A_593 = arith.addi %mul3A_394, %add3A_592 : i32
        %get3A_594 = arith.constant 0 : i32
        %get3A_595 = arith.index_cast %get3A_594 : i32 to index
        %get3A_596 = arith.index_cast %add3A_593 : i32 to index
        %get3A_597 = arith.constant 16 : index
        %get3A_598 = tpu.vector_load %arg10[%get3A_595, %get3A_596, %get3A_597] {strides = array<i32>} : memref<1x128x128xf32, #tpu.memory_space<vmem>>, vector<16xf32>,
        %add3A_599 = arith.constant 3 : i32
        %add3A_600 = arith.addi %mul3A_394, %add3A_599 : i32
        %get3A_601 = arith.constant 0 : i32
        %get3A_602 = arith.index_cast %get3A_601 : i32 to index
        %get3A_603 = arith.index_cast %add3A_600 : i32 to index
        %get3A_604 = arith.constant 16 : index
        %get3A_605 = tpu.vector_load %arg10[%get3A_602, %get3A_603, %get3A_604] {strides = array<i32>} : memref<1x128x128xf32, #tpu.memory_space<vmem>>, vector<16xf32>,
        %add3A_606 = arith.constant 4 : i32
        %add3A_607 = arith.addi %mul3A_394, %add3A_606 : i32
        %get3A_608 = arith.constant 0 : i32
        %get3A_609 = arith.index_cast %get3A_608 : i32 to index
        %get3A_610 = arith.index_cast %add3A_607 : i32 to index
        %get3A_611 = arith.constant 16 : index
        %get3A_612 = tpu.vector_load %arg10[%get3A_609, %get3A_610, %get3A_611] {strides = array<i32>} : memref<1x128x128xf32, #tpu.memory_space<vmem>>, vector<16xf32>,
        %add3A_613 = arith.constant 5 : i32
        %add3A_614 = arith.addi %mul3A_394, %add3A_613 : i32
        %get3A_615 = arith.constant 0 : i32
        %get3A_616 = arith.index_cast %get3A_615 : i32 to index
        %get3A_617 = arith.index_cast %add3A_614 : i32 to index
        %get3A_618 = arith.constant 16 : index
        %get3A_619 = tpu.vector_load %arg10[%get3A_616, %get3A_617, %get3A_618] {strides = array<i32>} : memref<1x128x128xf32, #tpu.memory_space<vmem>>, vector<16xf32>,
        %add3A_620 = arith.constant 6 : i32
        %add3A_621 = arith.addi %mul3A_394, %add3A_620 : i32
        %get3A_622 = arith.constant 0 : i32
        %get3A_623 = arith.index_cast %get3A_622 : i32 to index
        %get3A_624 = arith.index_cast %add3A_621 : i32 to index
        %get3A_625 = arith.constant 16 : index
        %get3A_626 = tpu.vector_load %arg10[%get3A_623, %get3A_624, %get3A_625] {strides = array<i32>} : memref<1x128x128xf32, #tpu.memory_space<vmem>>, vector<16xf32>,
        %add3A_627 = arith.constant 7 : i32
        %add3A_628 = arith.addi %mul3A_394, %add3A_627 : i32
        %get3A_629 = arith.constant 0 : i32
        %get3A_630 = arith.index_cast %get3A_629 : i32 to index
        %get3A_631 = arith.index_cast %add3A_628 : i32 to index
        %get3A_632 = arith.constant 16 : index
        %get3A_633 = tpu.vector_load %arg10[%get3A_630, %get3A_631, %get3A_632] {strides = array<i32>} : memref<1x128x128xf32, #tpu.memory_space<vmem>>, vector<16xf32>,
        %add3A_634 = arith.constant 8 : i32
        %add3A_635 = arith.addi %mul3A_394, %add3A_634 : i32
        %get3A_636 = arith.constant 0 : i32
        %get3A_637 = arith.index_cast %get3A_636 : i32 to index
        %get3A_638 = arith.index_cast %add3A_635 : i32 to index
        %get3A_639 = arith.constant 16 : index
        %get3A_640 = tpu.vector_load %arg10[%get3A_637, %get3A_638, %get3A_639] {strides = array<i32>} : memref<1x128x128xf32, #tpu.memory_space<vmem>>, vector<16xf32>,
        %add3A_641 = arith.constant 9 : i32
        %add3A_642 = arith.addi %mul3A_394, %add3A_641 : i32
        %get3A_643 = arith.constant 0 : i32
        %get3A_644 = arith.index_cast %get3A_643 : i32 to index
        %get3A_645 = arith.index_cast %add3A_642 : i32 to index
        %get3A_646 = arith.constant 16 : index
        %get3A_647 = tpu.vector_load %arg10[%get3A_644, %get3A_645, %get3A_646] {strides = array<i32>} : memref<1x128x128xf32, #tpu.memory_space<vmem>>, vector<16xf32>,
        %add3A_648 = arith.constant 10 : i32
        %add3A_649 = arith.addi %mul3A_394, %add3A_648 : i32
        %get3A_650 = arith.constant 0 : i32
        %get3A_651 = arith.index_cast %get3A_650 : i32 to index
        %get3A_652 = arith.index_cast %add3A_649 : i32 to index
        %get3A_653 = arith.constant 16 : index
        %get3A_654 = tpu.vector_load %arg10[%get3A_651, %get3A_652, %get3A_653] {strides = array<i32>} : memref<1x128x128xf32, #tpu.memory_space<vmem>>, vector<16xf32>,
        %add3A_655 = arith.constant 11 : i32
        %add3A_656 = arith.addi %mul3A_394, %add3A_655 : i32
        %get3A_657 = arith.constant 0 : i32
        %get3A_658 = arith.index_cast %get3A_657 : i32 to index
        %get3A_659 = arith.index_cast %add3A_656 : i32 to index
        %get3A_660 = arith.constant 16 : index
        %get3A_661 = tpu.vector_load %arg10[%get3A_658, %get3A_659, %get3A_660] {strides = array<i32>} : memref<1x128x128xf32, #tpu.memory_space<vmem>>, vector<16xf32>,
        %add3A_662 = arith.constant 12 : i32
        %add3A_663 = arith.addi %mul3A_394, %add3A_662 : i32
        %get3A_664 = arith.constant 0 : i32
        %get3A_665 = arith.index_cast %get3A_664 : i32 to index
        %get3A_666 = arith.index_cast %add3A_663 : i32 to index
        %get3A_667 = arith.constant 16 : index
        %get3A_668 = tpu.vector_load %arg10[%get3A_665, %get3A_666, %get3A_667] {strides = array<i32>} : memref<1x128x128xf32, #tpu.memory_space<vmem>>, vector<16xf32>,
        %add3A_669 = arith.constant 13 : i32
        %add3A_670 = arith.addi %mul3A_394, %add3A_669 : i32
        %get3A_671 = arith.constant 0 : i32
        %get3A_672 = arith.index_cast %get3A_671 : i32 to index
        %get3A_673 = arith.index_cast %add3A_670 : i32 to index
        %get3A_674 = arith.constant 16 : index
        %get3A_675 = tpu.vector_load %arg10[%get3A_672, %get3A_673, %get3A_674] {strides = array<i32>} : memref<1x128x128xf32, #tpu.memory_space<vmem>>, vector<16xf32>,
        %add3A_676 = arith.constant 14 : i32
        %add3A_677 = arith.addi %mul3A_394, %add3A_676 : i32
        %get3A_678 = arith.constant 0 : i32
        %get3A_679 = arith.index_cast %get3A_678 : i32 to index
        %get3A_680 = arith.index_cast %add3A_677 : i32 to index
        %get3A_681 = arith.constant 16 : index
        %get3A_682 = tpu.vector_load %arg10[%get3A_679, %get3A_680, %get3A_681] {strides = array<i32>} : memref<1x128x128xf32, #tpu.memory_space<vmem>>, vector<16xf32>,
        %add3A_683 = arith.constant 15 : i32
        %add3A_684 = arith.addi %mul3A_394, %add3A_683 : i32
        %get3A_685 = arith.constant 0 : i32
        %get3A_686 = arith.index_cast %get3A_685 : i32 to index
        %get3A_687 = arith.index_cast %add3A_684 : i32 to index
        %get3A_688 = arith.constant 16 : index
        %get3A_689 = tpu.vector_load %arg10[%get3A_686, %get3A_687, %get3A_688] {strides = array<i32>} : memref<1x128x128xf32, #tpu.memory_space<vmem>>, vector<16xf32>,
        %add3A_690 = arith.addf %get3A_584, %get3A_577 : vector<16xf32>
        %add3A_691 = arith.addf %get3A_591, %get3A_577 : vector<16xf32>
        %add3A_692 = arith.addf %get3A_598, %get3A_577 : vector<16xf32>
        %add3A_693 = arith.addf %get3A_605, %get3A_577 : vector<16xf32>
        %add3A_694 = arith.addf %get3A_612, %get3A_577 : vector<16xf32>
        %add3A_695 = arith.addf %get3A_619, %get3A_577 : vector<16xf32>
        %add3A_696 = arith.addf %get3A_626, %get3A_577 : vector<16xf32>
        %add3A_697 = arith.addf %get3A_633, %get3A_577 : vector<16xf32>
        %add3A_698 = arith.addf %get3A_640, %get3A_577 : vector<16xf32>
        %add3A_699 = arith.addf %get3A_647, %get3A_577 : vector<16xf32>
        %add3A_700 = arith.addf %get3A_654, %get3A_577 : vector<16xf32>
        %add3A_701 = arith.addf %get3A_661, %get3A_577 : vector<16xf32>
        %add3A_702 = arith.addf %get3A_668, %get3A_577 : vector<16xf32>
        %add3A_703 = arith.addf %get3A_675, %get3A_577 : vector<16xf32>
        %add3A_704 = arith.addf %get3A_682, %get3A_577 : vector<16xf32>
        %add3A_705 = arith.addf %get3A_689, %get3A_577 : vector<16xf32>
        %add3A_706 = arith.constant 0 : i32
        %add3A_707 = arith.addi %mul3A_394, %add3A_706 : i32
        %broadcast_in_dim3A_708 = vector.broadcast %add3A_707 : i32 to vector<16xi32>
        tpu.vector_store_idx %arg12[%select_n3A_61, %broadcast_in_dim3A_1, %select_n3A_177, %broadcast_in_dim3A_708], %add3A_690 : memref<8x1x8x129xf32, #tpu.memory_space<vmem>>[vector<16xi32>, vector<16xi32>, vector<16xi32>, vector<16xi32>], vector<16xf32>,
        %add3A_709 = arith.constant 1 : i32
        %add3A_710 = arith.addi %mul3A_394, %add3A_709 : i32
        %broadcast_in_dim3A_711 = vector.broadcast %add3A_710 : i32 to vector<16xi32>
        tpu.vector_store_idx %arg12[%select_n3A_61, %broadcast_in_dim3A_1, %select_n3A_177, %broadcast_in_dim3A_711], %add3A_691 : memref<8x1x8x129xf32, #tpu.memory_space<vmem>>[vector<16xi32>, vector<16xi32>, vector<16xi32>, vector<16xi32>], vector<16xf32>,
        %add3A_712 = arith.constant 2 : i32
        %add3A_713 = arith.addi %mul3A_394, %add3A_712 : i32
        %broadcast_in_dim3A_714 = vector.broadcast %add3A_713 : i32 to vector<16xi32>
        tpu.vector_store_idx %arg12[%select_n3A_61, %broadcast_in_dim3A_1, %select_n3A_177, %broadcast_in_dim3A_714], %add3A_692 : memref<8x1x8x129xf32, #tpu.memory_space<vmem>>[vector<16xi32>, vector<16xi32>, vector<16xi32>, vector<16xi32>], vector<16xf32>,
        %add3A_715 = arith.constant 3 : i32
        %add3A_716 = arith.addi %mul3A_394, %add3A_715 : i32
        %broadcast_in_dim3A_717 = vector.broadcast %add3A_716 : i32 to vector<16xi32>
        tpu.vector_store_idx %arg12[%select_n3A_61, %broadcast_in_dim3A_1, %select_n3A_177, %broadcast_in_dim3A_717], %add3A_693 : memref<8x1x8x129xf32, #tpu.memory_space<vmem>>[vector<16xi32>, vector<16xi32>, vector<16xi32>, vector<16xi32>], vector<16xf32>,
        %add3A_718 = arith.constant 4 : i32
        %add3A_719 = arith.addi %mul3A_394, %add3A_718 : i32
        %broadcast_in_dim3A_720 = vector.broadcast %add3A_719 : i32 to vector<16xi32>
        tpu.vector_store_idx %arg12[%select_n3A_61, %broadcast_in_dim3A_1, %select_n3A_177, %broadcast_in_dim3A_720], %add3A_694 : memref<8x1x8x129xf32, #tpu.memory_space<vmem>>[vector<16xi32>, vector<16xi32>, vector<16xi32>, vector<16xi32>], vector<16xf32>,
        %add3A_721 = arith.constant 5 : i32
        %add3A_722 = arith.addi %mul3A_394, %add3A_721 : i32
        %broadcast_in_dim3A_723 = vector.broadcast %add3A_722 : i32 to vector<16xi32>
        tpu.vector_store_idx %arg12[%select_n3A_61, %broadcast_in_dim3A_1, %select_n3A_177, %broadcast_in_dim3A_723], %add3A_695 : memref<8x1x8x129xf32, #tpu.memory_space<vmem>>[vector<16xi32>, vector<16xi32>, vector<16xi32>, vector<16xi32>], vector<16xf32>,
        %add3A_724 = arith.constant 6 : i32
        %add3A_725 = arith.addi %mul3A_394, %add3A_724 : i32
        %broadcast_in_dim3A_726 = vector.broadcast %add3A_725 : i32 to vector<16xi32>
        tpu.vector_store_idx %arg12[%select_n3A_61, %broadcast_in_dim3A_1, %select_n3A_177, %broadcast_in_dim3A_726], %add3A_696 : memref<8x1x8x129xf32, #tpu.memory_space<vmem>>[vector<16xi32>, vector<16xi32>, vector<16xi32>, vector<16xi32>], vector<16xf32>,
        %add3A_727 = arith.constant 7 : i32
        %add3A_728 = arith.addi %mul3A_394, %add3A_727 : i32
        %broadcast_in_dim3A_729 = vector.broadcast %add3A_728 : i32 to vector<16xi32>
        tpu.vector_store_idx %arg12[%select_n3A_61, %broadcast_in_dim3A_1, %select_n3A_177, %broadcast_in_dim3A_729], %add3A_697 : memref<8x1x8x129xf32, #tpu.memory_space<vmem>>[vector<16xi32>, vector<16xi32>, vector<16xi32>, vector<16xi32>], vector<16xf32>,
        %add3A_730 = arith.constant 8 : i32
        %add3A_731 = arith.addi %mul3A_394, %add3A_730 : i32
        %broadcast_in_dim3A_732 = vector.broadcast %add3A_731 : i32 to vector<16xi32>
        tpu.vector_store_idx %arg12[%select_n3A_61, %broadcast_in_dim3A_1, %select_n3A_177, %broadcast_in_dim3A_732], %add3A_698 : memref<8x1x8x129xf32, #tpu.memory_space<vmem>>[vector<16xi32>, vector<16xi32>, vector<16xi32>, vector<16xi32>], vector<16xf32>,
        %add3A_733 = arith.constant 9 : i32
        %add3A_734 = arith.addi %mul3A_394, %add3A_733 : i32
        %broadcast_in_dim3A_735 = vector.broadcast %add3A_734 : i32 to vector<16xi32>
        tpu.vector_store_idx %arg12[%select_n3A_61, %broadcast_in_dim3A_1, %select_n3A_177, %broadcast_in_dim3A_735], %add3A_699 : memref<8x1x8x129xf32, #tpu.memory_space<vmem>>[vector<16xi32>, vector<16xi32>, vector<16xi32>, vector<16xi32>], vector<16xf32>,
        %add3A_736 = arith.constant 10 : i32
        %add3A_737 = arith.addi %mul3A_394, %add3A_736 : i32
        %broadcast_in_dim3A_738 = vector.broadcast %add3A_737 : i32 to vector<16xi32>
        tpu.vector_store_idx %arg12[%select_n3A_61, %broadcast_in_dim3A_1, %select_n3A_177, %broadcast_in_dim3A_738], %add3A_700 : memref<8x1x8x129xf32, #tpu.memory_space<vmem>>[vector<16xi32>, vector<16xi32>, vector<16xi32>, vector<16xi32>], vector<16xf32>,
        %add3A_739 = arith.constant 11 : i32
        %add3A_740 = arith.addi %mul3A_394, %add3A_739 : i32
        %broadcast_in_dim3A_741 = vector.broadcast %add3A_740 : i32 to vector<16xi32>
        tpu.vector_store_idx %arg12[%select_n3A_61, %broadcast_in_dim3A_1, %select_n3A_177, %broadcast_in_dim3A_741], %add3A_701 : memref<8x1x8x129xf32, #tpu.memory_space<vmem>>[vector<16xi32>, vector<16xi32>, vector<16xi32>, vector<16xi32>], vector<16xf32>,
        %add3A_742 = arith.constant 12 : i32
        %add3A_743 = arith.addi %mul3A_394, %add3A_742 : i32
        %broadcast_in_dim3A_744 = vector.broadcast %add3A_743 : i32 to vector<16xi32>
        tpu.vector_store_idx %arg12[%select_n3A_61, %broadcast_in_dim3A_1, %select_n3A_177, %broadcast_in_dim3A_744], %add3A_702 : memref<8x1x8x129xf32, #tpu.memory_space<vmem>>[vector<16xi32>, vector<16xi32>, vector<16xi32>, vector<16xi32>], vector<16xf32>,
        %add3A_745 = arith.constant 13 : i32
        %add3A_746 = arith.addi %mul3A_394, %add3A_745 : i32
        %broadcast_in_dim3A_747 = vector.broadcast %add3A_746 : i32 to vector<16xi32>
        tpu.vector_store_idx %arg12[%select_n3A_61, %broadcast_in_dim3A_1, %select_n3A_177, %broadcast_in_dim3A_747], %add3A_703 : memref<8x1x8x129xf32, #tpu.memory_space<vmem>>[vector<16xi32>, vector<16xi32>, vector<16xi32>, vector<16xi32>], vector<16xf32>,
        %add3A_748 = arith.constant 14 : i32
        %add3A_749 = arith.addi %mul3A_394, %add3A_748 : i32
        %broadcast_in_dim3A_750 = vector.broadcast %add3A_749 : i32 to vector<16xi32>
        tpu.vector_store_idx %arg12[%select_n3A_61, %broadcast_in_dim3A_1, %select_n3A_177, %broadcast_in_dim3A_750], %add3A_704 : memref<8x1x8x129xf32, #tpu.memory_space<vmem>>[vector<16xi32>, vector<16xi32>, vector<16xi32>, vector<16xi32>], vector<16xf32>,
        %add3A_751 = arith.constant 15 : i32
        %add3A_752 = arith.addi %mul3A_394, %add3A_751 : i32
        %broadcast_in_dim3A_753 = vector.broadcast %add3A_752 : i32 to vector<16xi32>
        tpu.vector_store_idx %arg12[%select_n3A_61, %broadcast_in_dim3A_1, %select_n3A_177, %broadcast_in_dim3A_753], %add3A_705 : memref<8x1x8x129xf32, #tpu.memory_space<vmem>>[vector<16xi32>, vector<16xi32>, vector<16xi32>, vector<16xi32>], vector<16xf32>,
        %get3A_754 = arith.constant 0 : i32
        %get3A_755 = arith.index_cast %get3A_754 : i32 to index
        %get3A_756 = arith.constant 32 : index
        %get3A_757 = tpu.vector_load %arg8[%get3A_755, %get3A_756] {strides = array<i32>} : memref<1x128xf32, #tpu.memory_space<vmem>>, vector<16xf32>,
        %add3A_758 = arith.constant 0 : i32
        %add3A_759 = arith.addi %mul3A_394, %add3A_758 : i32
        %get3A_760 = arith.constant 0 : i32
        %get3A_761 = arith.index_cast %get3A_760 : i32 to index
        %get3A_762 = arith.index_cast %add3A_759 : i32 to index
        %get3A_763 = arith.constant 32 : index
        %get3A_764 = tpu.vector_load %arg10[%get3A_761, %get3A_762, %get3A_763] {strides = array<i32>} : memref<1x128x128xf32, #tpu.memory_space<vmem>>, vector<16xf32>,
        %add3A_765 = arith.constant 1 : i32
        %add3A_766 = arith.addi %mul3A_394, %add3A_765 : i32
        %get3A_767 = arith.constant 0 : i32
        %get3A_768 = arith.index_cast %get3A_767 : i32 to index
        %get3A_769 = arith.index_cast %add3A_766 : i32 to index
        %get3A_770 = arith.constant 32 : index
        %get3A_771 = tpu.vector_load %arg10[%get3A_768, %get3A_769, %get3A_770] {strides = array<i32>} : memref<1x128x128xf32, #tpu.memory_space<vmem>>, vector<16xf32>,
        %add3A_772 = arith.constant 2 : i32
        %add3A_773 = arith.addi %mul3A_394, %add3A_772 : i32
        %get3A_774 = arith.constant 0 : i32
        %get3A_775 = arith.index_cast %get3A_774 : i32 to index
        %get3A_776 = arith.index_cast %add3A_773 : i32 to index
        %get3A_777 = arith.constant 32 : index
        %get3A_778 = tpu.vector_load %arg10[%get3A_775, %get3A_776, %get3A_777] {strides = array<i32>} : memref<1x128x128xf32, #tpu.memory_space<vmem>>, vector<16xf32>,
        %add3A_779 = arith.constant 3 : i32
        %add3A_780 = arith.addi %mul3A_394, %add3A_779 : i32
        %get3A_781 = arith.constant 0 : i32
        %get3A_782 = arith.index_cast %get3A_781 : i32 to index
        %get3A_783 = arith.index_cast %add3A_780 : i32 to index
        %get3A_784 = arith.constant 32 : index
        %get3A_785 = tpu.vector_load %arg10[%get3A_782, %get3A_783, %get3A_784] {strides = array<i32>} : memref<1x128x128xf32, #tpu.memory_space<vmem>>, vector<16xf32>,
        %add3A_786 = arith.constant 4 : i32
        %add3A_787 = arith.addi %mul3A_394, %add3A_786 : i32
        %get3A_788 = arith.constant 0 : i32
        %get3A_789 = arith.index_cast %get3A_788 : i32 to index
        %get3A_790 = arith.index_cast %add3A_787 : i32 to index
        %get3A_791 = arith.constant 32 : index
        %get3A_792 = tpu.vector_load %arg10[%get3A_789, %get3A_790, %get3A_791] {strides = array<i32>} : memref<1x128x128xf32, #tpu.memory_space<vmem>>, vector<16xf32>,
        %add3A_793 = arith.constant 5 : i32
        %add3A_794 = arith.addi %mul3A_394, %add3A_793 : i32
        %get3A_795 = arith.constant 0 : i32
        %get3A_796 = arith.index_cast %get3A_795 : i32 to index
        %get3A_797 = arith.index_cast %add3A_794 : i32 to index
        %get3A_798 = arith.constant 32 : index
        %get3A_799 = tpu.vector_load %arg10[%get3A_796, %get3A_797, %get3A_798] {strides = array<i32>} : memref<1x128x128xf32, #tpu.memory_space<vmem>>, vector<16xf32>,
        %add3A_800 = arith.constant 6 : i32
        %add3A_801 = arith.addi %mul3A_394, %add3A_800 : i32
        %get3A_802 = arith.constant 0 : i32
        %get3A_803 = arith.index_cast %get3A_802 : i32 to index
        %get3A_804 = arith.index_cast %add3A_801 : i32 to index
        %get3A_805 = arith.constant 32 : index
        %get3A_806 = tpu.vector_load %arg10[%get3A_803, %get3A_804, %get3A_805] {strides = array<i32>} : memref<1x128x128xf32, #tpu.memory_space<vmem>>, vector<16xf32>,
        %add3A_807 = arith.constant 7 : i32
        %add3A_808 = arith.addi %mul3A_394, %add3A_807 : i32
        %get3A_809 = arith.constant 0 : i32
        %get3A_810 = arith.index_cast %get3A_809 : i32 to index
        %get3A_811 = arith.index_cast %add3A_808 : i32 to index
        %get3A_812 = arith.constant 32 : index
        %get3A_813 = tpu.vector_load %arg10[%get3A_810, %get3A_811, %get3A_812] {strides = array<i32>} : memref<1x128x128xf32, #tpu.memory_space<vmem>>, vector<16xf32>,
        %add3A_814 = arith.constant 8 : i32
        %add3A_815 = arith.addi %mul3A_394, %add3A_814 : i32
        %get3A_816 = arith.constant 0 : i32
        %get3A_817 = arith.index_cast %get3A_816 : i32 to index
        %get3A_818 = arith.index_cast %add3A_815 : i32 to index
        %get3A_819 = arith.constant 32 : index
        %get3A_820 = tpu.vector_load %arg10[%get3A_817, %get3A_818, %get3A_819] {strides = array<i32>} : memref<1x128x128xf32, #tpu.memory_space<vmem>>, vector<16xf32>,
        %add3A_821 = arith.constant 9 : i32
        %add3A_822 = arith.addi %mul3A_394, %add3A_821 : i32
        %get3A_823 = arith.constant 0 : i32
        %get3A_824 = arith.index_cast %get3A_823 : i32 to index
        %get3A_825 = arith.index_cast %add3A_822 : i32 to index
        %get3A_826 = arith.constant 32 : index
        %get3A_827 = tpu.vector_load %arg10[%get3A_824, %get3A_825, %get3A_826] {strides = array<i32>} : memref<1x128x128xf32, #tpu.memory_space<vmem>>, vector<16xf32>,
        %add3A_828 = arith.constant 10 : i32
        %add3A_829 = arith.addi %mul3A_394, %add3A_828 : i32
        %get3A_830 = arith.constant 0 : i32
        %get3A_831 = arith.index_cast %get3A_830 : i32 to index
        %get3A_832 = arith.index_cast %add3A_829 : i32 to index
        %get3A_833 = arith.constant 32 : index
        %get3A_834 = tpu.vector_load %arg10[%get3A_831, %get3A_832, %get3A_833] {strides = array<i32>} : memref<1x128x128xf32, #tpu.memory_space<vmem>>, vector<16xf32>,
        %add3A_835 = arith.constant 11 : i32
        %add3A_836 = arith.addi %mul3A_394, %add3A_835 : i32
        %get3A_837 = arith.constant 0 : i32
        %get3A_838 = arith.index_cast %get3A_837 : i32 to index
        %get3A_839 = arith.index_cast %add3A_836 : i32 to index
        %get3A_840 = arith.constant 32 : index
        %get3A_841 = tpu.vector_load %arg10[%get3A_838, %get3A_839, %get3A_840] {strides = array<i32>} : memref<1x128x128xf32, #tpu.memory_space<vmem>>, vector<16xf32>,
        %add3A_842 = arith.constant 12 : i32
        %add3A_843 = arith.addi %mul3A_394, %add3A_842 : i32
        %get3A_844 = arith.constant 0 : i32
        %get3A_845 = arith.index_cast %get3A_844 : i32 to index
        %get3A_846 = arith.index_cast %add3A_843 : i32 to index
        %get3A_847 = arith.constant 32 : index
        %get3A_848 = tpu.vector_load %arg10[%get3A_845, %get3A_846, %get3A_847] {strides = array<i32>} : memref<1x128x128xf32, #tpu.memory_space<vmem>>, vector<16xf32>,
        %add3A_849 = arith.constant 13 : i32
        %add3A_850 = arith.addi %mul3A_394, %add3A_849 : i32
        %get3A_851 = arith.constant 0 : i32
        %get3A_852 = arith.index_cast %get3A_851 : i32 to index
        %get3A_853 = arith.index_cast %add3A_850 : i32 to index
        %get3A_854 = arith.constant 32 : index
        %get3A_855 = tpu.vector_load %arg10[%get3A_852, %get3A_853, %get3A_854] {strides = array<i32>} : memref<1x128x128xf32, #tpu.memory_space<vmem>>, vector<16xf32>,
        %add3A_856 = arith.constant 14 : i32
        %add3A_857 = arith.addi %mul3A_394, %add3A_856 : i32
        %get3A_858 = arith.constant 0 : i32
        %get3A_859 = arith.index_cast %get3A_858 : i32 to index
        %get3A_860 = arith.index_cast %add3A_857 : i32 to index
        %get3A_861 = arith.constant 32 : index
        %get3A_862 = tpu.vector_load %arg10[%get3A_859, %get3A_860, %get3A_861] {strides = array<i32>} : memref<1x128x128xf32, #tpu.memory_space<vmem>>, vector<16xf32>,
        %add3A_863 = arith.constant 15 : i32
        %add3A_864 = arith.addi %mul3A_394, %add3A_863 : i32
        %get3A_865 = arith.constant 0 : i32
        %get3A_866 = arith.index_cast %get3A_865 : i32 to index
        %get3A_867 = arith.index_cast %add3A_864 : i32 to index
        %get3A_868 = arith.constant 32 : index
        %get3A_869 = tpu.vector_load %arg10[%get3A_866, %get3A_867, %get3A_868] {strides = array<i32>} : memref<1x128x128xf32, #tpu.memory_space<vmem>>, vector<16xf32>,
        %add3A_870 = arith.addf %get3A_764, %get3A_757 : vector<16xf32>
        %add3A_871 = arith.addf %get3A_771, %get3A_757 : vector<16xf32>
        %add3A_872 = arith.addf %get3A_778, %get3A_757 : vector<16xf32>
        %add3A_873 = arith.addf %get3A_785, %get3A_757 : vector<16xf32>
        %add3A_874 = arith.addf %get3A_792, %get3A_757 : vector<16xf32>
        %add3A_875 = arith.addf %get3A_799, %get3A_757 : vector<16xf32>
        %add3A_876 = arith.addf %get3A_806, %get3A_757 : vector<16xf32>
        %add3A_877 = arith.addf %get3A_813, %get3A_757 : vector<16xf32>
        %add3A_878 = arith.addf %get3A_820, %get3A_757 : vector<16xf32>
        %add3A_879 = arith.addf %get3A_827, %get3A_757 : vector<16xf32>
        %add3A_880 = arith.addf %get3A_834, %get3A_757 : vector<16xf32>
        %add3A_881 = arith.addf %get3A_841, %get3A_757 : vector<16xf32>
        %add3A_882 = arith.addf %get3A_848, %get3A_757 : vector<16xf32>
        %add3A_883 = arith.addf %get3A_855, %get3A_757 : vector<16xf32>
        %add3A_884 = arith.addf %get3A_862, %get3A_757 : vector<16xf32>
        %add3A_885 = arith.addf %get3A_869, %get3A_757 : vector<16xf32>
        %add3A_886 = arith.constant 0 : i32
        %add3A_887 = arith.addi %mul3A_394, %add3A_886 : i32
        %broadcast_in_dim3A_888 = vector.broadcast %add3A_887 : i32 to vector<16xi32>
        tpu.vector_store_idx %arg12[%select_n3A_95, %broadcast_in_dim3A_1, %select_n3A_202, %broadcast_in_dim3A_888], %add3A_870 : memref<8x1x8x129xf32, #tpu.memory_space<vmem>>[vector<16xi32>, vector<16xi32>, vector<16xi32>, vector<16xi32>], vector<16xf32>,
        %add3A_889 = arith.constant 1 : i32
        %add3A_890 = arith.addi %mul3A_394, %add3A_889 : i32
        %broadcast_in_dim3A_891 = vector.broadcast %add3A_890 : i32 to vector<16xi32>
        tpu.vector_store_idx %arg12[%select_n3A_95, %broadcast_in_dim3A_1, %select_n3A_202, %broadcast_in_dim3A_891], %add3A_871 : memref<8x1x8x129xf32, #tpu.memory_space<vmem>>[vector<16xi32>, vector<16xi32>, vector<16xi32>, vector<16xi32>], vector<16xf32>,
        %add3A_892 = arith.constant 2 : i32
        %add3A_893 = arith.addi %mul3A_394, %add3A_892 : i32
        %broadcast_in_dim3A_894 = vector.broadcast %add3A_893 : i32 to vector<16xi32>
        tpu.vector_store_idx %arg12[%select_n3A_95, %broadcast_in_dim3A_1, %select_n3A_202, %broadcast_in_dim3A_894], %add3A_872 : memref<8x1x8x129xf32, #tpu.memory_space<vmem>>[vector<16xi32>, vector<16xi32>, vector<16xi32>, vector<16xi32>], vector<16xf32>,
        %add3A_895 = arith.constant 3 : i32
        %add3A_896 = arith.addi %mul3A_394, %add3A_895 : i32
        %broadcast_in_dim3A_897 = vector.broadcast %add3A_896 : i32 to vector<16xi32>
        tpu.vector_store_idx %arg12[%select_n3A_95, %broadcast_in_dim3A_1, %select_n3A_202, %broadcast_in_dim3A_897], %add3A_873 : memref<8x1x8x129xf32, #tpu.memory_space<vmem>>[vector<16xi32>, vector<16xi32>, vector<16xi32>, vector<16xi32>], vector<16xf32>,
        %add3A_898 = arith.constant 4 : i32
        %add3A_899 = arith.addi %mul3A_394, %add3A_898 : i32
        %broadcast_in_dim3A_900 = vector.broadcast %add3A_899 : i32 to vector<16xi32>
        tpu.vector_store_idx %arg12[%select_n3A_95, %broadcast_in_dim3A_1, %select_n3A_202, %broadcast_in_dim3A_900], %add3A_874 : memref<8x1x8x129xf32, #tpu.memory_space<vmem>>[vector<16xi32>, vector<16xi32>, vector<16xi32>, vector<16xi32>], vector<16xf32>,
        %add3A_901 = arith.constant 5 : i32
        %add3A_902 = arith.addi %mul3A_394, %add3A_901 : i32
        %broadcast_in_dim3A_903 = vector.broadcast %add3A_902 : i32 to vector<16xi32>
        tpu.vector_store_idx %arg12[%select_n3A_95, %broadcast_in_dim3A_1, %select_n3A_202, %broadcast_in_dim3A_903], %add3A_875 : memref<8x1x8x129xf32, #tpu.memory_space<vmem>>[vector<16xi32>, vector<16xi32>, vector<16xi32>, vector<16xi32>], vector<16xf32>,
        %add3A_904 = arith.constant 6 : i32
        %add3A_905 = arith.addi %mul3A_394, %add3A_904 : i32
        %broadcast_in_dim3A_906 = vector.broadcast %add3A_905 : i32 to vector<16xi32>
        tpu.vector_store_idx %arg12[%select_n3A_95, %broadcast_in_dim3A_1, %select_n3A_202, %broadcast_in_dim3A_906], %add3A_876 : memref<8x1x8x129xf32, #tpu.memory_space<vmem>>[vector<16xi32>, vector<16xi32>, vector<16xi32>, vector<16xi32>], vector<16xf32>,
        %add3A_907 = arith.constant 7 : i32
        %add3A_908 = arith.addi %mul3A_394, %add3A_907 : i32
        %broadcast_in_dim3A_909 = vector.broadcast %add3A_908 : i32 to vector<16xi32>
        tpu.vector_store_idx %arg12[%select_n3A_95, %broadcast_in_dim3A_1, %select_n3A_202, %broadcast_in_dim3A_909], %add3A_877 : memref<8x1x8x129xf32, #tpu.memory_space<vmem>>[vector<16xi32>, vector<16xi32>, vector<16xi32>, vector<16xi32>], vector<16xf32>,
        %add3A_910 = arith.constant 8 : i32
        %add3A_911 = arith.addi %mul3A_394, %add3A_910 : i32
        %broadcast_in_dim3A_912 = vector.broadcast %add3A_911 : i32 to vector<16xi32>
        tpu.vector_store_idx %arg12[%select_n3A_95, %broadcast_in_dim3A_1, %select_n3A_202, %broadcast_in_dim3A_912], %add3A_878 : memref<8x1x8x129xf32, #tpu.memory_space<vmem>>[vector<16xi32>, vector<16xi32>, vector<16xi32>, vector<16xi32>], vector<16xf32>,
        %add3A_913 = arith.constant 9 : i32
        %add3A_914 = arith.addi %mul3A_394, %add3A_913 : i32
        %broadcast_in_dim3A_915 = vector.broadcast %add3A_914 : i32 to vector<16xi32>
        tpu.vector_store_idx %arg12[%select_n3A_95, %broadcast_in_dim3A_1, %select_n3A_202, %broadcast_in_dim3A_915], %add3A_879 : memref<8x1x8x129xf32, #tpu.memory_space<vmem>>[vector<16xi32>, vector<16xi32>, vector<16xi32>, vector<16xi32>], vector<16xf32>,
        %add3A_916 = arith.constant 10 : i32
        %add3A_917 = arith.addi %mul3A_394, %add3A_916 : i32
        %broadcast_in_dim3A_918 = vector.broadcast %add3A_917 : i32 to vector<16xi32>
        tpu.vector_store_idx %arg12[%select_n3A_95, %broadcast_in_dim3A_1, %select_n3A_202, %broadcast_in_dim3A_918], %add3A_880 : memref<8x1x8x129xf32, #tpu.memory_space<vmem>>[vector<16xi32>, vector<16xi32>, vector<16xi32>, vector<16xi32>], vector<16xf32>,
        %add3A_919 = arith.constant 11 : i32
        %add3A_920 = arith.addi %mul3A_394, %add3A_919 : i32
        %broadcast_in_dim3A_921 = vector.broadcast %add3A_920 : i32 to vector<16xi32>
        tpu.vector_store_idx %arg12[%select_n3A_95, %broadcast_in_dim3A_1, %select_n3A_202, %broadcast_in_dim3A_921], %add3A_881 : memref<8x1x8x129xf32, #tpu.memory_space<vmem>>[vector<16xi32>, vector<16xi32>, vector<16xi32>, vector<16xi32>], vector<16xf32>,
        %add3A_922 = arith.constant 12 : i32
        %add3A_923 = arith.addi %mul3A_394, %add3A_922 : i32
        %broadcast_in_dim3A_924 = vector.broadcast %add3A_923 : i32 to vector<16xi32>
        tpu.vector_store_idx %arg12[%select_n3A_95, %broadcast_in_dim3A_1, %select_n3A_202, %broadcast_in_dim3A_924], %add3A_882 : memref<8x1x8x129xf32, #tpu.memory_space<vmem>>[vector<16xi32>, vector<16xi32>, vector<16xi32>, vector<16xi32>], vector<16xf32>,
        %add3A_925 = arith.constant 13 : i32
        %add3A_926 = arith.addi %mul3A_394, %add3A_925 : i32
        %broadcast_in_dim3A_927 = vector.broadcast %add3A_926 : i32 to vector<16xi32>
        tpu.vector_store_idx %arg12[%select_n3A_95, %broadcast_in_dim3A_1, %select_n3A_202, %broadcast_in_dim3A_927], %add3A_883 : memref<8x1x8x129xf32, #tpu.memory_space<vmem>>[vector<16xi32>, vector<16xi32>, vector<16xi32>, vector<16xi32>], vector<16xf32>,
        %add3A_928 = arith.constant 14 : i32
        %add3A_929 = arith.addi %mul3A_394, %add3A_928 : i32
        %broadcast_in_dim3A_930 = vector.broadcast %add3A_929 : i32 to vector<16xi32>
        tpu.vector_store_idx %arg12[%select_n3A_95, %broadcast_in_dim3A_1, %select_n3A_202, %broadcast_in_dim3A_930], %add3A_884 : memref<8x1x8x129xf32, #tpu.memory_space<vmem>>[vector<16xi32>, vector<16xi32>, vector<16xi32>, vector<16xi32>], vector<16xf32>,
        %add3A_931 = arith.constant 15 : i32
        %add3A_932 = arith.addi %mul3A_394, %add3A_931 : i32
        %broadcast_in_dim3A_933 = vector.broadcast %add3A_932 : i32 to vector<16xi32>
        tpu.vector_store_idx %arg12[%select_n3A_95, %broadcast_in_dim3A_1, %select_n3A_202, %broadcast_in_dim3A_933], %add3A_885 : memref<8x1x8x129xf32, #tpu.memory_space<vmem>>[vector<16xi32>, vector<16xi32>, vector<16xi32>, vector<16xi32>], vector<16xf32>,
        %get3A_934 = arith.constant 0 : i32
        %get3A_935 = arith.index_cast %get3A_934 : i32 to index
        %get3A_936 = arith.constant 48 : index
        %get3A_937 = tpu.vector_load %arg8[%get3A_935, %get3A_936] {strides = array<i32>} : memref<1x128xf32, #tpu.memory_space<vmem>>, vector<16xf32>,
        %add3A_938 = arith.constant 0 : i32
        %add3A_939 = arith.addi %mul3A_394, %add3A_938 : i32
        %get3A_940 = arith.constant 0 : i32
        %get3A_941 = arith.index_cast %get3A_940 : i32 to index
        %get3A_942 = arith.index_cast %add3A_939 : i32 to index
        %get3A_943 = arith.constant 48 : index
        %get3A_944 = tpu.vector_load %arg10[%get3A_941, %get3A_942, %get3A_943] {strides = array<i32>} : memref<1x128x128xf32, #tpu.memory_space<vmem>>, vector<16xf32>,
        %add3A_945 = arith.constant 1 : i32
        %add3A_946 = arith.addi %mul3A_394, %add3A_945 : i32
        %get3A_947 = arith.constant 0 : i32
        %get3A_948 = arith.index_cast %get3A_947 : i32 to index
        %get3A_949 = arith.index_cast %add3A_946 : i32 to index
        %get3A_950 = arith.constant 48 : index
        %get3A_951 = tpu.vector_load %arg10[%get3A_948, %get3A_949, %get3A_950] {strides = array<i32>} : memref<1x128x128xf32, #tpu.memory_space<vmem>>, vector<16xf32>,
        %add3A_952 = arith.constant 2 : i32
        %add3A_953 = arith.addi %mul3A_394, %add3A_952 : i32
        %get3A_954 = arith.constant 0 : i32
        %get3A_955 = arith.index_cast %get3A_954 : i32 to index
        %get3A_956 = arith.index_cast %add3A_953 : i32 to index
        %get3A_957 = arith.constant 48 : index
        %get3A_958 = tpu.vector_load %arg10[%get3A_955, %get3A_956, %get3A_957] {strides = array<i32>} : memref<1x128x128xf32, #tpu.memory_space<vmem>>, vector<16xf32>,
        %add3A_959 = arith.constant 3 : i32
        %add3A_960 = arith.addi %mul3A_394, %add3A_959 : i32
        %get3A_961 = arith.constant 0 : i32
        %get3A_962 = arith.index_cast %get3A_961 : i32 to index
        %get3A_963 = arith.index_cast %add3A_960 : i32 to index
        %get3A_964 = arith.constant 48 : index
        %get3A_965 = tpu.vector_load %arg10[%get3A_962, %get3A_963, %get3A_964] {strides = array<i32>} : memref<1x128x128xf32, #tpu.memory_space<vmem>>, vector<16xf32>,
        %add3A_966 = arith.constant 4 : i32
        %add3A_967 = arith.addi %mul3A_394, %add3A_966 : i32
        %get3A_968 = arith.constant 0 : i32
        %get3A_969 = arith.index_cast %get3A_968 : i32 to index
        %get3A_970 = arith.index_cast %add3A_967 : i32 to index
        %get3A_971 = arith.constant 48 : index
        %get3A_972 = tpu.vector_load %arg10[%get3A_969, %get3A_970, %get3A_971] {strides = array<i32>} : memref<1x128x128xf32, #tpu.memory_space<vmem>>, vector<16xf32>,
        %add3A_973 = arith.constant 5 : i32
        %add3A_974 = arith.addi %mul3A_394, %add3A_973 : i32
        %get3A_975 = arith.constant 0 : i32
        %get3A_976 = arith.index_cast %get3A_975 : i32 to index
        %get3A_977 = arith.index_cast %add3A_974 : i32 to index
        %get3A_978 = arith.constant 48 : index
        %get3A_979 = tpu.vector_load %arg10[%get3A_976, %get3A_977, %get3A_978] {strides = array<i32>} : memref<1x128x128xf32, #tpu.memory_space<vmem>>, vector<16xf32>,
        %add3A_980 = arith.constant 6 : i32
        %add3A_981 = arith.addi %mul3A_394, %add3A_980 : i32
        %get3A_982 = arith.constant 0 : i32
        %get3A_983 = arith.index_cast %get3A_982 : i32 to index
        %get3A_984 = arith.index_cast %add3A_981 : i32 to index
        %get3A_985 = arith.constant 48 : index
        %get3A_986 = tpu.vector_load %arg10[%get3A_983, %get3A_984, %get3A_985] {strides = array<i32>} : memref<1x128x128xf32, #tpu.memory_space<vmem>>, vector<16xf32>,
        %add3A_987 = arith.constant 7 : i32
        %add3A_988 = arith.addi %mul3A_394, %add3A_987 : i32
        %get3A_989 = arith.constant 0 : i32
        %get3A_990 = arith.index_cast %get3A_989 : i32 to index
        %get3A_991 = arith.index_cast %add3A_988 : i32 to index
        %get3A_992 = arith.constant 48 : index
        %get3A_993 = tpu.vector_load %arg10[%get3A_990, %get3A_991, %get3A_992] {strides = array<i32>} : memref<1x128x128xf32, #tpu.memory_space<vmem>>, vector<16xf32>,
        %add3A_994 = arith.constant 8 : i32
        %add3A_995 = arith.addi %mul3A_394, %add3A_994 : i32
        %get3A_996 = arith.constant 0 : i32
        %get3A_997 = arith.index_cast %get3A_996 : i32 to index
        %get3A_998 = arith.index_cast %add3A_995 : i32 to index
        %get3A_999 = arith.constant 48 : index
        %get3A_1000 = tpu.vector_load %arg10[%get3A_997, %get3A_998, %get3A_999] {strides = array<i32>} : memref<1x128x128xf32, #tpu.memory_space<vmem>>, vector<16xf32>,
        %add3A_1001 = arith.constant 9 : i32
        %add3A_1002 = arith.addi %mul3A_394, %add3A_1001 : i32
        %get3A_1003 = arith.constant 0 : i32
        %get3A_1004 = arith.index_cast %get3A_1003 : i32 to index
        %get3A_1005 = arith.index_cast %add3A_1002 : i32 to index
        %get3A_1006 = arith.constant 48 : index
        %get3A_1007 = tpu.vector_load %arg10[%get3A_1004, %get3A_1005, %get3A_1006] {strides = array<i32>} : memref<1x128x128xf32, #tpu.memory_space<vmem>>, vector<16xf32>,
        %add3A_1008 = arith.constant 10 : i32
        %add3A_1009 = arith.addi %mul3A_394, %add3A_1008 : i32
        %get3A_1010 = arith.constant 0 : i32
        %get3A_1011 = arith.index_cast %get3A_1010 : i32 to index
        %get3A_1012 = arith.index_cast %add3A_1009 : i32 to index
        %get3A_1013 = arith.constant 48 : index
        %get3A_1014 = tpu.vector_load %arg10[%get3A_1011, %get3A_1012, %get3A_1013] {strides = array<i32>} : memref<1x128x128xf32, #tpu.memory_space<vmem>>, vector<16xf32>,
        %add3A_1015 = arith.constant 11 : i32
        %add3A_1016 = arith.addi %mul3A_394, %add3A_1015 : i32
        %get3A_1017 = arith.constant 0 : i32
        %get3A_1018 = arith.index_cast %get3A_1017 : i32 to index
        %get3A_1019 = arith.index_cast %add3A_1016 : i32 to index
        %get3A_1020 = arith.constant 48 : index
        %get3A_1021 = tpu.vector_load %arg10[%get3A_1018, %get3A_1019, %get3A_1020] {strides = array<i32>} : memref<1x128x128xf32, #tpu.memory_space<vmem>>, vector<16xf32>,
        %add3A_1022 = arith.constant 12 : i32
        %add3A_1023 = arith.addi %mul3A_394, %add3A_1022 : i32
        %get3A_1024 = arith.constant 0 : i32
        %get3A_1025 = arith.index_cast %get3A_1024 : i32 to index
        %get3A_1026 = arith.index_cast %add3A_1023 : i32 to index
        %get3A_1027 = arith.constant 48 : index
        %get3A_1028 = tpu.vector_load %arg10[%get3A_1025, %get3A_1026, %get3A_1027] {strides = array<i32>} : memref<1x128x128xf32, #tpu.memory_space<vmem>>, vector<16xf32>,
        %add3A_1029 = arith.constant 13 : i32
        %add3A_1030 = arith.addi %mul3A_394, %add3A_1029 : i32
        %get3A_1031 = arith.constant 0 : i32
        %get3A_1032 = arith.index_cast %get3A_1031 : i32 to index
        %get3A_1033 = arith.index_cast %add3A_1030 : i32 to index
        %get3A_1034 = arith.constant 48 : index
        %get3A_1035 = tpu.vector_load %arg10[%get3A_1032, %get3A_1033, %get3A_1034] {strides = array<i32>} : memref<1x128x128xf32, #tpu.memory_space<vmem>>, vector<16xf32>,
        %add3A_1036 = arith.constant 14 : i32
        %add3A_1037 = arith.addi %mul3A_394, %add3A_1036 : i32
        %get3A_1038 = arith.constant 0 : i32
        %get3A_1039 = arith.index_cast %get3A_1038 : i32 to index
        %get3A_1040 = arith.index_cast %add3A_1037 : i32 to index
        %get3A_1041 = arith.constant 48 : index
        %get3A_1042 = tpu.vector_load %arg10[%get3A_1039, %get3A_1040, %get3A_1041] {strides = array<i32>} : memref<1x128x128xf32, #tpu.memory_space<vmem>>, vector<16xf32>,
        %add3A_1043 = arith.constant 15 : i32
        %add3A_1044 = arith.addi %mul3A_394, %add3A_1043 : i32
        %get3A_1045 = arith.constant 0 : i32
        %get3A_1046 = arith.index_cast %get3A_1045 : i32 to index
        %get3A_1047 = arith.index_cast %add3A_1044 : i32 to index
        %get3A_1048 = arith.constant 48 : index
        %get3A_1049 = tpu.vector_load %arg10[%get3A_1046, %get3A_1047, %get3A_1048] {strides = array<i32>} : memref<1x128x128xf32, #tpu.memory_space<vmem>>, vector<16xf32>,
        %add3A_1050 = arith.addf %get3A_944, %get3A_937 : vector<16xf32>
        %add3A_1051 = arith.addf %get3A_951, %get3A_937 : vector<16xf32>
        %add3A_1052 = arith.addf %get3A_958, %get3A_937 : vector<16xf32>
        %add3A_1053 = arith.addf %get3A_965, %get3A_937 : vector<16xf32>
        %add3A_1054 = arith.addf %get3A_972, %get3A_937 : vector<16xf32>
        %add3A_1055 = arith.addf %get3A_979, %get3A_937 : vector<16xf32>
        %add3A_1056 = arith.addf %get3A_986, %get3A_937 : vector<16xf32>
        %add3A_1057 = arith.addf %get3A_993, %get3A_937 : vector<16xf32>
        %add3A_1058 = arith.addf %get3A_1000, %get3A_937 : vector<16xf32>
        %add3A_1059 = arith.addf %get3A_1007, %get3A_937 : vector<16xf32>
        %add3A_1060 = arith.addf %get3A_1014, %get3A_937 : vector<16xf32>
        %add3A_1061 = arith.addf %get3A_1021, %get3A_937 : vector<16xf32>
        %add3A_1062 = arith.addf %get3A_1028, %get3A_937 : vector<16xf32>
        %add3A_1063 = arith.addf %get3A_1035, %get3A_937 : vector<16xf32>
        %add3A_1064 = arith.addf %get3A_1042, %get3A_937 : vector<16xf32>
        %add3A_1065 = arith.addf %get3A_1049, %get3A_937 : vector<16xf32>
        %add3A_1066 = arith.constant 0 : i32
        %add3A_1067 = arith.addi %mul3A_394, %add3A_1066 : i32
        %broadcast_in_dim3A_1068 = vector.broadcast %add3A_1067 : i32 to vector<16xi32>
        tpu.vector_store_idx %arg12[%select_n3A_129, %broadcast_in_dim3A_1, %select_n3A_227, %broadcast_in_dim3A_1068], %add3A_1050 : memref<8x1x8x129xf32, #tpu.memory_space<vmem>>[vector<16xi32>, vector<16xi32>, vector<16xi32>, vector<16xi32>], vector<16xf32>,
        %add3A_1069 = arith.constant 1 : i32
        %add3A_1070 = arith.addi %mul3A_394, %add3A_1069 : i32
        %broadcast_in_dim3A_1071 = vector.broadcast %add3A_1070 : i32 to vector<16xi32>
        tpu.vector_store_idx %arg12[%select_n3A_129, %broadcast_in_dim3A_1, %select_n3A_227, %broadcast_in_dim3A_1071], %add3A_1051 : memref<8x1x8x129xf32, #tpu.memory_space<vmem>>[vector<16xi32>, vector<16xi32>, vector<16xi32>, vector<16xi32>], vector<16xf32>,
        %add3A_1072 = arith.constant 2 : i32
        %add3A_1073 = arith.addi %mul3A_394, %add3A_1072 : i32
        %broadcast_in_dim3A_1074 = vector.broadcast %add3A_1073 : i32 to vector<16xi32>
        tpu.vector_store_idx %arg12[%select_n3A_129, %broadcast_in_dim3A_1, %select_n3A_227, %broadcast_in_dim3A_1074], %add3A_1052 : memref<8x1x8x129xf32, #tpu.memory_space<vmem>>[vector<16xi32>, vector<16xi32>, vector<16xi32>, vector<16xi32>], vector<16xf32>,
        %add3A_1075 = arith.constant 3 : i32
        %add3A_1076 = arith.addi %mul3A_394, %add3A_1075 : i32
        %broadcast_in_dim3A_1077 = vector.broadcast %add3A_1076 : i32 to vector<16xi32>
        tpu.vector_store_idx %arg12[%select_n3A_129, %broadcast_in_dim3A_1, %select_n3A_227, %broadcast_in_dim3A_1077], %add3A_1053 : memref<8x1x8x129xf32, #tpu.memory_space<vmem>>[vector<16xi32>, vector<16xi32>, vector<16xi32>, vector<16xi32>], vector<16xf32>,
        %add3A_1078 = arith.constant 4 : i32
        %add3A_1079 = arith.addi %mul3A_394, %add3A_1078 : i32
        %broadcast_in_dim3A_1080 = vector.broadcast %add3A_1079 : i32 to vector<16xi32>
        tpu.vector_store_idx %arg12[%select_n3A_129, %broadcast_in_dim3A_1, %select_n3A_227, %broadcast_in_dim3A_1080], %add3A_1054 : memref<8x1x8x129xf32, #tpu.memory_space<vmem>>[vector<16xi32>, vector<16xi32>, vector<16xi32>, vector<16xi32>], vector<16xf32>,
        %add3A_1081 = arith.constant 5 : i32
        %add3A_1082 = arith.addi %mul3A_394, %add3A_1081 : i32
        %broadcast_in_dim3A_1083 = vector.broadcast %add3A_1082 : i32 to vector<16xi32>
        tpu.vector_store_idx %arg12[%select_n3A_129, %broadcast_in_dim3A_1, %select_n3A_227, %broadcast_in_dim3A_1083], %add3A_1055 : memref<8x1x8x129xf32, #tpu.memory_space<vmem>>[vector<16xi32>, vector<16xi32>, vector<16xi32>, vector<16xi32>], vector<16xf32>,
        %add3A_1084 = arith.constant 6 : i32
        %add3A_1085 = arith.addi %mul3A_394, %add3A_1084 : i32
        %broadcast_in_dim3A_1086 = vector.broadcast %add3A_1085 : i32 to vector<16xi32>
        tpu.vector_store_idx %arg12[%select_n3A_129, %broadcast_in_dim3A_1, %select_n3A_227, %broadcast_in_dim3A_1086], %add3A_1056 : memref<8x1x8x129xf32, #tpu.memory_space<vmem>>[vector<16xi32>, vector<16xi32>, vector<16xi32>, vector<16xi32>], vector<16xf32>,
        %add3A_1087 = arith.constant 7 : i32
        %add3A_1088 = arith.addi %mul3A_394, %add3A_1087 : i32
        %broadcast_in_dim3A_1089 = vector.broadcast %add3A_1088 : i32 to vector<16xi32>
        tpu.vector_store_idx %arg12[%select_n3A_129, %broadcast_in_dim3A_1, %select_n3A_227, %broadcast_in_dim3A_1089], %add3A_1057 : memref<8x1x8x129xf32, #tpu.memory_space<vmem>>[vector<16xi32>, vector<16xi32>, vector<16xi32>, vector<16xi32>], vector<16xf32>,
        %add3A_1090 = arith.constant 8 : i32
        %add3A_1091 = arith.addi %mul3A_394, %add3A_1090 : i32
        %broadcast_in_dim3A_1092 = vector.broadcast %add3A_1091 : i32 to vector<16xi32>
        tpu.vector_store_idx %arg12[%select_n3A_129, %broadcast_in_dim3A_1, %select_n3A_227, %broadcast_in_dim3A_1092], %add3A_1058 : memref<8x1x8x129xf32, #tpu.memory_space<vmem>>[vector<16xi32>, vector<16xi32>, vector<16xi32>, vector<16xi32>], vector<16xf32>,
        %add3A_1093 = arith.constant 9 : i32
        %add3A_1094 = arith.addi %mul3A_394, %add3A_1093 : i32
        %broadcast_in_dim3A_1095 = vector.broadcast %add3A_1094 : i32 to vector<16xi32>
        tpu.vector_store_idx %arg12[%select_n3A_129, %broadcast_in_dim3A_1, %select_n3A_227, %broadcast_in_dim3A_1095], %add3A_1059 : memref<8x1x8x129xf32, #tpu.memory_space<vmem>>[vector<16xi32>, vector<16xi32>, vector<16xi32>, vector<16xi32>], vector<16xf32>,
        %add3A_1096 = arith.constant 10 : i32
        %add3A_1097 = arith.addi %mul3A_394, %add3A_1096 : i32
        %broadcast_in_dim3A_1098 = vector.broadcast %add3A_1097 : i32 to vector<16xi32>
        tpu.vector_store_idx %arg12[%select_n3A_129, %broadcast_in_dim3A_1, %select_n3A_227, %broadcast_in_dim3A_1098], %add3A_1060 : memref<8x1x8x129xf32, #tpu.memory_space<vmem>>[vector<16xi32>, vector<16xi32>, vector<16xi32>, vector<16xi32>], vector<16xf32>,
        %add3A_1099 = arith.constant 11 : i32
        %add3A_1100 = arith.addi %mul3A_394, %add3A_1099 : i32
        %broadcast_in_dim3A_1101 = vector.broadcast %add3A_1100 : i32 to vector<16xi32>
        tpu.vector_store_idx %arg12[%select_n3A_129, %broadcast_in_dim3A_1, %select_n3A_227, %broadcast_in_dim3A_1101], %add3A_1061 : memref<8x1x8x129xf32, #tpu.memory_space<vmem>>[vector<16xi32>, vector<16xi32>, vector<16xi32>, vector<16xi32>], vector<16xf32>,
        %add3A_1102 = arith.constant 12 : i32
        %add3A_1103 = arith.addi %mul3A_394, %add3A_1102 : i32
        %broadcast_in_dim3A_1104 = vector.broadcast %add3A_1103 : i32 to vector<16xi32>
        tpu.vector_store_idx %arg12[%select_n3A_129, %broadcast_in_dim3A_1, %select_n3A_227, %broadcast_in_dim3A_1104], %add3A_1062 : memref<8x1x8x129xf32, #tpu.memory_space<vmem>>[vector<16xi32>, vector<16xi32>, vector<16xi32>, vector<16xi32>], vector<16xf32>,
        %add3A_1105 = arith.constant 13 : i32
        %add3A_1106 = arith.addi %mul3A_394, %add3A_1105 : i32
        %broadcast_in_dim3A_1107 = vector.broadcast %add3A_1106 : i32 to vector<16xi32>
        tpu.vector_store_idx %arg12[%select_n3A_129, %broadcast_in_dim3A_1, %select_n3A_227, %broadcast_in_dim3A_1107], %add3A_1063 : memref<8x1x8x129xf32, #tpu.memory_space<vmem>>[vector<16xi32>, vector<16xi32>, vector<16xi32>, vector<16xi32>], vector<16xf32>,
        %add3A_1108 = arith.constant 14 : i32
        %add3A_1109 = arith.addi %mul3A_394, %add3A_1108 : i32
        %broadcast_in_dim3A_1110 = vector.broadcast %add3A_1109 : i32 to vector<16xi32>
        tpu.vector_store_idx %arg12[%select_n3A_129, %broadcast_in_dim3A_1, %select_n3A_227, %broadcast_in_dim3A_1110], %add3A_1064 : memref<8x1x8x129xf32, #tpu.memory_space<vmem>>[vector<16xi32>, vector<16xi32>, vector<16xi32>, vector<16xi32>], vector<16xf32>,
        %add3A_1111 = arith.constant 15 : i32
        %add3A_1112 = arith.addi %mul3A_394, %add3A_1111 : i32
        %broadcast_in_dim3A_1113 = vector.broadcast %add3A_1112 : i32 to vector<16xi32>
        tpu.vector_store_idx %arg12[%select_n3A_129, %broadcast_in_dim3A_1, %select_n3A_227, %broadcast_in_dim3A_1113], %add3A_1065 : memref<8x1x8x129xf32, #tpu.memory_space<vmem>>[vector<16xi32>, vector<16xi32>, vector<16xi32>, vector<16xi32>], vector<16xf32>,
      }
      %scan3A_316 = arith.constant 8 : i32
      %dma_start3A_317 = arith.constant 0 : i32
      %dma_start3A_318 = arith.constant 0 : i32
      %dma_start3A_319 = arith.constant 0 : i32
      %dma_start3A_320 = arith.constant 0 : i32
      %dma_start3A_321 = tpu.memref_slice %arg12[%dma_start3A_317, %dma_start3A_318, %dma_start3A_319, %dma_start3A_320] : memref<8x1x8x129xf32, #tpu.memory_space<vmem>> -> memref<8x1x8x128xf32, #tpu.memory_space<vmem>>
      %dma_start3A_322 = arith.constant 0 : i32
      %dma_start3A_323 = arith.constant 0 : i32
      %dma_start3A_324 = arith.constant 0 : i32
      %dma_start3A_325 = tpu.memref_slice %arg5[%add3A_292, %dma_start3A_322, %add3A, %dma_start3A_323, %dma_start3A_324] : memref<200x8x32x8x128xf32, #tpu.memory_space<hbm>> -> memref<1x8x1x8x128xf32, #tpu.memory_space<hbm>>
      %dma_start3A_326 = tpu.memref_squeeze %dma_start3A_325 : memref<1x8x1x8x128xf32, #tpu.memory_space<hbm>> -> memref<8x1x8x128xf32, #tpu.memory_space<hbm>>
      %dma_start3A_327 = arith.constant 0 : i32
      %dma_start3A_328 = arith.constant 0 : i32
      %dma_start3A_329 = arith.constant 0 : i32
      %dma_start3A_330 = tpu.memref_slice %arg5[%add3A_292, %dma_start3A_327, %add3A, %dma_start3A_328, %dma_start3A_329] : memref<200x8x32x8x128xf32, #tpu.memory_space<hbm>> -> memref<1x8x1x8x128xf32, #tpu.memory_space<hbm>>
      %dma_start3A_331 = tpu.memref_squeeze %dma_start3A_330 : memref<1x8x1x8x128xf32, #tpu.memory_space<hbm>> -> memref<8x1x8x128xf32, #tpu.memory_space<hbm>>
      %dma_start3A_332 = arith.constant 0 : i32
      %dma_start3A_333 = arith.constant 0 : i32
      %dma_start3A_334 = arith.constant 0 : i32
      %dma_start3A_335 = arith.constant 0 : i32
      %dma_start3A_336 = tpu.memref_slice %arg12[%dma_start3A_332, %dma_start3A_333, %dma_start3A_334, %dma_start3A_335] : memref<8x1x8x129xf32, #tpu.memory_space<vmem>> -> memref<8x1x8x128xf32, #tpu.memory_space<vmem>>
      tpu.enqueue_dma source(%dma_start3A_336 : memref<8x1x8x128xf32, #tpu.memory_space<vmem>>) target(%dma_start3A_331 : memref<8x1x8x128xf32, #tpu.memory_space<hbm>>) target_semaphore(%arg16 : memref<!tpu.dma_semaphore, #tpu.memory_space<semaphore_mem>>)
      %mul3A_337 = arith.constant 2 : i32
      %mul3A_338 = arith.muli %add3A_288, %mul3A_337 : i32
      %add3A_339 = arith.constant 1 : i32
      %add3A_340 = arith.addi %mul3A_338, %add3A_339 : i32
      %lt3A_341 = arith.constant 199 : i32
      %lt3A_342 = arith.cmpi slt, %add3A_340, %lt3A_341 : i32
      %convert_element_type3A_343 = arith.extui %lt3A_342 : i1 to i32
      %cond3A_344 = arith.constant 0 : i32
      %cond3A_345 = arith.cmpi ne, %convert_element_type3A_343, %cond3A_344 : i32
      scf.if %cond3A_345 {
        %add3A_388 = arith.constant 1 : i32
        %add3A_389 = arith.addi %add3A_340, %add3A_388 : i32
        "tpu.region"() ({
          %run_scoped3A = tpu.sem_alloc : memref<!tpu.dma_semaphore, #tpu.memory_space<semaphore_mem>>
          %dma_start3A_402 = arith.constant 0 : i32
          %dma_start3A_403 = tpu.memref_slice %arg2[%add3A, %add3A_389, %dma_start3A_402] : memref<32x200x128xi32, #tpu.memory_space<hbm>> -> memref<1x1x128xi32, #tpu.memory_space<hbm>>
          %dma_start3A_404 = tpu.memref_squeeze %dma_start3A_403 : memref<1x1x128xi32, #tpu.memory_space<hbm>> -> memref<1x128xi32, #tpu.memory_space<hbm>>
          %dma_start3A_405 = arith.constant 0 : i32
          %dma_start3A_406 = tpu.memref_slice %arg2[%add3A, %add3A_389, %dma_start3A_405] : memref<32x200x128xi32, #tpu.memory_space<hbm>> -> memref<1x1x128xi32, #tpu.memory_space<hbm>>
          %dma_start3A_407 = tpu.memref_squeeze %dma_start3A_406 : memref<1x1x128xi32, #tpu.memory_space<hbm>> -> memref<1x128xi32, #tpu.memory_space<hbm>>
          tpu.enqueue_dma source(%dma_start3A_407 : memref<1x128xi32, #tpu.memory_space<hbm>>) target(%arg6 : memref<1x128xi32, #tpu.memory_space<vmem>>) target_semaphore(%run_scoped3A : memref<!tpu.dma_semaphore, #tpu.memory_space<semaphore_mem>>)
          %dma_wait3A_408 = arith.constant 0 : i32
          %dma_wait3A_409 = tpu.memref_slice %arg2[%add3A, %add3A_389, %dma_wait3A_408] : memref<32x200x128xi32, #tpu.memory_space<hbm>> -> memref<1x1x128xi32, #tpu.memory_space<hbm>>
          %dma_wait3A_410 = tpu.memref_squeeze %dma_wait3A_409 : memref<1x1x128xi32, #tpu.memory_space<hbm>> -> memref<1x128xi32, #tpu.memory_space<hbm>>
          %dma_wait3A_411 = arith.constant 0 : i32
          %dma_wait3A_412 = tpu.memref_slice %arg2[%add3A, %add3A_389, %dma_wait3A_411] : memref<32x200x128xi32, #tpu.memory_space<hbm>> -> memref<1x1x128xi32, #tpu.memory_space<hbm>>
          %dma_wait3A_413 = tpu.memref_squeeze %dma_wait3A_412 : memref<1x1x128xi32, #tpu.memory_space<hbm>> -> memref<1x128xi32, #tpu.memory_space<hbm>>
          tpu.wait_dma2 semaphore(%run_scoped3A : memref<!tpu.dma_semaphore, #tpu.memory_space<semaphore_mem>>) src(%dma_wait3A_413 : memref<1x128xi32, #tpu.memory_space<hbm>>) dst(%arg6 : memref<1x128xi32, #tpu.memory_space<vmem>>)
          tpu.yield
        }) : () -> ()
        "tpu.region"() ({
          %run_scoped3A = tpu.sem_alloc : memref<!tpu.dma_semaphore, #tpu.memory_space<semaphore_mem>>
          %dma_start3A_402 = arith.constant 0 : i32
          %dma_start3A_403 = tpu.memref_slice %arg4[%add3A_389, %dma_start3A_402] : memref<200x128xf32, #tpu.memory_space<hbm>> -> memref<1x128xf32, #tpu.memory_space<hbm>>
          %dma_start3A_404 = arith.constant 0 : i32
          %dma_start3A_405 = tpu.memref_slice %arg4[%add3A_389, %dma_start3A_404] : memref<200x128xf32, #tpu.memory_space<hbm>> -> memref<1x128xf32, #tpu.memory_space<hbm>>
          tpu.enqueue_dma source(%dma_start3A_405 : memref<1x128xf32, #tpu.memory_space<hbm>>) target(%arg8 : memref<1x128xf32, #tpu.memory_space<vmem>>) target_semaphore(%run_scoped3A : memref<!tpu.dma_semaphore, #tpu.memory_space<semaphore_mem>>)
          %dma_wait3A_406 = arith.constant 0 : i32
          %dma_wait3A_407 = tpu.memref_slice %arg4[%add3A_389, %dma_wait3A_406] : memref<200x128xf32, #tpu.memory_space<hbm>> -> memref<1x128xf32, #tpu.memory_space<hbm>>
          %dma_wait3A_408 = arith.constant 0 : i32
          %dma_wait3A_409 = tpu.memref_slice %arg4[%add3A_389, %dma_wait3A_408] : memref<200x128xf32, #tpu.memory_space<hbm>> -> memref<1x128xf32, #tpu.memory_space<hbm>>
          tpu.wait_dma2 semaphore(%run_scoped3A : memref<!tpu.dma_semaphore, #tpu.memory_space<semaphore_mem>>) src(%dma_wait3A_409 : memref<1x128xf32, #tpu.memory_space<hbm>>) dst(%arg8 : memref<1x128xf32, #tpu.memory_space<vmem>>)
          tpu.yield
        }) : () -> ()
        %dma_start3A_390 = arith.constant 0 : i32
        %dma_start3A_391 = arith.constant 0 : i32
        %dma_start3A_392 = arith.constant 0 : i32
        %dma_start3A_393 = arith.constant 0 : i32
        %dma_start3A_394 = tpu.memref_slice %arg10[%dma_start3A_391, %dma_start3A_392, %dma_start3A_393] : memref<1x128x128xf32, #tpu.memory_space<vmem>> -> memref<1x128x128xf32, #tpu.memory_space<vmem>>
        %dma_start3A_395 = tpu.memref_squeeze %dma_start3A_394 : memref<1x128x128xf32, #tpu.memory_space<vmem>> -> memref<128x128xf32, #tpu.memory_space<vmem>>
        %dma_start3A_396 = arith.constant 0 : i32
        %dma_start3A_397 = tpu.memref_slice %arg6[%dma_start3A_390, %dma_start3A_396] : memref<1x128xi32, #tpu.memory_space<vmem>> -> memref<1x128xi32, #tpu.memory_space<vmem>>
        %dma_start3A_398 = tpu.memref_squeeze %dma_start3A_397 : memref<1x128xi32, #tpu.memory_space<vmem>> -> memref<128xi32, #tpu.memory_space<vmem>>
        %dma_start3A_399 = arith.constant 0 : i32
        %dma_start3A_400 = arith.constant 0 : i32
        %dma_start3A_401 = tpu.memref_slice %arg3[%dma_start3A_399, %dma_start3A_400] : memref<1000000x128xf32, #tpu.memory_space<hbm>> -> memref<1000000x128xf32, #tpu.memory_space<hbm>>
        tpu.enqueue_indirect_dma source(%dma_start3A_401 : memref<1000000x128xf32, #tpu.memory_space<hbm>>) target(%dma_start3A_395 : memref<128x128xf32, #tpu.memory_space<vmem>>) offsets(%dma_start3A_398 : memref<128xi32, #tpu.memory_space<vmem>>) semaphore(%arg14 : memref<!tpu.dma_semaphore, #tpu.memory_space<semaphore_mem>>)
      } else {
      }
      %dma_wait3A_346 = arith.constant 0 : i32
      %dma_wait3A_347 = arith.constant 0 : i32
      %dma_wait3A_348 = arith.constant 0 : i32
      %dma_wait3A_349 = arith.constant 0 : i32
      %dma_wait3A_350 = tpu.memref_slice %arg11[%dma_wait3A_347, %dma_wait3A_348, %dma_wait3A_349] : memref<1x128x128xf32, #tpu.memory_space<vmem>> -> memref<1x128x128xf32, #tpu.memory_space<vmem>>
      %dma_wait3A_351 = tpu.memref_squeeze %dma_wait3A_350 : memref<1x128x128xf32, #tpu.memory_space<vmem>> -> memref<128x128xf32, #tpu.memory_space<vmem>>
      %dma_wait3A_352 = arith.constant 0 : i32
      %dma_wait3A_353 = tpu.memref_slice %arg7[%dma_wait3A_346, %dma_wait3A_352] : memref<1x128xi32, #tpu.memory_space<vmem>> -> memref<1x128xi32, #tpu.memory_space<vmem>>
      %dma_wait3A_354 = tpu.memref_squeeze %dma_wait3A_353 : memref<1x128xi32, #tpu.memory_space<vmem>> -> memref<128xi32, #tpu.memory_space<vmem>>
      %dma_wait3A_355 = arith.constant 0 : i32
      %dma_wait3A_356 = arith.constant 0 : i32
      %dma_wait3A_357 = tpu.memref_slice %arg3[%dma_wait3A_355, %dma_wait3A_356] : memref<1000000x128xf32, #tpu.memory_space<hbm>> -> memref<1000000x128xf32, #tpu.memory_space<hbm>>
      tpu.wait_indirect_dma semaphore(%arg15 : memref<!tpu.dma_semaphore, #tpu.memory_space<semaphore_mem>>) src(%dma_wait3A_357 : memref<1000000x128xf32, #tpu.memory_space<hbm>>) dst(%dma_wait3A_351 : memref<128x128xf32, #tpu.memory_space<vmem>>)
      %ge3A_358 = arith.constant 2 : i32
      %ge3A_359 = arith.cmpi sge, %add3A_340, %ge3A_358 : i32
      %convert_element_type3A_360 = arith.extui %ge3A_359 : i1 to i32
      %cond3A_361 = arith.constant 0 : i32
      %cond3A_362 = arith.cmpi ne, %convert_element_type3A_360, %cond3A_361 : i32
      scf.if %cond3A_362 {
        %sub3A_388 = arith.constant 2 : i32
        %sub3A_389 = arith.subi %add3A_340, %sub3A_388 : i32
        %dma_wait3A_390 = arith.constant 0 : i32
        %dma_wait3A_391 = arith.constant 0 : i32
        %dma_wait3A_392 = arith.constant 0 : i32
        %dma_wait3A_393 = arith.constant 0 : i32
        %dma_wait3A_394 = tpu.memref_slice %arg13[%dma_wait3A_390, %dma_wait3A_391, %dma_wait3A_392, %dma_wait3A_393] : memref<8x1x8x129xf32, #tpu.memory_space<vmem>> -> memref<8x1x8x128xf32, #tpu.memory_space<vmem>>
        %dma_wait3A_395 = arith.constant 0 : i32
        %dma_wait3A_396 = arith.constant 0 : i32
        %dma_wait3A_397 = arith.constant 0 : i32
        %dma_wait3A_398 = tpu.memref_slice %arg5[%sub3A_389, %dma_wait3A_395, %add3A, %dma_wait3A_396, %dma_wait3A_397] : memref<200x8x32x8x128xf32, #tpu.memory_space<hbm>> -> memref<1x8x1x8x128xf32, #tpu.memory_space<hbm>>
        %dma_wait3A_399 = tpu.memref_squeeze %dma_wait3A_398 : memref<1x8x1x8x128xf32, #tpu.memory_space<hbm>> -> memref<8x1x8x128xf32, #tpu.memory_space<hbm>>
        %dma_wait3A_400 = arith.constant 0 : i32
        %dma_wait3A_401 = arith.constant 0 : i32
        %dma_wait3A_402 = arith.constant 0 : i32
        %dma_wait3A_403 = tpu.memref_slice %arg5[%sub3A_389, %dma_wait3A_400, %add3A, %dma_wait3A_401, %dma_wait3A_402] : memref<200x8x32x8x128xf32, #tpu.memory_space<hbm>> -> memref<1x8x1x8x128xf32, #tpu.memory_space<hbm>>
        %dma_wait3A_404 = tpu.memref_squeeze %dma_wait3A_403 : memref<1x8x1x8x128xf32, #tpu.memory_space<hbm>> -> memref<8x1x8x128xf32, #tpu.memory_space<hbm>>
        %dma_wait3A_405 = arith.constant 0 : i32
        %dma_wait3A_406 = arith.constant 0 : i32
        %dma_wait3A_407 = arith.constant 0 : i32
        %dma_wait3A_408 = arith.constant 0 : i32
        %dma_wait3A_409 = tpu.memref_slice %arg13[%dma_wait3A_405, %dma_wait3A_406, %dma_wait3A_407, %dma_wait3A_408] : memref<8x1x8x129xf32, #tpu.memory_space<vmem>> -> memref<8x1x8x128xf32, #tpu.memory_space<vmem>>
        tpu.wait_dma2 semaphore(%arg16 : memref<!tpu.dma_semaphore, #tpu.memory_space<semaphore_mem>>) src(%dma_wait3A_409 : memref<8x1x8x128xf32, #tpu.memory_space<vmem>>) dst(%dma_wait3A_404 : memref<8x1x8x128xf32, #tpu.memory_space<hbm>>)
      } else {
      }
      %scan3A_363 = arith.constant 0 : i32
      %scan3A_364 = arith.constant 8 : i32
      %scan3A_365 = arith.addi %scan3A_363, %scan3A_364 : i32
      %scan3A_366 = arith.constant 1 : i32
      scf.for %scan3A_388 = %scan3A_363 to %scan3A_365 step %scan3A_366  : i32 {
        %mul3A_389 = arith.constant 1 : i32
        %mul3A_390 = arith.muli %scan3A_388, %mul3A_389 : i32
        %add3A_391 = arith.constant 0 : i32
        %add3A_392 = arith.addi %add3A_391, %mul3A_390 : i32
        %mul3A_393 = arith.constant 16 : i32
        %mul3A_394 = arith.muli %add3A_392, %mul3A_393 : i32
        %get3A = arith.constant 0 : i32
        %get3A_395 = arith.index_cast %get3A : i32 to index
        %get3A_396 = arith.constant 0 : index
        %get3A_397 = tpu.vector_load %arg9[%get3A_395, %get3A_396] {strides = array<i32>} : memref<1x128xf32, #tpu.memory_space<vmem>>, vector<16xf32>,
        %add3A_398 = arith.constant 0 : i32
        %add3A_399 = arith.addi %mul3A_394, %add3A_398 : i32
        %get3A_400 = arith.constant 0 : i32
        %get3A_401 = arith.index_cast %get3A_400 : i32 to index
        %get3A_402 = arith.index_cast %add3A_399 : i32 to index
        %get3A_403 = arith.constant 0 : index
        %get3A_404 = tpu.vector_load %arg11[%get3A_401, %get3A_402, %get3A_403] {strides = array<i32>} : memref<1x128x128xf32, #tpu.memory_space<vmem>>, vector<16xf32>,
        %add3A_405 = arith.constant 1 : i32
        %add3A_406 = arith.addi %mul3A_394, %add3A_405 : i32
        %get3A_407 = arith.constant 0 : i32
        %get3A_408 = arith.index_cast %get3A_407 : i32 to index
        %get3A_409 = arith.index_cast %add3A_406 : i32 to index
        %get3A_410 = arith.constant 0 : index
        %get3A_411 = tpu.vector_load %arg11[%get3A_408, %get3A_409, %get3A_410] {strides = array<i32>} : memref<1x128x128xf32, #tpu.memory_space<vmem>>, vector<16xf32>,
        %add3A_412 = arith.constant 2 : i32
        %add3A_413 = arith.addi %mul3A_394, %add3A_412 : i32
        %get3A_414 = arith.constant 0 : i32
        %get3A_415 = arith.index_cast %get3A_414 : i32 to index
        %get3A_416 = arith.index_cast %add3A_413 : i32 to index
        %get3A_417 = arith.constant 0 : index
        %get3A_418 = tpu.vector_load %arg11[%get3A_415, %get3A_416, %get3A_417] {strides = array<i32>} : memref<1x128x128xf32, #tpu.memory_space<vmem>>, vector<16xf32>,
        %add3A_419 = arith.constant 3 : i32
        %add3A_420 = arith.addi %mul3A_394, %add3A_419 : i32
        %get3A_421 = arith.constant 0 : i32
        %get3A_422 = arith.index_cast %get3A_421 : i32 to index
        %get3A_423 = arith.index_cast %add3A_420 : i32 to index
        %get3A_424 = arith.constant 0 : index
        %get3A_425 = tpu.vector_load %arg11[%get3A_422, %get3A_423, %get3A_424] {strides = array<i32>} : memref<1x128x128xf32, #tpu.memory_space<vmem>>, vector<16xf32>,
        %add3A_426 = arith.constant 4 : i32
        %add3A_427 = arith.addi %mul3A_394, %add3A_426 : i32
        %get3A_428 = arith.constant 0 : i32
        %get3A_429 = arith.index_cast %get3A_428 : i32 to index
        %get3A_430 = arith.index_cast %add3A_427 : i32 to index
        %get3A_431 = arith.constant 0 : index
        %get3A_432 = tpu.vector_load %arg11[%get3A_429, %get3A_430, %get3A_431] {strides = array<i32>} : memref<1x128x128xf32, #tpu.memory_space<vmem>>, vector<16xf32>,
        %add3A_433 = arith.constant 5 : i32
        %add3A_434 = arith.addi %mul3A_394, %add3A_433 : i32
        %get3A_435 = arith.constant 0 : i32
        %get3A_436 = arith.index_cast %get3A_435 : i32 to index
        %get3A_437 = arith.index_cast %add3A_434 : i32 to index
        %get3A_438 = arith.constant 0 : index
        %get3A_439 = tpu.vector_load %arg11[%get3A_436, %get3A_437, %get3A_438] {strides = array<i32>} : memref<1x128x128xf32, #tpu.memory_space<vmem>>, vector<16xf32>,
        %add3A_440 = arith.constant 6 : i32
        %add3A_441 = arith.addi %mul3A_394, %add3A_440 : i32
        %get3A_442 = arith.constant 0 : i32
        %get3A_443 = arith.index_cast %get3A_442 : i32 to index
        %get3A_444 = arith.index_cast %add3A_441 : i32 to index
        %get3A_445 = arith.constant 0 : index
        %get3A_446 = tpu.vector_load %arg11[%get3A_443, %get3A_444, %get3A_445] {strides = array<i32>} : memref<1x128x128xf32, #tpu.memory_space<vmem>>, vector<16xf32>,
        %add3A_447 = arith.constant 7 : i32
        %add3A_448 = arith.addi %mul3A_394, %add3A_447 : i32
        %get3A_449 = arith.constant 0 : i32
        %get3A_450 = arith.index_cast %get3A_449 : i32 to index
        %get3A_451 = arith.index_cast %add3A_448 : i32 to index
        %get3A_452 = arith.constant 0 : index
        %get3A_453 = tpu.vector_load %arg11[%get3A_450, %get3A_451, %get3A_452] {strides = array<i32>} : memref<1x128x128xf32, #tpu.memory_space<vmem>>, vector<16xf32>,
        %add3A_454 = arith.constant 8 : i32
        %add3A_455 = arith.addi %mul3A_394, %add3A_454 : i32
        %get3A_456 = arith.constant 0 : i32
        %get3A_457 = arith.index_cast %get3A_456 : i32 to index
        %get3A_458 = arith.index_cast %add3A_455 : i32 to index
        %get3A_459 = arith.constant 0 : index
        %get3A_460 = tpu.vector_load %arg11[%get3A_457, %get3A_458, %get3A_459] {strides = array<i32>} : memref<1x128x128xf32, #tpu.memory_space<vmem>>, vector<16xf32>,
        %add3A_461 = arith.constant 9 : i32
        %add3A_462 = arith.addi %mul3A_394, %add3A_461 : i32
        %get3A_463 = arith.constant 0 : i32
        %get3A_464 = arith.index_cast %get3A_463 : i32 to index
        %get3A_465 = arith.index_cast %add3A_462 : i32 to index
        %get3A_466 = arith.constant 0 : index
        %get3A_467 = tpu.vector_load %arg11[%get3A_464, %get3A_465, %get3A_466] {strides = array<i32>} : memref<1x128x128xf32, #tpu.memory_space<vmem>>, vector<16xf32>,
        %add3A_468 = arith.constant 10 : i32
        %add3A_469 = arith.addi %mul3A_394, %add3A_468 : i32
        %get3A_470 = arith.constant 0 : i32
        %get3A_471 = arith.index_cast %get3A_470 : i32 to index
        %get3A_472 = arith.index_cast %add3A_469 : i32 to index
        %get3A_473 = arith.constant 0 : index
        %get3A_474 = tpu.vector_load %arg11[%get3A_471, %get3A_472, %get3A_473] {strides = array<i32>} : memref<1x128x128xf32, #tpu.memory_space<vmem>>, vector<16xf32>,
        %add3A_475 = arith.constant 11 : i32
        %add3A_476 = arith.addi %mul3A_394, %add3A_475 : i32
        %get3A_477 = arith.constant 0 : i32
        %get3A_478 = arith.index_cast %get3A_477 : i32 to index
        %get3A_479 = arith.index_cast %add3A_476 : i32 to index
        %get3A_480 = arith.constant 0 : index
        %get3A_481 = tpu.vector_load %arg11[%get3A_478, %get3A_479, %get3A_480] {strides = array<i32>} : memref<1x128x128xf32, #tpu.memory_space<vmem>>, vector<16xf32>,
        %add3A_482 = arith.constant 12 : i32
        %add3A_483 = arith.addi %mul3A_394, %add3A_482 : i32
        %get3A_484 = arith.constant 0 : i32
        %get3A_485 = arith.index_cast %get3A_484 : i32 to index
        %get3A_486 = arith.index_cast %add3A_483 : i32 to index
        %get3A_487 = arith.constant 0 : index
        %get3A_488 = tpu.vector_load %arg11[%get3A_485, %get3A_486, %get3A_487] {strides = array<i32>} : memref<1x128x128xf32, #tpu.memory_space<vmem>>, vector<16xf32>,
        %add3A_489 = arith.constant 13 : i32
        %add3A_490 = arith.addi %mul3A_394, %add3A_489 : i32
        %get3A_491 = arith.constant 0 : i32
        %get3A_492 = arith.index_cast %get3A_491 : i32 to index
        %get3A_493 = arith.index_cast %add3A_490 : i32 to index
        %get3A_494 = arith.constant 0 : index
        %get3A_495 = tpu.vector_load %arg11[%get3A_492, %get3A_493, %get3A_494] {strides = array<i32>} : memref<1x128x128xf32, #tpu.memory_space<vmem>>, vector<16xf32>,
        %add3A_496 = arith.constant 14 : i32
        %add3A_497 = arith.addi %mul3A_394, %add3A_496 : i32
        %get3A_498 = arith.constant 0 : i32
        %get3A_499 = arith.index_cast %get3A_498 : i32 to index
        %get3A_500 = arith.index_cast %add3A_497 : i32 to index
        %get3A_501 = arith.constant 0 : index
        %get3A_502 = tpu.vector_load %arg11[%get3A_499, %get3A_500, %get3A_501] {strides = array<i32>} : memref<1x128x128xf32, #tpu.memory_space<vmem>>, vector<16xf32>,
        %add3A_503 = arith.constant 15 : i32
        %add3A_504 = arith.addi %mul3A_394, %add3A_503 : i32
        %get3A_505 = arith.constant 0 : i32
        %get3A_506 = arith.index_cast %get3A_505 : i32 to index
        %get3A_507 = arith.index_cast %add3A_504 : i32 to index
        %get3A_508 = arith.constant 0 : index
        %get3A_509 = tpu.vector_load %arg11[%get3A_506, %get3A_507, %get3A_508] {strides = array<i32>} : memref<1x128x128xf32, #tpu.memory_space<vmem>>, vector<16xf32>,
        %add3A_510 = arith.addf %get3A_404, %get3A_397 : vector<16xf32>
        %add3A_511 = arith.addf %get3A_411, %get3A_397 : vector<16xf32>
        %add3A_512 = arith.addf %get3A_418, %get3A_397 : vector<16xf32>
        %add3A_513 = arith.addf %get3A_425, %get3A_397 : vector<16xf32>
        %add3A_514 = arith.addf %get3A_432, %get3A_397 : vector<16xf32>
        %add3A_515 = arith.addf %get3A_439, %get3A_397 : vector<16xf32>
        %add3A_516 = arith.addf %get3A_446, %get3A_397 : vector<16xf32>
        %add3A_517 = arith.addf %get3A_453, %get3A_397 : vector<16xf32>
        %add3A_518 = arith.addf %get3A_460, %get3A_397 : vector<16xf32>
        %add3A_519 = arith.addf %get3A_467, %get3A_397 : vector<16xf32>
        %add3A_520 = arith.addf %get3A_474, %get3A_397 : vector<16xf32>
        %add3A_521 = arith.addf %get3A_481, %get3A_397 : vector<16xf32>
        %add3A_522 = arith.addf %get3A_488, %get3A_397 : vector<16xf32>
        %add3A_523 = arith.addf %get3A_495, %get3A_397 : vector<16xf32>
        %add3A_524 = arith.addf %get3A_502, %get3A_397 : vector<16xf32>
        %add3A_525 = arith.addf %get3A_509, %get3A_397 : vector<16xf32>
        %add3A_526 = arith.constant 0 : i32
        %add3A_527 = arith.addi %mul3A_394, %add3A_526 : i32
        %broadcast_in_dim3A_528 = vector.broadcast %add3A_527 : i32 to vector<16xi32>
        tpu.vector_store_idx %arg13[%select_n3A, %broadcast_in_dim3A_1, %select_n3A_152, %broadcast_in_dim3A_528], %add3A_510 : memref<8x1x8x129xf32, #tpu.memory_space<vmem>>[vector<16xi32>, vector<16xi32>, vector<16xi32>, vector<16xi32>], vector<16xf32>,
        %add3A_529 = arith.constant 1 : i32
        %add3A_530 = arith.addi %mul3A_394, %add3A_529 : i32
        %broadcast_in_dim3A_531 = vector.broadcast %add3A_530 : i32 to vector<16xi32>
        tpu.vector_store_idx %arg13[%select_n3A, %broadcast_in_dim3A_1, %select_n3A_152, %broadcast_in_dim3A_531], %add3A_511 : memref<8x1x8x129xf32, #tpu.memory_space<vmem>>[vector<16xi32>, vector<16xi32>, vector<16xi32>, vector<16xi32>], vector<16xf32>,
        %add3A_532 = arith.constant 2 : i32
        %add3A_533 = arith.addi %mul3A_394, %add3A_532 : i32
        %broadcast_in_dim3A_534 = vector.broadcast %add3A_533 : i32 to vector<16xi32>
        tpu.vector_store_idx %arg13[%select_n3A, %broadcast_in_dim3A_1, %select_n3A_152, %broadcast_in_dim3A_534], %add3A_512 : memref<8x1x8x129xf32, #tpu.memory_space<vmem>>[vector<16xi32>, vector<16xi32>, vector<16xi32>, vector<16xi32>], vector<16xf32>,
        %add3A_535 = arith.constant 3 : i32
        %add3A_536 = arith.addi %mul3A_394, %add3A_535 : i32
        %broadcast_in_dim3A_537 = vector.broadcast %add3A_536 : i32 to vector<16xi32>
        tpu.vector_store_idx %arg13[%select_n3A, %broadcast_in_dim3A_1, %select_n3A_152, %broadcast_in_dim3A_537], %add3A_513 : memref<8x1x8x129xf32, #tpu.memory_space<vmem>>[vector<16xi32>, vector<16xi32>, vector<16xi32>, vector<16xi32>], vector<16xf32>,
        %add3A_538 = arith.constant 4 : i32
        %add3A_539 = arith.addi %mul3A_394, %add3A_538 : i32
        %broadcast_in_dim3A_540 = vector.broadcast %add3A_539 : i32 to vector<16xi32>
        tpu.vector_store_idx %arg13[%select_n3A, %broadcast_in_dim3A_1, %select_n3A_152, %broadcast_in_dim3A_540], %add3A_514 : memref<8x1x8x129xf32, #tpu.memory_space<vmem>>[vector<16xi32>, vector<16xi32>, vector<16xi32>, vector<16xi32>], vector<16xf32>,
        %add3A_541 = arith.constant 5 : i32
        %add3A_542 = arith.addi %mul3A_394, %add3A_541 : i32
        %broadcast_in_dim3A_543 = vector.broadcast %add3A_542 : i32 to vector<16xi32>
        tpu.vector_store_idx %arg13[%select_n3A, %broadcast_in_dim3A_1, %select_n3A_152, %broadcast_in_dim3A_543], %add3A_515 : memref<8x1x8x129xf32, #tpu.memory_space<vmem>>[vector<16xi32>, vector<16xi32>, vector<16xi32>, vector<16xi32>], vector<16xf32>,
        %add3A_544 = arith.constant 6 : i32
        %add3A_545 = arith.addi %mul3A_394, %add3A_544 : i32
        %broadcast_in_dim3A_546 = vector.broadcast %add3A_545 : i32 to vector<16xi32>
        tpu.vector_store_idx %arg13[%select_n3A, %broadcast_in_dim3A_1, %select_n3A_152, %broadcast_in_dim3A_546], %add3A_516 : memref<8x1x8x129xf32, #tpu.memory_space<vmem>>[vector<16xi32>, vector<16xi32>, vector<16xi32>, vector<16xi32>], vector<16xf32>,
        %add3A_547 = arith.constant 7 : i32
        %add3A_548 = arith.addi %mul3A_394, %add3A_547 : i32
        %broadcast_in_dim3A_549 = vector.broadcast %add3A_548 : i32 to vector<16xi32>
        tpu.vector_store_idx %arg13[%select_n3A, %broadcast_in_dim3A_1, %select_n3A_152, %broadcast_in_dim3A_549], %add3A_517 : memref<8x1x8x129xf32, #tpu.memory_space<vmem>>[vector<16xi32>, vector<16xi32>, vector<16xi32>, vector<16xi32>], vector<16xf32>,
        %add3A_550 = arith.constant 8 : i32
        %add3A_551 = arith.addi %mul3A_394, %add3A_550 : i32
        %broadcast_in_dim3A_552 = vector.broadcast %add3A_551 : i32 to vector<16xi32>
        tpu.vector_store_idx %arg13[%select_n3A, %broadcast_in_dim3A_1, %select_n3A_152, %broadcast_in_dim3A_552], %add3A_518 : memref<8x1x8x129xf32, #tpu.memory_space<vmem>>[vector<16xi32>, vector<16xi32>, vector<16xi32>, vector<16xi32>], vector<16xf32>,
        %add3A_553 = arith.constant 9 : i32
        %add3A_554 = arith.addi %mul3A_394, %add3A_553 : i32
        %broadcast_in_dim3A_555 = vector.broadcast %add3A_554 : i32 to vector<16xi32>
        tpu.vector_store_idx %arg13[%select_n3A, %broadcast_in_dim3A_1, %select_n3A_152, %broadcast_in_dim3A_555], %add3A_519 : memref<8x1x8x129xf32, #tpu.memory_space<vmem>>[vector<16xi32>, vector<16xi32>, vector<16xi32>, vector<16xi32>], vector<16xf32>,
        %add3A_556 = arith.constant 10 : i32
        %add3A_557 = arith.addi %mul3A_394, %add3A_556 : i32
        %broadcast_in_dim3A_558 = vector.broadcast %add3A_557 : i32 to vector<16xi32>
        tpu.vector_store_idx %arg13[%select_n3A, %broadcast_in_dim3A_1, %select_n3A_152, %broadcast_in_dim3A_558], %add3A_520 : memref<8x1x8x129xf32, #tpu.memory_space<vmem>>[vector<16xi32>, vector<16xi32>, vector<16xi32>, vector<16xi32>], vector<16xf32>,
        %add3A_559 = arith.constant 11 : i32
        %add3A_560 = arith.addi %mul3A_394, %add3A_559 : i32
        %broadcast_in_dim3A_561 = vector.broadcast %add3A_560 : i32 to vector<16xi32>
        tpu.vector_store_idx %arg13[%select_n3A, %broadcast_in_dim3A_1, %select_n3A_152, %broadcast_in_dim3A_561], %add3A_521 : memref<8x1x8x129xf32, #tpu.memory_space<vmem>>[vector<16xi32>, vector<16xi32>, vector<16xi32>, vector<16xi32>], vector<16xf32>,
        %add3A_562 = arith.constant 12 : i32
        %add3A_563 = arith.addi %mul3A_394, %add3A_562 : i32
        %broadcast_in_dim3A_564 = vector.broadcast %add3A_563 : i32 to vector<16xi32>
        tpu.vector_store_idx %arg13[%select_n3A, %broadcast_in_dim3A_1, %select_n3A_152, %broadcast_in_dim3A_564], %add3A_522 : memref<8x1x8x129xf32, #tpu.memory_space<vmem>>[vector<16xi32>, vector<16xi32>, vector<16xi32>, vector<16xi32>], vector<16xf32>,
        %add3A_565 = arith.constant 13 : i32
        %add3A_566 = arith.addi %mul3A_394, %add3A_565 : i32
        %broadcast_in_dim3A_567 = vector.broadcast %add3A_566 : i32 to vector<16xi32>
        tpu.vector_store_idx %arg13[%select_n3A, %broadcast_in_dim3A_1, %select_n3A_152, %broadcast_in_dim3A_567], %add3A_523 : memref<8x1x8x129xf32, #tpu.memory_space<vmem>>[vector<16xi32>, vector<16xi32>, vector<16xi32>, vector<16xi32>], vector<16xf32>,
        %add3A_568 = arith.constant 14 : i32
        %add3A_569 = arith.addi %mul3A_394, %add3A_568 : i32
        %broadcast_in_dim3A_570 = vector.broadcast %add3A_569 : i32 to vector<16xi32>
        tpu.vector_store_idx %arg13[%select_n3A, %broadcast_in_dim3A_1, %select_n3A_152, %broadcast_in_dim3A_570], %add3A_524 : memref<8x1x8x129xf32, #tpu.memory_space<vmem>>[vector<16xi32>, vector<16xi32>, vector<16xi32>, vector<16xi32>], vector<16xf32>,
        %add3A_571 = arith.constant 15 : i32
        %add3A_572 = arith.addi %mul3A_394, %add3A_571 : i32
        %broadcast_in_dim3A_573 = vector.broadcast %add3A_572 : i32 to vector<16xi32>
        tpu.vector_store_idx %arg13[%select_n3A, %broadcast_in_dim3A_1, %select_n3A_152, %broadcast_in_dim3A_573], %add3A_525 : memref<8x1x8x129xf32, #tpu.memory_space<vmem>>[vector<16xi32>, vector<16xi32>, vector<16xi32>, vector<16xi32>], vector<16xf32>,
        %get3A_574 = arith.constant 0 : i32
        %get3A_575 = arith.index_cast %get3A_574 : i32 to index
        %get3A_576 = arith.constant 16 : index
        %get3A_577 = tpu.vector_load %arg9[%get3A_575, %get3A_576] {strides = array<i32>} : memref<1x128xf32, #tpu.memory_space<vmem>>, vector<16xf32>,
        %add3A_578 = arith.constant 0 : i32
        %add3A_579 = arith.addi %mul3A_394, %add3A_578 : i32
        %get3A_580 = arith.constant 0 : i32
        %get3A_581 = arith.index_cast %get3A_580 : i32 to index
        %get3A_582 = arith.index_cast %add3A_579 : i32 to index
        %get3A_583 = arith.constant 16 : index
        %get3A_584 = tpu.vector_load %arg11[%get3A_581, %get3A_582, %get3A_583] {strides = array<i32>} : memref<1x128x128xf32, #tpu.memory_space<vmem>>, vector<16xf32>,
        %add3A_585 = arith.constant 1 : i32
        %add3A_586 = arith.addi %mul3A_394, %add3A_585 : i32
        %get3A_587 = arith.constant 0 : i32
        %get3A_588 = arith.index_cast %get3A_587 : i32 to index
        %get3A_589 = arith.index_cast %add3A_586 : i32 to index
        %get3A_590 = arith.constant 16 : index
        %get3A_591 = tpu.vector_load %arg11[%get3A_588, %get3A_589, %get3A_590] {strides = array<i32>} : memref<1x128x128xf32, #tpu.memory_space<vmem>>, vector<16xf32>,
        %add3A_592 = arith.constant 2 : i32
        %add3A_593 = arith.addi %mul3A_394, %add3A_592 : i32
        %get3A_594 = arith.constant 0 : i32
        %get3A_595 = arith.index_cast %get3A_594 : i32 to index
        %get3A_596 = arith.index_cast %add3A_593 : i32 to index
        %get3A_597 = arith.constant 16 : index
        %get3A_598 = tpu.vector_load %arg11[%get3A_595, %get3A_596, %get3A_597] {strides = array<i32>} : memref<1x128x128xf32, #tpu.memory_space<vmem>>, vector<16xf32>,
        %add3A_599 = arith.constant 3 : i32
        %add3A_600 = arith.addi %mul3A_394, %add3A_599 : i32
        %get3A_601 = arith.constant 0 : i32
        %get3A_602 = arith.index_cast %get3A_601 : i32 to index
        %get3A_603 = arith.index_cast %add3A_600 : i32 to index
        %get3A_604 = arith.constant 16 : index
        %get3A_605 = tpu.vector_load %arg11[%get3A_602, %get3A_603, %get3A_604] {strides = array<i32>} : memref<1x128x128xf32, #tpu.memory_space<vmem>>, vector<16xf32>,
        %add3A_606 = arith.constant 4 : i32
        %add3A_607 = arith.addi %mul3A_394, %add3A_606 : i32
        %get3A_608 = arith.constant 0 : i32
        %get3A_609 = arith.index_cast %get3A_608 : i32 to index
        %get3A_610 = arith.index_cast %add3A_607 : i32 to index
        %get3A_611 = arith.constant 16 : index
        %get3A_612 = tpu.vector_load %arg11[%get3A_609, %get3A_610, %get3A_611] {strides = array<i32>} : memref<1x128x128xf32, #tpu.memory_space<vmem>>, vector<16xf32>,
        %add3A_613 = arith.constant 5 : i32
        %add3A_614 = arith.addi %mul3A_394, %add3A_613 : i32
        %get3A_615 = arith.constant 0 : i32
        %get3A_616 = arith.index_cast %get3A_615 : i32 to index
        %get3A_617 = arith.index_cast %add3A_614 : i32 to index
        %get3A_618 = arith.constant 16 : index
        %get3A_619 = tpu.vector_load %arg11[%get3A_616, %get3A_617, %get3A_618] {strides = array<i32>} : memref<1x128x128xf32, #tpu.memory_space<vmem>>, vector<16xf32>,
        %add3A_620 = arith.constant 6 : i32
        %add3A_621 = arith.addi %mul3A_394, %add3A_620 : i32
        %get3A_622 = arith.constant 0 : i32
        %get3A_623 = arith.index_cast %get3A_622 : i32 to index
        %get3A_624 = arith.index_cast %add3A_621 : i32 to index
        %get3A_625 = arith.constant 16 : index
        %get3A_626 = tpu.vector_load %arg11[%get3A_623, %get3A_624, %get3A_625] {strides = array<i32>} : memref<1x128x128xf32, #tpu.memory_space<vmem>>, vector<16xf32>,
        %add3A_627 = arith.constant 7 : i32
        %add3A_628 = arith.addi %mul3A_394, %add3A_627 : i32
        %get3A_629 = arith.constant 0 : i32
        %get3A_630 = arith.index_cast %get3A_629 : i32 to index
        %get3A_631 = arith.index_cast %add3A_628 : i32 to index
        %get3A_632 = arith.constant 16 : index
        %get3A_633 = tpu.vector_load %arg11[%get3A_630, %get3A_631, %get3A_632] {strides = array<i32>} : memref<1x128x128xf32, #tpu.memory_space<vmem>>, vector<16xf32>,
        %add3A_634 = arith.constant 8 : i32
        %add3A_635 = arith.addi %mul3A_394, %add3A_634 : i32
        %get3A_636 = arith.constant 0 : i32
        %get3A_637 = arith.index_cast %get3A_636 : i32 to index
        %get3A_638 = arith.index_cast %add3A_635 : i32 to index
        %get3A_639 = arith.constant 16 : index
        %get3A_640 = tpu.vector_load %arg11[%get3A_637, %get3A_638, %get3A_639] {strides = array<i32>} : memref<1x128x128xf32, #tpu.memory_space<vmem>>, vector<16xf32>,
        %add3A_641 = arith.constant 9 : i32
        %add3A_642 = arith.addi %mul3A_394, %add3A_641 : i32
        %get3A_643 = arith.constant 0 : i32
        %get3A_644 = arith.index_cast %get3A_643 : i32 to index
        %get3A_645 = arith.index_cast %add3A_642 : i32 to index
        %get3A_646 = arith.constant 16 : index
        %get3A_647 = tpu.vector_load %arg11[%get3A_644, %get3A_645, %get3A_646] {strides = array<i32>} : memref<1x128x128xf32, #tpu.memory_space<vmem>>, vector<16xf32>,
        %add3A_648 = arith.constant 10 : i32
        %add3A_649 = arith.addi %mul3A_394, %add3A_648 : i32
        %get3A_650 = arith.constant 0 : i32
        %get3A_651 = arith.index_cast %get3A_650 : i32 to index
        %get3A_652 = arith.index_cast %add3A_649 : i32 to index
        %get3A_653 = arith.constant 16 : index
        %get3A_654 = tpu.vector_load %arg11[%get3A_651, %get3A_652, %get3A_653] {strides = array<i32>} : memref<1x128x128xf32, #tpu.memory_space<vmem>>, vector<16xf32>,
        %add3A_655 = arith.constant 11 : i32
        %add3A_656 = arith.addi %mul3A_394, %add3A_655 : i32
        %get3A_657 = arith.constant 0 : i32
        %get3A_658 = arith.index_cast %get3A_657 : i32 to index
        %get3A_659 = arith.index_cast %add3A_656 : i32 to index
        %get3A_660 = arith.constant 16 : index
        %get3A_661 = tpu.vector_load %arg11[%get3A_658, %get3A_659, %get3A_660] {strides = array<i32>} : memref<1x128x128xf32, #tpu.memory_space<vmem>>, vector<16xf32>,
        %add3A_662 = arith.constant 12 : i32
        %add3A_663 = arith.addi %mul3A_394, %add3A_662 : i32
        %get3A_664 = arith.constant 0 : i32
        %get3A_665 = arith.index_cast %get3A_664 : i32 to index
        %get3A_666 = arith.index_cast %add3A_663 : i32 to index
        %get3A_667 = arith.constant 16 : index
        %get3A_668 = tpu.vector_load %arg11[%get3A_665, %get3A_666, %get3A_667] {strides = array<i32>} : memref<1x128x128xf32, #tpu.memory_space<vmem>>, vector<16xf32>,
        %add3A_669 = arith.constant 13 : i32
        %add3A_670 = arith.addi %mul3A_394, %add3A_669 : i32
        %get3A_671 = arith.constant 0 : i32
        %get3A_672 = arith.index_cast %get3A_671 : i32 to index
        %get3A_673 = arith.index_cast %add3A_670 : i32 to index
        %get3A_674 = arith.constant 16 : index
        %get3A_675 = tpu.vector_load %arg11[%get3A_672, %get3A_673, %get3A_674] {strides = array<i32>} : memref<1x128x128xf32, #tpu.memory_space<vmem>>, vector<16xf32>,
        %add3A_676 = arith.constant 14 : i32
        %add3A_677 = arith.addi %mul3A_394, %add3A_676 : i32
        %get3A_678 = arith.constant 0 : i32
        %get3A_679 = arith.index_cast %get3A_678 : i32 to index
        %get3A_680 = arith.index_cast %add3A_677 : i32 to index
        %get3A_681 = arith.constant 16 : index
        %get3A_682 = tpu.vector_load %arg11[%get3A_679, %get3A_680, %get3A_681] {strides = array<i32>} : memref<1x128x128xf32, #tpu.memory_space<vmem>>, vector<16xf32>,
        %add3A_683 = arith.constant 15 : i32
        %add3A_684 = arith.addi %mul3A_394, %add3A_683 : i32
        %get3A_685 = arith.constant 0 : i32
        %get3A_686 = arith.index_cast %get3A_685 : i32 to index
        %get3A_687 = arith.index_cast %add3A_684 : i32 to index
        %get3A_688 = arith.constant 16 : index
        %get3A_689 = tpu.vector_load %arg11[%get3A_686, %get3A_687, %get3A_688] {strides = array<i32>} : memref<1x128x128xf32, #tpu.memory_space<vmem>>, vector<16xf32>,
        %add3A_690 = arith.addf %get3A_584, %get3A_577 : vector<16xf32>
        %add3A_691 = arith.addf %get3A_591, %get3A_577 : vector<16xf32>
        %add3A_692 = arith.addf %get3A_598, %get3A_577 : vector<16xf32>
        %add3A_693 = arith.addf %get3A_605, %get3A_577 : vector<16xf32>
        %add3A_694 = arith.addf %get3A_612, %get3A_577 : vector<16xf32>
        %add3A_695 = arith.addf %get3A_619, %get3A_577 : vector<16xf32>
        %add3A_696 = arith.addf %get3A_626, %get3A_577 : vector<16xf32>
        %add3A_697 = arith.addf %get3A_633, %get3A_577 : vector<16xf32>
        %add3A_698 = arith.addf %get3A_640, %get3A_577 : vector<16xf32>
        %add3A_699 = arith.addf %get3A_647, %get3A_577 : vector<16xf32>
        %add3A_700 = arith.addf %get3A_654, %get3A_577 : vector<16xf32>
        %add3A_701 = arith.addf %get3A_661, %get3A_577 : vector<16xf32>
        %add3A_702 = arith.addf %get3A_668, %get3A_577 : vector<16xf32>
        %add3A_703 = arith.addf %get3A_675, %get3A_577 : vector<16xf32>
        %add3A_704 = arith.addf %get3A_682, %get3A_577 : vector<16xf32>
        %add3A_705 = arith.addf %get3A_689, %get3A_577 : vector<16xf32>
        %add3A_706 = arith.constant 0 : i32
        %add3A_707 = arith.addi %mul3A_394, %add3A_706 : i32
        %broadcast_in_dim3A_708 = vector.broadcast %add3A_707 : i32 to vector<16xi32>
        tpu.vector_store_idx %arg13[%select_n3A_61, %broadcast_in_dim3A_1, %select_n3A_177, %broadcast_in_dim3A_708], %add3A_690 : memref<8x1x8x129xf32, #tpu.memory_space<vmem>>[vector<16xi32>, vector<16xi32>, vector<16xi32>, vector<16xi32>], vector<16xf32>,
        %add3A_709 = arith.constant 1 : i32
        %add3A_710 = arith.addi %mul3A_394, %add3A_709 : i32
        %broadcast_in_dim3A_711 = vector.broadcast %add3A_710 : i32 to vector<16xi32>
        tpu.vector_store_idx %arg13[%select_n3A_61, %broadcast_in_dim3A_1, %select_n3A_177, %broadcast_in_dim3A_711], %add3A_691 : memref<8x1x8x129xf32, #tpu.memory_space<vmem>>[vector<16xi32>, vector<16xi32>, vector<16xi32>, vector<16xi32>], vector<16xf32>,
        %add3A_712 = arith.constant 2 : i32
        %add3A_713 = arith.addi %mul3A_394, %add3A_712 : i32
        %broadcast_in_dim3A_714 = vector.broadcast %add3A_713 : i32 to vector<16xi32>
        tpu.vector_store_idx %arg13[%select_n3A_61, %broadcast_in_dim3A_1, %select_n3A_177, %broadcast_in_dim3A_714], %add3A_692 : memref<8x1x8x129xf32, #tpu.memory_space<vmem>>[vector<16xi32>, vector<16xi32>, vector<16xi32>, vector<16xi32>], vector<16xf32>,
        %add3A_715 = arith.constant 3 : i32
        %add3A_716 = arith.addi %mul3A_394, %add3A_715 : i32
        %broadcast_in_dim3A_717 = vector.broadcast %add3A_716 : i32 to vector<16xi32>
        tpu.vector_store_idx %arg13[%select_n3A_61, %broadcast_in_dim3A_1, %select_n3A_177, %broadcast_in_dim3A_717], %add3A_693 : memref<8x1x8x129xf32, #tpu.memory_space<vmem>>[vector<16xi32>, vector<16xi32>, vector<16xi32>, vector<16xi32>], vector<16xf32>,
        %add3A_718 = arith.constant 4 : i32
        %add3A_719 = arith.addi %mul3A_394, %add3A_718 : i32
        %broadcast_in_dim3A_720 = vector.broadcast %add3A_719 : i32 to vector<16xi32>
        tpu.vector_store_idx %arg13[%select_n3A_61, %broadcast_in_dim3A_1, %select_n3A_177, %broadcast_in_dim3A_720], %add3A_694 : memref<8x1x8x129xf32, #tpu.memory_space<vmem>>[vector<16xi32>, vector<16xi32>, vector<16xi32>, vector<16xi32>], vector<16xf32>,
        %add3A_721 = arith.constant 5 : i32
        %add3A_722 = arith.addi %mul3A_394, %add3A_721 : i32
        %broadcast_in_dim3A_723 = vector.broadcast %add3A_722 : i32 to vector<16xi32>
        tpu.vector_store_idx %arg13[%select_n3A_61, %broadcast_in_dim3A_1, %select_n3A_177, %broadcast_in_dim3A_723], %add3A_695 : memref<8x1x8x129xf32, #tpu.memory_space<vmem>>[vector<16xi32>, vector<16xi32>, vector<16xi32>, vector<16xi32>], vector<16xf32>,
        %add3A_724 = arith.constant 6 : i32
        %add3A_725 = arith.addi %mul3A_394, %add3A_724 : i32
        %broadcast_in_dim3A_726 = vector.broadcast %add3A_725 : i32 to vector<16xi32>
        tpu.vector_store_idx %arg13[%select_n3A_61, %broadcast_in_dim3A_1, %select_n3A_177, %broadcast_in_dim3A_726], %add3A_696 : memref<8x1x8x129xf32, #tpu.memory_space<vmem>>[vector<16xi32>, vector<16xi32>, vector<16xi32>, vector<16xi32>], vector<16xf32>,
        %add3A_727 = arith.constant 7 : i32
        %add3A_728 = arith.addi %mul3A_394, %add3A_727 : i32
        %broadcast_in_dim3A_729 = vector.broadcast %add3A_728 : i32 to vector<16xi32>
        tpu.vector_store_idx %arg13[%select_n3A_61, %broadcast_in_dim3A_1, %select_n3A_177, %broadcast_in_dim3A_729], %add3A_697 : memref<8x1x8x129xf32, #tpu.memory_space<vmem>>[vector<16xi32>, vector<16xi32>, vector<16xi32>, vector<16xi32>], vector<16xf32>,
        %add3A_730 = arith.constant 8 : i32
        %add3A_731 = arith.addi %mul3A_394, %add3A_730 : i32
        %broadcast_in_dim3A_732 = vector.broadcast %add3A_731 : i32 to vector<16xi32>
        tpu.vector_store_idx %arg13[%select_n3A_61, %broadcast_in_dim3A_1, %select_n3A_177, %broadcast_in_dim3A_732], %add3A_698 : memref<8x1x8x129xf32, #tpu.memory_space<vmem>>[vector<16xi32>, vector<16xi32>, vector<16xi32>, vector<16xi32>], vector<16xf32>,
        %add3A_733 = arith.constant 9 : i32
        %add3A_734 = arith.addi %mul3A_394, %add3A_733 : i32
        %broadcast_in_dim3A_735 = vector.broadcast %add3A_734 : i32 to vector<16xi32>
        tpu.vector_store_idx %arg13[%select_n3A_61, %broadcast_in_dim3A_1, %select_n3A_177, %broadcast_in_dim3A_735], %add3A_699 : memref<8x1x8x129xf32, #tpu.memory_space<vmem>>[vector<16xi32>, vector<16xi32>, vector<16xi32>, vector<16xi32>], vector<16xf32>,
        %add3A_736 = arith.constant 10 : i32
        %add3A_737 = arith.addi %mul3A_394, %add3A_736 : i32
        %broadcast_in_dim3A_738 = vector.broadcast %add3A_737 : i32 to vector<16xi32>
        tpu.vector_store_idx %arg13[%select_n3A_61, %broadcast_in_dim3A_1, %select_n3A_177, %broadcast_in_dim3A_738], %add3A_700 : memref<8x1x8x129xf32, #tpu.memory_space<vmem>>[vector<16xi32>, vector<16xi32>, vector<16xi32>, vector<16xi32>], vector<16xf32>,
        %add3A_739 = arith.constant 11 : i32
        %add3A_740 = arith.addi %mul3A_394, %add3A_739 : i32
        %broadcast_in_dim3A_741 = vector.broadcast %add3A_740 : i32 to vector<16xi32>
        tpu.vector_store_idx %arg13[%select_n3A_61, %broadcast_in_dim3A_1, %select_n3A_177, %broadcast_in_dim3A_741], %add3A_701 : memref<8x1x8x129xf32, #tpu.memory_space<vmem>>[vector<16xi32>, vector<16xi32>, vector<16xi32>, vector<16xi32>], vector<16xf32>,
        %add3A_742 = arith.constant 12 : i32
        %add3A_743 = arith.addi %mul3A_394, %add3A_742 : i32
        %broadcast_in_dim3A_744 = vector.broadcast %add3A_743 : i32 to vector<16xi32>
        tpu.vector_store_idx %arg13[%select_n3A_61, %broadcast_in_dim3A_1, %select_n3A_177, %broadcast_in_dim3A_744], %add3A_702 : memref<8x1x8x129xf32, #tpu.memory_space<vmem>>[vector<16xi32>, vector<16xi32>, vector<16xi32>, vector<16xi32>], vector<16xf32>,
        %add3A_745 = arith.constant 13 : i32
        %add3A_746 = arith.addi %mul3A_394, %add3A_745 : i32
        %broadcast_in_dim3A_747 = vector.broadcast %add3A_746 : i32 to vector<16xi32>
        tpu.vector_store_idx %arg13[%select_n3A_61, %broadcast_in_dim3A_1, %select_n3A_177, %broadcast_in_dim3A_747], %add3A_703 : memref<8x1x8x129xf32, #tpu.memory_space<vmem>>[vector<16xi32>, vector<16xi32>, vector<16xi32>, vector<16xi32>], vector<16xf32>,
        %add3A_748 = arith.constant 14 : i32
        %add3A_749 = arith.addi %mul3A_394, %add3A_748 : i32
        %broadcast_in_dim3A_750 = vector.broadcast %add3A_749 : i32 to vector<16xi32>
        tpu.vector_store_idx %arg13[%select_n3A_61, %broadcast_in_dim3A_1, %select_n3A_177, %broadcast_in_dim3A_750], %add3A_704 : memref<8x1x8x129xf32, #tpu.memory_space<vmem>>[vector<16xi32>, vector<16xi32>, vector<16xi32>, vector<16xi32>], vector<16xf32>,
        %add3A_751 = arith.constant 15 : i32
        %add3A_752 = arith.addi %mul3A_394, %add3A_751 : i32
        %broadcast_in_dim3A_753 = vector.broadcast %add3A_752 : i32 to vector<16xi32>
        tpu.vector_store_idx %arg13[%select_n3A_61, %broadcast_in_dim3A_1, %select_n3A_177, %broadcast_in_dim3A_753], %add3A_705 : memref<8x1x8x129xf32, #tpu.memory_space<vmem>>[vector<16xi32>, vector<16xi32>, vector<16xi32>, vector<16xi32>], vector<16xf32>,
        %get3A_754 = arith.constant 0 : i32
        %get3A_755 = arith.index_cast %get3A_754 : i32 to index
        %get3A_756 = arith.constant 32 : index
        %get3A_757 = tpu.vector_load %arg9[%get3A_755, %get3A_756] {strides = array<i32>} : memref<1x128xf32, #tpu.memory_space<vmem>>, vector<16xf32>,
        %add3A_758 = arith.constant 0 : i32
        %add3A_759 = arith.addi %mul3A_394, %add3A_758 : i32
        %get3A_760 = arith.constant 0 : i32
        %get3A_761 = arith.index_cast %get3A_760 : i32 to index
        %get3A_762 = arith.index_cast %add3A_759 : i32 to index
        %get3A_763 = arith.constant 32 : index
        %get3A_764 = tpu.vector_load %arg11[%get3A_761, %get3A_762, %get3A_763] {strides = array<i32>} : memref<1x128x128xf32, #tpu.memory_space<vmem>>, vector<16xf32>,
        %add3A_765 = arith.constant 1 : i32
        %add3A_766 = arith.addi %mul3A_394, %add3A_765 : i32
        %get3A_767 = arith.constant 0 : i32
        %get3A_768 = arith.index_cast %get3A_767 : i32 to index
        %get3A_769 = arith.index_cast %add3A_766 : i32 to index
        %get3A_770 = arith.constant 32 : index
        %get3A_771 = tpu.vector_load %arg11[%get3A_768, %get3A_769, %get3A_770] {strides = array<i32>} : memref<1x128x128xf32, #tpu.memory_space<vmem>>, vector<16xf32>,
        %add3A_772 = arith.constant 2 : i32
        %add3A_773 = arith.addi %mul3A_394, %add3A_772 : i32
        %get3A_774 = arith.constant 0 : i32
        %get3A_775 = arith.index_cast %get3A_774 : i32 to index
        %get3A_776 = arith.index_cast %add3A_773 : i32 to index
        %get3A_777 = arith.constant 32 : index
        %get3A_778 = tpu.vector_load %arg11[%get3A_775, %get3A_776, %get3A_777] {strides = array<i32>} : memref<1x128x128xf32, #tpu.memory_space<vmem>>, vector<16xf32>,
        %add3A_779 = arith.constant 3 : i32
        %add3A_780 = arith.addi %mul3A_394, %add3A_779 : i32
        %get3A_781 = arith.constant 0 : i32
        %get3A_782 = arith.index_cast %get3A_781 : i32 to index
        %get3A_783 = arith.index_cast %add3A_780 : i32 to index
        %get3A_784 = arith.constant 32 : index
        %get3A_785 = tpu.vector_load %arg11[%get3A_782, %get3A_783, %get3A_784] {strides = array<i32>} : memref<1x128x128xf32, #tpu.memory_space<vmem>>, vector<16xf32>,
        %add3A_786 = arith.constant 4 : i32
        %add3A_787 = arith.addi %mul3A_394, %add3A_786 : i32
        %get3A_788 = arith.constant 0 : i32
        %get3A_789 = arith.index_cast %get3A_788 : i32 to index
        %get3A_790 = arith.index_cast %add3A_787 : i32 to index
        %get3A_791 = arith.constant 32 : index
        %get3A_792 = tpu.vector_load %arg11[%get3A_789, %get3A_790, %get3A_791] {strides = array<i32>} : memref<1x128x128xf32, #tpu.memory_space<vmem>>, vector<16xf32>,
        %add3A_793 = arith.constant 5 : i32
        %add3A_794 = arith.addi %mul3A_394, %add3A_793 : i32
        %get3A_795 = arith.constant 0 : i32
        %get3A_796 = arith.index_cast %get3A_795 : i32 to index
        %get3A_797 = arith.index_cast %add3A_794 : i32 to index
        %get3A_798 = arith.constant 32 : index
        %get3A_799 = tpu.vector_load %arg11[%get3A_796, %get3A_797, %get3A_798] {strides = array<i32>} : memref<1x128x128xf32, #tpu.memory_space<vmem>>, vector<16xf32>,
        %add3A_800 = arith.constant 6 : i32
        %add3A_801 = arith.addi %mul3A_394, %add3A_800 : i32
        %get3A_802 = arith.constant 0 : i32
        %get3A_803 = arith.index_cast %get3A_802 : i32 to index
        %get3A_804 = arith.index_cast %add3A_801 : i32 to index
        %get3A_805 = arith.constant 32 : index
        %get3A_806 = tpu.vector_load %arg11[%get3A_803, %get3A_804, %get3A_805] {strides = array<i32>} : memref<1x128x128xf32, #tpu.memory_space<vmem>>, vector<16xf32>,
        %add3A_807 = arith.constant 7 : i32
        %add3A_808 = arith.addi %mul3A_394, %add3A_807 : i32
        %get3A_809 = arith.constant 0 : i32
        %get3A_810 = arith.index_cast %get3A_809 : i32 to index
        %get3A_811 = arith.index_cast %add3A_808 : i32 to index
        %get3A_812 = arith.constant 32 : index
        %get3A_813 = tpu.vector_load %arg11[%get3A_810, %get3A_811, %get3A_812] {strides = array<i32>} : memref<1x128x128xf32, #tpu.memory_space<vmem>>, vector<16xf32>,
        %add3A_814 = arith.constant 8 : i32
        %add3A_815 = arith.addi %mul3A_394, %add3A_814 : i32
        %get3A_816 = arith.constant 0 : i32
        %get3A_817 = arith.index_cast %get3A_816 : i32 to index
        %get3A_818 = arith.index_cast %add3A_815 : i32 to index
        %get3A_819 = arith.constant 32 : index
        %get3A_820 = tpu.vector_load %arg11[%get3A_817, %get3A_818, %get3A_819] {strides = array<i32>} : memref<1x128x128xf32, #tpu.memory_space<vmem>>, vector<16xf32>,
        %add3A_821 = arith.constant 9 : i32
        %add3A_822 = arith.addi %mul3A_394, %add3A_821 : i32
        %get3A_823 = arith.constant 0 : i32
        %get3A_824 = arith.index_cast %get3A_823 : i32 to index
        %get3A_825 = arith.index_cast %add3A_822 : i32 to index
        %get3A_826 = arith.constant 32 : index
        %get3A_827 = tpu.vector_load %arg11[%get3A_824, %get3A_825, %get3A_826] {strides = array<i32>} : memref<1x128x128xf32, #tpu.memory_space<vmem>>, vector<16xf32>,
        %add3A_828 = arith.constant 10 : i32
        %add3A_829 = arith.addi %mul3A_394, %add3A_828 : i32
        %get3A_830 = arith.constant 0 : i32
        %get3A_831 = arith.index_cast %get3A_830 : i32 to index
        %get3A_832 = arith.index_cast %add3A_829 : i32 to index
        %get3A_833 = arith.constant 32 : index
        %get3A_834 = tpu.vector_load %arg11[%get3A_831, %get3A_832, %get3A_833] {strides = array<i32>} : memref<1x128x128xf32, #tpu.memory_space<vmem>>, vector<16xf32>,
        %add3A_835 = arith.constant 11 : i32
        %add3A_836 = arith.addi %mul3A_394, %add3A_835 : i32
        %get3A_837 = arith.constant 0 : i32
        %get3A_838 = arith.index_cast %get3A_837 : i32 to index
        %get3A_839 = arith.index_cast %add3A_836 : i32 to index
        %get3A_840 = arith.constant 32 : index
        %get3A_841 = tpu.vector_load %arg11[%get3A_838, %get3A_839, %get3A_840] {strides = array<i32>} : memref<1x128x128xf32, #tpu.memory_space<vmem>>, vector<16xf32>,
        %add3A_842 = arith.constant 12 : i32
        %add3A_843 = arith.addi %mul3A_394, %add3A_842 : i32
        %get3A_844 = arith.constant 0 : i32
        %get3A_845 = arith.index_cast %get3A_844 : i32 to index
        %get3A_846 = arith.index_cast %add3A_843 : i32 to index
        %get3A_847 = arith.constant 32 : index
        %get3A_848 = tpu.vector_load %arg11[%get3A_845, %get3A_846, %get3A_847] {strides = array<i32>} : memref<1x128x128xf32, #tpu.memory_space<vmem>>, vector<16xf32>,
        %add3A_849 = arith.constant 13 : i32
        %add3A_850 = arith.addi %mul3A_394, %add3A_849 : i32
        %get3A_851 = arith.constant 0 : i32
        %get3A_852 = arith.index_cast %get3A_851 : i32 to index
        %get3A_853 = arith.index_cast %add3A_850 : i32 to index
        %get3A_854 = arith.constant 32 : index
        %get3A_855 = tpu.vector_load %arg11[%get3A_852, %get3A_853, %get3A_854] {strides = array<i32>} : memref<1x128x128xf32, #tpu.memory_space<vmem>>, vector<16xf32>,
        %add3A_856 = arith.constant 14 : i32
        %add3A_857 = arith.addi %mul3A_394, %add3A_856 : i32
        %get3A_858 = arith.constant 0 : i32
        %get3A_859 = arith.index_cast %get3A_858 : i32 to index
        %get3A_860 = arith.index_cast %add3A_857 : i32 to index
        %get3A_861 = arith.constant 32 : index
        %get3A_862 = tpu.vector_load %arg11[%get3A_859, %get3A_860, %get3A_861] {strides = array<i32>} : memref<1x128x128xf32, #tpu.memory_space<vmem>>, vector<16xf32>,
        %add3A_863 = arith.constant 15 : i32
        %add3A_864 = arith.addi %mul3A_394, %add3A_863 : i32
        %get3A_865 = arith.constant 0 : i32
        %get3A_866 = arith.index_cast %get3A_865 : i32 to index
        %get3A_867 = arith.index_cast %add3A_864 : i32 to index
        %get3A_868 = arith.constant 32 : index
        %get3A_869 = tpu.vector_load %arg11[%get3A_866, %get3A_867, %get3A_868] {strides = array<i32>} : memref<1x128x128xf32, #tpu.memory_space<vmem>>, vector<16xf32>,
        %add3A_870 = arith.addf %get3A_764, %get3A_757 : vector<16xf32>
        %add3A_871 = arith.addf %get3A_771, %get3A_757 : vector<16xf32>
        %add3A_872 = arith.addf %get3A_778, %get3A_757 : vector<16xf32>
        %add3A_873 = arith.addf %get3A_785, %get3A_757 : vector<16xf32>
        %add3A_874 = arith.addf %get3A_792, %get3A_757 : vector<16xf32>
        %add3A_875 = arith.addf %get3A_799, %get3A_757 : vector<16xf32>
        %add3A_876 = arith.addf %get3A_806, %get3A_757 : vector<16xf32>
        %add3A_877 = arith.addf %get3A_813, %get3A_757 : vector<16xf32>
        %add3A_878 = arith.addf %get3A_820, %get3A_757 : vector<16xf32>
        %add3A_879 = arith.addf %get3A_827, %get3A_757 : vector<16xf32>
        %add3A_880 = arith.addf %get3A_834, %get3A_757 : vector<16xf32>
        %add3A_881 = arith.addf %get3A_841, %get3A_757 : vector<16xf32>
        %add3A_882 = arith.addf %get3A_848, %get3A_757 : vector<16xf32>
        %add3A_883 = arith.addf %get3A_855, %get3A_757 : vector<16xf32>
        %add3A_884 = arith.addf %get3A_862, %get3A_757 : vector<16xf32>
        %add3A_885 = arith.addf %get3A_869, %get3A_757 : vector<16xf32>
        %add3A_886 = arith.constant 0 : i32
        %add3A_887 = arith.addi %mul3A_394, %add3A_886 : i32
        %broadcast_in_dim3A_888 = vector.broadcast %add3A_887 : i32 to vector<16xi32>
        tpu.vector_store_idx %arg13[%select_n3A_95, %broadcast_in_dim3A_1, %select_n3A_202, %broadcast_in_dim3A_888], %add3A_870 : memref<8x1x8x129xf32, #tpu.memory_space<vmem>>[vector<16xi32>, vector<16xi32>, vector<16xi32>, vector<16xi32>], vector<16xf32>,
        %add3A_889 = arith.constant 1 : i32
        %add3A_890 = arith.addi %mul3A_394, %add3A_889 : i32
        %broadcast_in_dim3A_891 = vector.broadcast %add3A_890 : i32 to vector<16xi32>
        tpu.vector_store_idx %arg13[%select_n3A_95, %broadcast_in_dim3A_1, %select_n3A_202, %broadcast_in_dim3A_891], %add3A_871 : memref<8x1x8x129xf32, #tpu.memory_space<vmem>>[vector<16xi32>, vector<16xi32>, vector<16xi32>, vector<16xi32>], vector<16xf32>,
        %add3A_892 = arith.constant 2 : i32
        %add3A_893 = arith.addi %mul3A_394, %add3A_892 : i32
        %broadcast_in_dim3A_894 = vector.broadcast %add3A_893 : i32 to vector<16xi32>
        tpu.vector_store_idx %arg13[%select_n3A_95, %broadcast_in_dim3A_1, %select_n3A_202, %broadcast_in_dim3A_894], %add3A_872 : memref<8x1x8x129xf32, #tpu.memory_space<vmem>>[vector<16xi32>, vector<16xi32>, vector<16xi32>, vector<16xi32>], vector<16xf32>,
        %add3A_895 = arith.constant 3 : i32
        %add3A_896 = arith.addi %mul3A_394, %add3A_895 : i32
        %broadcast_in_dim3A_897 = vector.broadcast %add3A_896 : i32 to vector<16xi32>
        tpu.vector_store_idx %arg13[%select_n3A_95, %broadcast_in_dim3A_1, %select_n3A_202, %broadcast_in_dim3A_897], %add3A_873 : memref<8x1x8x129xf32, #tpu.memory_space<vmem>>[vector<16xi32>, vector<16xi32>, vector<16xi32>, vector<16xi32>], vector<16xf32>,
        %add3A_898 = arith.constant 4 : i32
        %add3A_899 = arith.addi %mul3A_394, %add3A_898 : i32
        %broadcast_in_dim3A_900 = vector.broadcast %add3A_899 : i32 to vector<16xi32>
        tpu.vector_store_idx %arg13[%select_n3A_95, %broadcast_in_dim3A_1, %select_n3A_202, %broadcast_in_dim3A_900], %add3A_874 : memref<8x1x8x129xf32, #tpu.memory_space<vmem>>[vector<16xi32>, vector<16xi32>, vector<16xi32>, vector<16xi32>], vector<16xf32>,
        %add3A_901 = arith.constant 5 : i32
        %add3A_902 = arith.addi %mul3A_394, %add3A_901 : i32
        %broadcast_in_dim3A_903 = vector.broadcast %add3A_902 : i32 to vector<16xi32>
        tpu.vector_store_idx %arg13[%select_n3A_95, %broadcast_in_dim3A_1, %select_n3A_202, %broadcast_in_dim3A_903], %add3A_875 : memref<8x1x8x129xf32, #tpu.memory_space<vmem>>[vector<16xi32>, vector<16xi32>, vector<16xi32>, vector<16xi32>], vector<16xf32>,
        %add3A_904 = arith.constant 6 : i32
        %add3A_905 = arith.addi %mul3A_394, %add3A_904 : i32
        %broadcast_in_dim3A_906 = vector.broadcast %add3A_905 : i32 to vector<16xi32>
        tpu.vector_store_idx %arg13[%select_n3A_95, %broadcast_in_dim3A_1, %select_n3A_202, %broadcast_in_dim3A_906], %add3A_876 : memref<8x1x8x129xf32, #tpu.memory_space<vmem>>[vector<16xi32>, vector<16xi32>, vector<16xi32>, vector<16xi32>], vector<16xf32>,
        %add3A_907 = arith.constant 7 : i32
        %add3A_908 = arith.addi %mul3A_394, %add3A_907 : i32
        %broadcast_in_dim3A_909 = vector.broadcast %add3A_908 : i32 to vector<16xi32>
        tpu.vector_store_idx %arg13[%select_n3A_95, %broadcast_in_dim3A_1, %select_n3A_202, %broadcast_in_dim3A_909], %add3A_877 : memref<8x1x8x129xf32, #tpu.memory_space<vmem>>[vector<16xi32>, vector<16xi32>, vector<16xi32>, vector<16xi32>], vector<16xf32>,
        %add3A_910 = arith.constant 8 : i32
        %add3A_911 = arith.addi %mul3A_394, %add3A_910 : i32
        %broadcast_in_dim3A_912 = vector.broadcast %add3A_911 : i32 to vector<16xi32>
        tpu.vector_store_idx %arg13[%select_n3A_95, %broadcast_in_dim3A_1, %select_n3A_202, %broadcast_in_dim3A_912], %add3A_878 : memref<8x1x8x129xf32, #tpu.memory_space<vmem>>[vector<16xi32>, vector<16xi32>, vector<16xi32>, vector<16xi32>], vector<16xf32>,
        %add3A_913 = arith.constant 9 : i32
        %add3A_914 = arith.addi %mul3A_394, %add3A_913 : i32
        %broadcast_in_dim3A_915 = vector.broadcast %add3A_914 : i32 to vector<16xi32>
        tpu.vector_store_idx %arg13[%select_n3A_95, %broadcast_in_dim3A_1, %select_n3A_202, %broadcast_in_dim3A_915], %add3A_879 : memref<8x1x8x129xf32, #tpu.memory_space<vmem>>[vector<16xi32>, vector<16xi32>, vector<16xi32>, vector<16xi32>], vector<16xf32>,
        %add3A_916 = arith.constant 10 : i32
        %add3A_917 = arith.addi %mul3A_394, %add3A_916 : i32
        %broadcast_in_dim3A_918 = vector.broadcast %add3A_917 : i32 to vector<16xi32>
        tpu.vector_store_idx %arg13[%select_n3A_95, %broadcast_in_dim3A_1, %select_n3A_202, %broadcast_in_dim3A_918], %add3A_880 : memref<8x1x8x129xf32, #tpu.memory_space<vmem>>[vector<16xi32>, vector<16xi32>, vector<16xi32>, vector<16xi32>], vector<16xf32>,
        %add3A_919 = arith.constant 11 : i32
        %add3A_920 = arith.addi %mul3A_394, %add3A_919 : i32
        %broadcast_in_dim3A_921 = vector.broadcast %add3A_920 : i32 to vector<16xi32>
        tpu.vector_store_idx %arg13[%select_n3A_95, %broadcast_in_dim3A_1, %select_n3A_202, %broadcast_in_dim3A_921], %add3A_881 : memref<8x1x8x129xf32, #tpu.memory_space<vmem>>[vector<16xi32>, vector<16xi32>, vector<16xi32>, vector<16xi32>], vector<16xf32>,
        %add3A_922 = arith.constant 12 : i32
        %add3A_923 = arith.addi %mul3A_394, %add3A_922 : i32
        %broadcast_in_dim3A_924 = vector.broadcast %add3A_923 : i32 to vector<16xi32>
        tpu.vector_store_idx %arg13[%select_n3A_95, %broadcast_in_dim3A_1, %select_n3A_202, %broadcast_in_dim3A_924], %add3A_882 : memref<8x1x8x129xf32, #tpu.memory_space<vmem>>[vector<16xi32>, vector<16xi32>, vector<16xi32>, vector<16xi32>], vector<16xf32>,
        %add3A_925 = arith.constant 13 : i32
        %add3A_926 = arith.addi %mul3A_394, %add3A_925 : i32
        %broadcast_in_dim3A_927 = vector.broadcast %add3A_926 : i32 to vector<16xi32>
        tpu.vector_store_idx %arg13[%select_n3A_95, %broadcast_in_dim3A_1, %select_n3A_202, %broadcast_in_dim3A_927], %add3A_883 : memref<8x1x8x129xf32, #tpu.memory_space<vmem>>[vector<16xi32>, vector<16xi32>, vector<16xi32>, vector<16xi32>], vector<16xf32>,
        %add3A_928 = arith.constant 14 : i32
        %add3A_929 = arith.addi %mul3A_394, %add3A_928 : i32
        %broadcast_in_dim3A_930 = vector.broadcast %add3A_929 : i32 to vector<16xi32>
        tpu.vector_store_idx %arg13[%select_n3A_95, %broadcast_in_dim3A_1, %select_n3A_202, %broadcast_in_dim3A_930], %add3A_884 : memref<8x1x8x129xf32, #tpu.memory_space<vmem>>[vector<16xi32>, vector<16xi32>, vector<16xi32>, vector<16xi32>], vector<16xf32>,
        %add3A_931 = arith.constant 15 : i32
        %add3A_932 = arith.addi %mul3A_394, %add3A_931 : i32
        %broadcast_in_dim3A_933 = vector.broadcast %add3A_932 : i32 to vector<16xi32>
        tpu.vector_store_idx %arg13[%select_n3A_95, %broadcast_in_dim3A_1, %select_n3A_202, %broadcast_in_dim3A_933], %add3A_885 : memref<8x1x8x129xf32, #tpu.memory_space<vmem>>[vector<16xi32>, vector<16xi32>, vector<16xi32>, vector<16xi32>], vector<16xf32>,
        %get3A_934 = arith.constant 0 : i32
        %get3A_935 = arith.index_cast %get3A_934 : i32 to index
        %get3A_936 = arith.constant 48 : index
        %get3A_937 = tpu.vector_load %arg9[%get3A_935, %get3A_936] {strides = array<i32>} : memref<1x128xf32, #tpu.memory_space<vmem>>, vector<16xf32>,
        %add3A_938 = arith.constant 0 : i32
        %add3A_939 = arith.addi %mul3A_394, %add3A_938 : i32
        %get3A_940 = arith.constant 0 : i32
        %get3A_941 = arith.index_cast %get3A_940 : i32 to index
        %get3A_942 = arith.index_cast %add3A_939 : i32 to index
        %get3A_943 = arith.constant 48 : index
        %get3A_944 = tpu.vector_load %arg11[%get3A_941, %get3A_942, %get3A_943] {strides = array<i32>} : memref<1x128x128xf32, #tpu.memory_space<vmem>>, vector<16xf32>,
        %add3A_945 = arith.constant 1 : i32
        %add3A_946 = arith.addi %mul3A_394, %add3A_945 : i32
        %get3A_947 = arith.constant 0 : i32
        %get3A_948 = arith.index_cast %get3A_947 : i32 to index
        %get3A_949 = arith.index_cast %add3A_946 : i32 to index
        %get3A_950 = arith.constant 48 : index
        %get3A_951 = tpu.vector_load %arg11[%get3A_948, %get3A_949, %get3A_950] {strides = array<i32>} : memref<1x128x128xf32, #tpu.memory_space<vmem>>, vector<16xf32>,
        %add3A_952 = arith.constant 2 : i32
        %add3A_953 = arith.addi %mul3A_394, %add3A_952 : i32
        %get3A_954 = arith.constant 0 : i32
        %get3A_955 = arith.index_cast %get3A_954 : i32 to index
        %get3A_956 = arith.index_cast %add3A_953 : i32 to index
        %get3A_957 = arith.constant 48 : index
        %get3A_958 = tpu.vector_load %arg11[%get3A_955, %get3A_956, %get3A_957] {strides = array<i32>} : memref<1x128x128xf32, #tpu.memory_space<vmem>>, vector<16xf32>,
        %add3A_959 = arith.constant 3 : i32
        %add3A_960 = arith.addi %mul3A_394, %add3A_959 : i32
        %get3A_961 = arith.constant 0 : i32
        %get3A_962 = arith.index_cast %get3A_961 : i32 to index
        %get3A_963 = arith.index_cast %add3A_960 : i32 to index
        %get3A_964 = arith.constant 48 : index
        %get3A_965 = tpu.vector_load %arg11[%get3A_962, %get3A_963, %get3A_964] {strides = array<i32>} : memref<1x128x128xf32, #tpu.memory_space<vmem>>, vector<16xf32>,
        %add3A_966 = arith.constant 4 : i32
        %add3A_967 = arith.addi %mul3A_394, %add3A_966 : i32
        %get3A_968 = arith.constant 0 : i32
        %get3A_969 = arith.index_cast %get3A_968 : i32 to index
        %get3A_970 = arith.index_cast %add3A_967 : i32 to index
        %get3A_971 = arith.constant 48 : index
        %get3A_972 = tpu.vector_load %arg11[%get3A_969, %get3A_970, %get3A_971] {strides = array<i32>} : memref<1x128x128xf32, #tpu.memory_space<vmem>>, vector<16xf32>,
        %add3A_973 = arith.constant 5 : i32
        %add3A_974 = arith.addi %mul3A_394, %add3A_973 : i32
        %get3A_975 = arith.constant 0 : i32
        %get3A_976 = arith.index_cast %get3A_975 : i32 to index
        %get3A_977 = arith.index_cast %add3A_974 : i32 to index
        %get3A_978 = arith.constant 48 : index
        %get3A_979 = tpu.vector_load %arg11[%get3A_976, %get3A_977, %get3A_978] {strides = array<i32>} : memref<1x128x128xf32, #tpu.memory_space<vmem>>, vector<16xf32>,
        %add3A_980 = arith.constant 6 : i32
        %add3A_981 = arith.addi %mul3A_394, %add3A_980 : i32
        %get3A_982 = arith.constant 0 : i32
        %get3A_983 = arith.index_cast %get3A_982 : i32 to index
        %get3A_984 = arith.index_cast %add3A_981 : i32 to index
        %get3A_985 = arith.constant 48 : index
        %get3A_986 = tpu.vector_load %arg11[%get3A_983, %get3A_984, %get3A_985] {strides = array<i32>} : memref<1x128x128xf32, #tpu.memory_space<vmem>>, vector<16xf32>,
        %add3A_987 = arith.constant 7 : i32
        %add3A_988 = arith.addi %mul3A_394, %add3A_987 : i32
        %get3A_989 = arith.constant 0 : i32
        %get3A_990 = arith.index_cast %get3A_989 : i32 to index
        %get3A_991 = arith.index_cast %add3A_988 : i32 to index
        %get3A_992 = arith.constant 48 : index
        %get3A_993 = tpu.vector_load %arg11[%get3A_990, %get3A_991, %get3A_992] {strides = array<i32>} : memref<1x128x128xf32, #tpu.memory_space<vmem>>, vector<16xf32>,
        %add3A_994 = arith.constant 8 : i32
        %add3A_995 = arith.addi %mul3A_394, %add3A_994 : i32
        %get3A_996 = arith.constant 0 : i32
        %get3A_997 = arith.index_cast %get3A_996 : i32 to index
        %get3A_998 = arith.index_cast %add3A_995 : i32 to index
        %get3A_999 = arith.constant 48 : index
        %get3A_1000 = tpu.vector_load %arg11[%get3A_997, %get3A_998, %get3A_999] {strides = array<i32>} : memref<1x128x128xf32, #tpu.memory_space<vmem>>, vector<16xf32>,
        %add3A_1001 = arith.constant 9 : i32
        %add3A_1002 = arith.addi %mul3A_394, %add3A_1001 : i32
        %get3A_1003 = arith.constant 0 : i32
        %get3A_1004 = arith.index_cast %get3A_1003 : i32 to index
        %get3A_1005 = arith.index_cast %add3A_1002 : i32 to index
        %get3A_1006 = arith.constant 48 : index
        %get3A_1007 = tpu.vector_load %arg11[%get3A_1004, %get3A_1005, %get3A_1006] {strides = array<i32>} : memref<1x128x128xf32, #tpu.memory_space<vmem>>, vector<16xf32>,
        %add3A_1008 = arith.constant 10 : i32
        %add3A_1009 = arith.addi %mul3A_394, %add3A_1008 : i32
        %get3A_1010 = arith.constant 0 : i32
        %get3A_1011 = arith.index_cast %get3A_1010 : i32 to index
        %get3A_1012 = arith.index_cast %add3A_1009 : i32 to index
        %get3A_1013 = arith.constant 48 : index
        %get3A_1014 = tpu.vector_load %arg11[%get3A_1011, %get3A_1012, %get3A_1013] {strides = array<i32>} : memref<1x128x128xf32, #tpu.memory_space<vmem>>, vector<16xf32>,
        %add3A_1015 = arith.constant 11 : i32
        %add3A_1016 = arith.addi %mul3A_394, %add3A_1015 : i32
        %get3A_1017 = arith.constant 0 : i32
        %get3A_1018 = arith.index_cast %get3A_1017 : i32 to index
        %get3A_1019 = arith.index_cast %add3A_1016 : i32 to index
        %get3A_1020 = arith.constant 48 : index
        %get3A_1021 = tpu.vector_load %arg11[%get3A_1018, %get3A_1019, %get3A_1020] {strides = array<i32>} : memref<1x128x128xf32, #tpu.memory_space<vmem>>, vector<16xf32>,
        %add3A_1022 = arith.constant 12 : i32
        %add3A_1023 = arith.addi %mul3A_394, %add3A_1022 : i32
        %get3A_1024 = arith.constant 0 : i32
        %get3A_1025 = arith.index_cast %get3A_1024 : i32 to index
        %get3A_1026 = arith.index_cast %add3A_1023 : i32 to index
        %get3A_1027 = arith.constant 48 : index
        %get3A_1028 = tpu.vector_load %arg11[%get3A_1025, %get3A_1026, %get3A_1027] {strides = array<i32>} : memref<1x128x128xf32, #tpu.memory_space<vmem>>, vector<16xf32>,
        %add3A_1029 = arith.constant 13 : i32
        %add3A_1030 = arith.addi %mul3A_394, %add3A_1029 : i32
        %get3A_1031 = arith.constant 0 : i32
        %get3A_1032 = arith.index_cast %get3A_1031 : i32 to index
        %get3A_1033 = arith.index_cast %add3A_1030 : i32 to index
        %get3A_1034 = arith.constant 48 : index
        %get3A_1035 = tpu.vector_load %arg11[%get3A_1032, %get3A_1033, %get3A_1034] {strides = array<i32>} : memref<1x128x128xf32, #tpu.memory_space<vmem>>, vector<16xf32>,
        %add3A_1036 = arith.constant 14 : i32
        %add3A_1037 = arith.addi %mul3A_394, %add3A_1036 : i32
        %get3A_1038 = arith.constant 0 : i32
        %get3A_1039 = arith.index_cast %get3A_1038 : i32 to index
        %get3A_1040 = arith.index_cast %add3A_1037 : i32 to index
        %get3A_1041 = arith.constant 48 : index
        %get3A_1042 = tpu.vector_load %arg11[%get3A_1039, %get3A_1040, %get3A_1041] {strides = array<i32>} : memref<1x128x128xf32, #tpu.memory_space<vmem>>, vector<16xf32>,
        %add3A_1043 = arith.constant 15 : i32
        %add3A_1044 = arith.addi %mul3A_394, %add3A_1043 : i32
        %get3A_1045 = arith.constant 0 : i32
        %get3A_1046 = arith.index_cast %get3A_1045 : i32 to index
        %get3A_1047 = arith.index_cast %add3A_1044 : i32 to index
        %get3A_1048 = arith.constant 48 : index
        %get3A_1049 = tpu.vector_load %arg11[%get3A_1046, %get3A_1047, %get3A_1048] {strides = array<i32>} : memref<1x128x128xf32, #tpu.memory_space<vmem>>, vector<16xf32>,
        %add3A_1050 = arith.addf %get3A_944, %get3A_937 : vector<16xf32>
        %add3A_1051 = arith.addf %get3A_951, %get3A_937 : vector<16xf32>
        %add3A_1052 = arith.addf %get3A_958, %get3A_937 : vector<16xf32>
        %add3A_1053 = arith.addf %get3A_965, %get3A_937 : vector<16xf32>
        %add3A_1054 = arith.addf %get3A_972, %get3A_937 : vector<16xf32>
        %add3A_1055 = arith.addf %get3A_979, %get3A_937 : vector<16xf32>
        %add3A_1056 = arith.addf %get3A_986, %get3A_937 : vector<16xf32>
        %add3A_1057 = arith.addf %get3A_993, %get3A_937 : vector<16xf32>
        %add3A_1058 = arith.addf %get3A_1000, %get3A_937 : vector<16xf32>
        %add3A_1059 = arith.addf %get3A_1007, %get3A_937 : vector<16xf32>
        %add3A_1060 = arith.addf %get3A_1014, %get3A_937 : vector<16xf32>
        %add3A_1061 = arith.addf %get3A_1021, %get3A_937 : vector<16xf32>
        %add3A_1062 = arith.addf %get3A_1028, %get3A_937 : vector<16xf32>
        %add3A_1063 = arith.addf %get3A_1035, %get3A_937 : vector<16xf32>
        %add3A_1064 = arith.addf %get3A_1042, %get3A_937 : vector<16xf32>
        %add3A_1065 = arith.addf %get3A_1049, %get3A_937 : vector<16xf32>
        %add3A_1066 = arith.constant 0 : i32
        %add3A_1067 = arith.addi %mul3A_394, %add3A_1066 : i32
        %broadcast_in_dim3A_1068 = vector.broadcast %add3A_1067 : i32 to vector<16xi32>
        tpu.vector_store_idx %arg13[%select_n3A_129, %broadcast_in_dim3A_1, %select_n3A_227, %broadcast_in_dim3A_1068], %add3A_1050 : memref<8x1x8x129xf32, #tpu.memory_space<vmem>>[vector<16xi32>, vector<16xi32>, vector<16xi32>, vector<16xi32>], vector<16xf32>,
        %add3A_1069 = arith.constant 1 : i32
        %add3A_1070 = arith.addi %mul3A_394, %add3A_1069 : i32
        %broadcast_in_dim3A_1071 = vector.broadcast %add3A_1070 : i32 to vector<16xi32>
        tpu.vector_store_idx %arg13[%select_n3A_129, %broadcast_in_dim3A_1, %select_n3A_227, %broadcast_in_dim3A_1071], %add3A_1051 : memref<8x1x8x129xf32, #tpu.memory_space<vmem>>[vector<16xi32>, vector<16xi32>, vector<16xi32>, vector<16xi32>], vector<16xf32>,
        %add3A_1072 = arith.constant 2 : i32
        %add3A_1073 = arith.addi %mul3A_394, %add3A_1072 : i32
        %broadcast_in_dim3A_1074 = vector.broadcast %add3A_1073 : i32 to vector<16xi32>
        tpu.vector_store_idx %arg13[%select_n3A_129, %broadcast_in_dim3A_1, %select_n3A_227, %broadcast_in_dim3A_1074], %add3A_1052 : memref<8x1x8x129xf32, #tpu.memory_space<vmem>>[vector<16xi32>, vector<16xi32>, vector<16xi32>, vector<16xi32>], vector<16xf32>,
        %add3A_1075 = arith.constant 3 : i32
        %add3A_1076 = arith.addi %mul3A_394, %add3A_1075 : i32
        %broadcast_in_dim3A_1077 = vector.broadcast %add3A_1076 : i32 to vector<16xi32>
        tpu.vector_store_idx %arg13[%select_n3A_129, %broadcast_in_dim3A_1, %select_n3A_227, %broadcast_in_dim3A_1077], %add3A_1053 : memref<8x1x8x129xf32, #tpu.memory_space<vmem>>[vector<16xi32>, vector<16xi32>, vector<16xi32>, vector<16xi32>], vector<16xf32>,
        %add3A_1078 = arith.constant 4 : i32
        %add3A_1079 = arith.addi %mul3A_394, %add3A_1078 : i32
        %broadcast_in_dim3A_1080 = vector.broadcast %add3A_1079 : i32 to vector<16xi32>
        tpu.vector_store_idx %arg13[%select_n3A_129, %broadcast_in_dim3A_1, %select_n3A_227, %broadcast_in_dim3A_1080], %add3A_1054 : memref<8x1x8x129xf32, #tpu.memory_space<vmem>>[vector<16xi32>, vector<16xi32>, vector<16xi32>, vector<16xi32>], vector<16xf32>,
        %add3A_1081 = arith.constant 5 : i32
        %add3A_1082 = arith.addi %mul3A_394, %add3A_1081 : i32
        %broadcast_in_dim3A_1083 = vector.broadcast %add3A_1082 : i32 to vector<16xi32>
        tpu.vector_store_idx %arg13[%select_n3A_129, %broadcast_in_dim3A_1, %select_n3A_227, %broadcast_in_dim3A_1083], %add3A_1055 : memref<8x1x8x129xf32, #tpu.memory_space<vmem>>[vector<16xi32>, vector<16xi32>, vector<16xi32>, vector<16xi32>], vector<16xf32>,
        %add3A_1084 = arith.constant 6 : i32
        %add3A_1085 = arith.addi %mul3A_394, %add3A_1084 : i32
        %broadcast_in_dim3A_1086 = vector.broadcast %add3A_1085 : i32 to vector<16xi32>
        tpu.vector_store_idx %arg13[%select_n3A_129, %broadcast_in_dim3A_1, %select_n3A_227, %broadcast_in_dim3A_1086], %add3A_1056 : memref<8x1x8x129xf32, #tpu.memory_space<vmem>>[vector<16xi32>, vector<16xi32>, vector<16xi32>, vector<16xi32>], vector<16xf32>,
        %add3A_1087 = arith.constant 7 : i32
        %add3A_1088 = arith.addi %mul3A_394, %add3A_1087 : i32
        %broadcast_in_dim3A_1089 = vector.broadcast %add3A_1088 : i32 to vector<16xi32>
        tpu.vector_store_idx %arg13[%select_n3A_129, %broadcast_in_dim3A_1, %select_n3A_227, %broadcast_in_dim3A_1089], %add3A_1057 : memref<8x1x8x129xf32, #tpu.memory_space<vmem>>[vector<16xi32>, vector<16xi32>, vector<16xi32>, vector<16xi32>], vector<16xf32>,
        %add3A_1090 = arith.constant 8 : i32
        %add3A_1091 = arith.addi %mul3A_394, %add3A_1090 : i32
        %broadcast_in_dim3A_1092 = vector.broadcast %add3A_1091 : i32 to vector<16xi32>
        tpu.vector_store_idx %arg13[%select_n3A_129, %broadcast_in_dim3A_1, %select_n3A_227, %broadcast_in_dim3A_1092], %add3A_1058 : memref<8x1x8x129xf32, #tpu.memory_space<vmem>>[vector<16xi32>, vector<16xi32>, vector<16xi32>, vector<16xi32>], vector<16xf32>,
        %add3A_1093 = arith.constant 9 : i32
        %add3A_1094 = arith.addi %mul3A_394, %add3A_1093 : i32
        %broadcast_in_dim3A_1095 = vector.broadcast %add3A_1094 : i32 to vector<16xi32>
        tpu.vector_store_idx %arg13[%select_n3A_129, %broadcast_in_dim3A_1, %select_n3A_227, %broadcast_in_dim3A_1095], %add3A_1059 : memref<8x1x8x129xf32, #tpu.memory_space<vmem>>[vector<16xi32>, vector<16xi32>, vector<16xi32>, vector<16xi32>], vector<16xf32>,
        %add3A_1096 = arith.constant 10 : i32
        %add3A_1097 = arith.addi %mul3A_394, %add3A_1096 : i32
        %broadcast_in_dim3A_1098 = vector.broadcast %add3A_1097 : i32 to vector<16xi32>
        tpu.vector_store_idx %arg13[%select_n3A_129, %broadcast_in_dim3A_1, %select_n3A_227, %broadcast_in_dim3A_1098], %add3A_1060 : memref<8x1x8x129xf32, #tpu.memory_space<vmem>>[vector<16xi32>, vector<16xi32>, vector<16xi32>, vector<16xi32>], vector<16xf32>,
        %add3A_1099 = arith.constant 11 : i32
        %add3A_1100 = arith.addi %mul3A_394, %add3A_1099 : i32
        %broadcast_in_dim3A_1101 = vector.broadcast %add3A_1100 : i32 to vector<16xi32>
        tpu.vector_store_idx %arg13[%select_n3A_129, %broadcast_in_dim3A_1, %select_n3A_227, %broadcast_in_dim3A_1101], %add3A_1061 : memref<8x1x8x129xf32, #tpu.memory_space<vmem>>[vector<16xi32>, vector<16xi32>, vector<16xi32>, vector<16xi32>], vector<16xf32>,
        %add3A_1102 = arith.constant 12 : i32
        %add3A_1103 = arith.addi %mul3A_394, %add3A_1102 : i32
        %broadcast_in_dim3A_1104 = vector.broadcast %add3A_1103 : i32 to vector<16xi32>
        tpu.vector_store_idx %arg13[%select_n3A_129, %broadcast_in_dim3A_1, %select_n3A_227, %broadcast_in_dim3A_1104], %add3A_1062 : memref<8x1x8x129xf32, #tpu.memory_space<vmem>>[vector<16xi32>, vector<16xi32>, vector<16xi32>, vector<16xi32>], vector<16xf32>,
        %add3A_1105 = arith.constant 13 : i32
        %add3A_1106 = arith.addi %mul3A_394, %add3A_1105 : i32
        %broadcast_in_dim3A_1107 = vector.broadcast %add3A_1106 : i32 to vector<16xi32>
        tpu.vector_store_idx %arg13[%select_n3A_129, %broadcast_in_dim3A_1, %select_n3A_227, %broadcast_in_dim3A_1107], %add3A_1063 : memref<8x1x8x129xf32, #tpu.memory_space<vmem>>[vector<16xi32>, vector<16xi32>, vector<16xi32>, vector<16xi32>], vector<16xf32>,
        %add3A_1108 = arith.constant 14 : i32
        %add3A_1109 = arith.addi %mul3A_394, %add3A_1108 : i32
        %broadcast_in_dim3A_1110 = vector.broadcast %add3A_1109 : i32 to vector<16xi32>
        tpu.vector_store_idx %arg13[%select_n3A_129, %broadcast_in_dim3A_1, %select_n3A_227, %broadcast_in_dim3A_1110], %add3A_1064 : memref<8x1x8x129xf32, #tpu.memory_space<vmem>>[vector<16xi32>, vector<16xi32>, vector<16xi32>, vector<16xi32>], vector<16xf32>,
        %add3A_1111 = arith.constant 15 : i32
        %add3A_1112 = arith.addi %mul3A_394, %add3A_1111 : i32
        %broadcast_in_dim3A_1113 = vector.broadcast %add3A_1112 : i32 to vector<16xi32>
        tpu.vector_store_idx %arg13[%select_n3A_129, %broadcast_in_dim3A_1, %select_n3A_227, %broadcast_in_dim3A_1113], %add3A_1065 : memref<8x1x8x129xf32, #tpu.memory_space<vmem>>[vector<16xi32>, vector<16xi32>, vector<16xi32>, vector<16xi32>], vector<16xf32>,
      }
      %scan3A_367 = arith.constant 8 : i32
      %dma_start3A_368 = arith.constant 0 : i32
      %dma_start3A_369 = arith.constant 0 : i32
      %dma_start3A_370 = arith.constant 0 : i32
      %dma_start3A_371 = arith.constant 0 : i32
      %dma_start3A_372 = tpu.memref_slice %arg13[%dma_start3A_368, %dma_start3A_369, %dma_start3A_370, %dma_start3A_371] : memref<8x1x8x129xf32, #tpu.memory_space<vmem>> -> memref<8x1x8x128xf32, #tpu.memory_space<vmem>>
      %dma_start3A_373 = arith.constant 0 : i32
      %dma_start3A_374 = arith.constant 0 : i32
      %dma_start3A_375 = arith.constant 0 : i32
      %dma_start3A_376 = tpu.memref_slice %arg5[%add3A_340, %dma_start3A_373, %add3A, %dma_start3A_374, %dma_start3A_375] : memref<200x8x32x8x128xf32, #tpu.memory_space<hbm>> -> memref<1x8x1x8x128xf32, #tpu.memory_space<hbm>>
      %dma_start3A_377 = tpu.memref_squeeze %dma_start3A_376 : memref<1x8x1x8x128xf32, #tpu.memory_space<hbm>> -> memref<8x1x8x128xf32, #tpu.memory_space<hbm>>
      %dma_start3A_378 = arith.constant 0 : i32
      %dma_start3A_379 = arith.constant 0 : i32
      %dma_start3A_380 = arith.constant 0 : i32
      %dma_start3A_381 = tpu.memref_slice %arg5[%add3A_340, %dma_start3A_378, %add3A, %dma_start3A_379, %dma_start3A_380] : memref<200x8x32x8x128xf32, #tpu.memory_space<hbm>> -> memref<1x8x1x8x128xf32, #tpu.memory_space<hbm>>
      %dma_start3A_382 = tpu.memref_squeeze %dma_start3A_381 : memref<1x8x1x8x128xf32, #tpu.memory_space<hbm>> -> memref<8x1x8x128xf32, #tpu.memory_space<hbm>>
      %dma_start3A_383 = arith.constant 0 : i32
      %dma_start3A_384 = arith.constant 0 : i32
      %dma_start3A_385 = arith.constant 0 : i32
      %dma_start3A_386 = arith.constant 0 : i32
      %dma_start3A_387 = tpu.memref_slice %arg13[%dma_start3A_383, %dma_start3A_384, %dma_start3A_385, %dma_start3A_386] : memref<8x1x8x129xf32, #tpu.memory_space<vmem>> -> memref<8x1x8x128xf32, #tpu.memory_space<vmem>>
      tpu.enqueue_dma source(%dma_start3A_387 : memref<8x1x8x128xf32, #tpu.memory_space<vmem>>) target(%dma_start3A_382 : memref<8x1x8x128xf32, #tpu.memory_space<hbm>>) target_semaphore(%arg16 : memref<!tpu.dma_semaphore, #tpu.memory_space<semaphore_mem>>)
    }
    %scan3A_242 = arith.constant 100 : i32
    %dma_wait3A = arith.constant 198 : i32
    %dma_wait3A_243 = arith.constant 0 : i32
    %dma_wait3A_244 = arith.constant 0 : i32
    %dma_wait3A_245 = arith.constant 0 : i32
    %dma_wait3A_246 = arith.constant 0 : i32
    %dma_wait3A_247 = tpu.memref_slice %arg12[%dma_wait3A_243, %dma_wait3A_244, %dma_wait3A_245, %dma_wait3A_246] : memref<8x1x8x129xf32, #tpu.memory_space<vmem>> -> memref<8x1x8x128xf32, #tpu.memory_space<vmem>>
    %dma_wait3A_248 = arith.constant 0 : i32
    %dma_wait3A_249 = arith.constant 0 : i32
    %dma_wait3A_250 = arith.constant 0 : i32
    %dma_wait3A_251 = tpu.memref_slice %arg5[%dma_wait3A, %dma_wait3A_248, %add3A, %dma_wait3A_249, %dma_wait3A_250] : memref<200x8x32x8x128xf32, #tpu.memory_space<hbm>> -> memref<1x8x1x8x128xf32, #tpu.memory_space<hbm>>
    %dma_wait3A_252 = tpu.memref_squeeze %dma_wait3A_251 : memref<1x8x1x8x128xf32, #tpu.memory_space<hbm>> -> memref<8x1x8x128xf32, #tpu.memory_space<hbm>>
    %dma_wait3A_253 = arith.constant 0 : i32
    %dma_wait3A_254 = arith.constant 0 : i32
    %dma_wait3A_255 = arith.constant 0 : i32
    %dma_wait3A_256 = tpu.memref_slice %arg5[%dma_wait3A, %dma_wait3A_253, %add3A, %dma_wait3A_254, %dma_wait3A_255] : memref<200x8x32x8x128xf32, #tpu.memory_space<hbm>> -> memref<1x8x1x8x128xf32, #tpu.memory_space<hbm>>
    %dma_wait3A_257 = tpu.memref_squeeze %dma_wait3A_256 : memref<1x8x1x8x128xf32, #tpu.memory_space<hbm>> -> memref<8x1x8x128xf32, #tpu.memory_space<hbm>>
    %dma_wait3A_258 = arith.constant 0 : i32
    %dma_wait3A_259 = arith.constant 0 : i32
    %dma_wait3A_260 = arith.constant 0 : i32
    %dma_wait3A_261 = arith.constant 0 : i32
    %dma_wait3A_262 = tpu.memref_slice %arg12[%dma_wait3A_258, %dma_wait3A_259, %dma_wait3A_260, %dma_wait3A_261] : memref<8x1x8x129xf32, #tpu.memory_space<vmem>> -> memref<8x1x8x128xf32, #tpu.memory_space<vmem>>
    tpu.wait_dma2 semaphore(%arg16 : memref<!tpu.dma_semaphore, #tpu.memory_space<semaphore_mem>>) src(%dma_wait3A_262 : memref<8x1x8x128xf32, #tpu.memory_space<vmem>>) dst(%dma_wait3A_257 : memref<8x1x8x128xf32, #tpu.memory_space<hbm>>)
    %dma_wait3A_263 = arith.constant 199 : i32
    %dma_wait3A_264 = arith.constant 0 : i32
    %dma_wait3A_265 = arith.constant 0 : i32
    %dma_wait3A_266 = arith.constant 0 : i32
    %dma_wait3A_267 = arith.constant 0 : i32
    %dma_wait3A_268 = tpu.memref_slice %arg13[%dma_wait3A_264, %dma_wait3A_265, %dma_wait3A_266, %dma_wait3A_267] : memref<8x1x8x129xf32, #tpu.memory_space<vmem>> -> memref<8x1x8x128xf32, #tpu.memory_space<vmem>>
    %dma_wait3A_269 = arith.constant 0 : i32
    %dma_wait3A_270 = arith.constant 0 : i32
    %dma_wait3A_271 = arith.constant 0 : i32
    %dma_wait3A_272 = tpu.memref_slice %arg5[%dma_wait3A_263, %dma_wait3A_269, %add3A, %dma_wait3A_270, %dma_wait3A_271] : memref<200x8x32x8x128xf32, #tpu.memory_space<hbm>> -> memref<1x8x1x8x128xf32, #tpu.memory_space<hbm>>
    %dma_wait3A_273 = tpu.memref_squeeze %dma_wait3A_272 : memref<1x8x1x8x128xf32, #tpu.memory_space<hbm>> -> memref<8x1x8x128xf32, #tpu.memory_space<hbm>>
    %dma_wait3A_274 = arith.constant 0 : i32
    %dma_wait3A_275 = arith.constant 0 : i32
    %dma_wait3A_276 = arith.constant 0 : i32
    %dma_wait3A_277 = tpu.memref_slice %arg5[%dma_wait3A_263, %dma_wait3A_274, %add3A, %dma_wait3A_275, %dma_wait3A_276] : memref<200x8x32x8x128xf32, #tpu.memory_space<hbm>> -> memref<1x8x1x8x128xf32, #tpu.memory_space<hbm>>
    %dma_wait3A_278 = tpu.memref_squeeze %dma_wait3A_277 : memref<1x8x1x8x128xf32, #tpu.memory_space<hbm>> -> memref<8x1x8x128xf32, #tpu.memory_space<hbm>>
    %dma_wait3A_279 = arith.constant 0 : i32
    %dma_wait3A_280 = arith.constant 0 : i32
    %dma_wait3A_281 = arith.constant 0 : i32
    %dma_wait3A_282 = arith.constant 0 : i32
    %dma_wait3A_283 = tpu.memref_slice %arg13[%dma_wait3A_279, %dma_wait3A_280, %dma_wait3A_281, %dma_wait3A_282] : memref<8x1x8x129xf32, #tpu.memory_space<vmem>> -> memref<8x1x8x128xf32, #tpu.memory_space<vmem>>
    tpu.wait_dma2 semaphore(%arg16 : memref<!tpu.dma_semaphore, #tpu.memory_space<semaphore_mem>>) src(%dma_wait3A_283 : memref<8x1x8x128xf32, #tpu.memory_space<vmem>>) dst(%dma_wait3A_278 : memref<8x1x8x128xf32, #tpu.memory_space<hbm>>)
    return
  }
}

</mosaic_0001>

<sc_bundles>
// kernel: _embed.3.cloned.1.call-start
scs
__scs_entry_jumppad:
0x0: {  	(pc) =	sbr.rel $0x88, $3  }
0x1: {  	(tag) =	ssettag $0x0;
	lr =	simm.s32 $0x1  }
0x2: {  	[smem:$0x3F9E] =	sst lr;
	_ =	strace $0xD0000000  }
0x3: {  	_ = 	snop  }
0x4: {  	_ = 	snop  }
0x5: {  	_ = 	snop  }
0x6: {  	_ = 	snop  }
0x7: {  	_ = 	snop  }
__scs_overlays_trampoline_lowered:
0x8: {  	[smem:$0x3FAD] =	sst s0  }
0x9: {  	[smem:$0x3FAE] =	sst s1  }
0xa: {  	[smem:$0x3FAF] =	sst s2  }
0xb: {  	[smem:$0x3FB0] =	sst s3  }
0xc: {  	[smem:$0x3FB1] =	sst s4  }
0xd: {  	[smem:$0x3FB2] =	sst s5  }
0xe: {  	[smem:$0x3FB3] =	sst s6  }
0xf: {  	[smem:$0x3FB4] =	sst s7  }
0x10: {  	[smem:$0x3FB5] =	sst s8  }
0x11: {  	[smem:$0x3FB6] =	sst s9;
	s0 =	simm.s32 @!p0 $0x0  }
0x12: {  	s1 =	sld [smem:$0x3F9C];
	s0 =	simm.s32 @p0 $0x1  }
0x13: {  	[smem:$0x3FB7] =	sst s0;
	s0 =	simm.s32 @!p1 $0x0  }
0x14: {  	s2 =	sld [smem:$0x3F9B];
	s0 =	simm.s32 @p1 $0x1  }
0x15: {  	[smem:$0x3FB8] =	sst s0;
	s0 =	simm.s32 @!p2 $0x0  }
0x16: {  	s3 =	sld [smem:$0x3FDB];
	s0 =	simm.s32 @p2 $0x1  }
0x17: {  	s4 =	simm.s32 $0x1BF5;
	[smem:$0x3FBA] =	sst s0  }
0x18: {  	s0 =	sld [smem:$0x3F9D];
	_ =	swait.ge [sflag:s4], $0x0  }
0x19: {  	s7 =	sld [smem:$0x3F9E]  }
0x1a: {  	s8 =	sadd.s32 $0xFFFFE003, lr  }
0x1b: {  	s9 =	sadd.s32 $0xFFFFFEF7, lr;
	s5 =	simm.s32 $0xFFFFFFFF;
	p2 =	slt.u32 s8, $0xFFFFF086  }
0x1c: {  	p1 =	slt.u32 s9, $0xF7A;
	s5 =	simm.s32 @!p2 $0x0  }
0x1d: {  	s5 =	simm.s32 @p1 $0x1;
	p0 =	seq.s32 s7, s2  }
0x1e: {  	s7 =	smul.u32 @!p0 $0xF7A, s2;
	p2 =	seq.s32 @!p0 s5, $0x0  }
0x1f: {  	s9 =	smul.u32 $0xF7A, s1;
	s8 =	simm.s32 @!p0 $0x1BF5;
	p2 =	por !p2, p0  }
0x20: {  	[sflag:s8] =	ssyncset.s32 @!p0 $0xFFFFF086;
	s6 =	sadd.s32 @!p0 s3, s7;
	s7 =	simm.s32 @!p0 $0x108  }
0x21: {  	s3 =	sadd.s32 s3, s9;
	s6 =	sadd.s32 @!p0 $0x88, s6;
	s7 =	simm.s32 @p2 $0x1082  }
0x22: {  	[simem:s7], [sflag:s8] =	dma.local @!p0 [hbm:s6], $0xF7A  }
0x23: {  	s9 =	sor.u32 $0xD0000000, s2;
	s6 =	simm.s32 $0x108;
	_ =	swait.ge @!p0 [sflag:s8], $0x0  }
0x24: {  	s3 =	sadd.s32 $0x88, s3;
	s6 =	simm.s32 @!p1 $0x1082;
	[sflag:s4] =	ssyncset.s32 $0xFFFFF086  }
0x25: {  	[simem:s6], [sflag:s4] =	dma.local [hbm:s3], $0xF7A  }
0x26: {  	[smem:$0x3F9E] =	sst s1;
	(tag) =	ssettag s2;
	_ =	strace s9  }
0x27: {  	s1 =	sld [smem:$0x3FAE]  }
0x28: {  	s2 =	sld [smem:$0x3FAF]  }
0x29: {  	s4 =	sld [smem:$0x3FB1]  }
0x2a: {  	p0 =	seq.s32 s5, $0x0;
	s5 =	sld [smem:$0x3FB2]  }
0x2b: {  	s6 =	sld [smem:$0x3FB3]  }
0x2c: {  	s7 =	sld [smem:$0x3FB4]  }
0x2d: {  	s3 =	simm.s32 $0x108;
	s8 =	sld [smem:$0x3FB5]  }
0x2e: {  	s3 =	simm.s32 @!p0 $0x1082;
	s9 =	sld [smem:$0x3FB6]  }
0x2f: {  	lr =	sadd.s32 s0, s3;
	s0 =	sld [smem:$0x3FAD]  }
0x30: {  	s3 =	sld [smem:$0x3FB0]  }
0x31: {  	[smem:$0x3FB9] =	sst s10  }
0x32: {  	s10 =	sld [smem:$0x3FB7];
	_ =	sdelay $0x3  }
0x33: {  	p0 =	seq.s32 s10, $0x1;
	s10 =	sld [smem:$0x3FB9];
	_ =	sdelay $0x3  }
0x34: {  	[smem:$0x3FB9] =	sst s10  }
0x35: {  	s10 =	sld [smem:$0x3FB8];
	_ =	sdelay $0x3  }
0x36: {  	p1 =	seq.s32 s10, $0x1;
	s10 =	sld [smem:$0x3FB9];
	_ =	sdelay $0x3  }
0x37: {  	[smem:$0x3FB9] =	sst s10  }
0x38: {  	s10 =	sld [smem:$0x3FBA]  }
0x39: {  	_ = 	snop;
	(pc) =	sbr.ind lr, $3  }
0x3a: {  	_ = 	snop  }
0x3b: {  	_ = 	snop  }
0x3c: {  	p2 =	seq.s32 s10, $0x1;
	s10 =	sld [smem:$0x3FB9]  }
0x3d: {  	_ =	shalt  }
0x3e: {  	_ =	shalt  }
0x3f: {  	_ =	shalt  }
0x40: {  	_ =	shalt  }
0x41: {  	_ =	shalt  }
0x42: {  	_ =	shalt  }
0x43: {  	_ =	shalt  }
0x44: {  	_ =	shalt  }
0x45: {  	_ =	shalt  }
0x46: {  	_ =	shalt  }
0x47: {  	_ =	shalt  }
0x48: {  	_ =	shalt  }
0x49: {  	_ =	shalt  }
0x4a: {  	_ =	shalt  }
0x4b: {  	_ =	shalt  }
0x4c: {  	_ =	shalt  }
0x4d: {  	_ =	shalt  }
0x4e: {  	_ =	shalt  }
0x4f: {  	_ =	shalt  }
0x50: {  	_ =	shalt  }
0x51: {  	_ =	shalt  }
0x52: {  	_ =	shalt  }
0x53: {  	_ =	shalt  }
0x54: {  	_ =	shalt  }
0x55: {  	_ =	shalt  }
0x56: {  	_ =	shalt  }
0x57: {  	_ =	shalt  }
0x58: {  	_ =	shalt  }
0x59: {  	_ =	shalt  }
0x5a: {  	_ =	shalt  }
0x5b: {  	_ =	shalt  }
0x5c: {  	_ =	shalt  }
0x5d: {  	_ =	shalt  }
0x5e: {  	_ =	shalt  }
0x5f: {  	_ =	shalt  }
0x60: {  	_ =	shalt  }
0x61: {  	_ =	shalt  }
0x62: {  	_ =	shalt  }
0x63: {  	_ =	shalt  }
0x64: {  	_ =	shalt  }
0x65: {  	_ =	shalt  }
0x66: {  	_ =	shalt  }
0x67: {  	_ =	shalt  }
0x68: {  	_ =	shalt  }
0x69: {  	_ =	shalt  }
0x6a: {  	_ =	shalt  }
0x6b: {  	_ =	shalt  }
0x6c: {  	_ =	shalt  }
0x6d: {  	_ =	shalt  }
0x6e: {  	_ =	shalt  }
0x6f: {  	_ =	shalt  }
0x70: {  	_ =	shalt  }
0x71: {  	_ =	shalt  }
0x72: {  	_ =	shalt  }
0x73: {  	_ =	shalt  }
0x74: {  	_ =	shalt  }
0x75: {  	_ =	shalt  }
0x76: {  	_ =	shalt  }
0x77: {  	_ =	shalt  }
0x78: {  	_ =	shalt  }
0x79: {  	_ =	shalt  }
0x7a: {  	_ =	shalt  }
0x7b: {  	_ =	shalt  }
0x7c: {  	_ =	shalt  }
0x7d: {  	_ =	shalt  }
0x7e: {  	_ =	shalt  }
0x7f: {  	_ =	shalt  }
0x80: {  	_ =	shalt  }
0x81: {  	_ =	shalt  }
0x82: {  	_ =	shalt  }
0x83: {  	_ =	shalt  }
0x84: {  	_ =	shalt  }
0x85: {  	_ =	shalt  }
0x86: {  	_ =	shalt  }
0x87: {  	_ =	shalt  }
.Lfunc_end0:
.L_simem_size_0:
called_computation_lowered:
.L_overlay_start_0:
0x88: {  	s2 =	sld [smem:$0x3FD9]  }
0x89: {  	s3 =	sld [smem:$0x3FFE];
	_ =	sdelay $0x1  }
0x8a: {  	s1 =	srdreg.scid  }
0x8b: {  	s0 =	sand.u32 $0x1, s1  }
0x8c: {  	s18 =	sshll.u32 s0, $0xA;
	s2 =	sadd.s32 s3, s2  }
0x8d: {  	s2 =	sadd.s32 s2, s18  }
0x8e: {  	[smem:$0x3FC5] =	sst s2  }
0x8f: {  	_ = 	snop  }
0x90: {  	s2 =	sld [smem:$0x3FC9]  }
0x91: {  	s19 =	sld [smem:$0x3FC8]  }
0x92: {  	s4 =	sld [smem:$0x3FC7]  }
0x93: {  	s5 =	sld [smem:$0x3FD0];
	(tm) =	ssettm $0x1  }
0x94: {  	s6 =	sld [smem:$0x3FFB];
	_ =	sdelay $0x3  }
0x95: {  	_ =	strace s6  }
0x96: {  	s6 =	sld [smem:$0x3FFC];
	_ =	sdelay $0x3  }
0x97: {  	_ =	strace s6  }
0x98: {  	s6 =	sld [smem:$0x3FFD];
	_ =	sdelay $0x3  }
0x99: {  	_ =	strace s6  }
0x9a: {  	_ =	strace $0x8FFFFFFF  }
0x9b: {  	s20 =	sld [smem:$0x3FDB];
	_ =	sdelay $0x1  }
0x9c: {  	s7 =	simm.s32 $_scs_section_size  }
0x9d: {  	s8 =	simm.s32 $_size__tile_overlayer_lowered;
	s9 =	simm.s32 $_tile_overlayer_lowered  }
0x9e: {  	s23 =	simm.s32 $0x1BFF;
	s22 =	sshll.u32 s9, $0x1;
	s6 =	sadd.s32 s7, s20  }
0x9f: {  	s10 =	simm.s32 $0x0;
	s21 =	sshll.u32 s8, $0x1;
	s8 =	sadd.s32 s22, s6  }
0xa0: {  	[timem:s10], [sflag:s23] =	dma.local [hbm:s8], s21  }
0xa1: {  	_ =	swait.ge [sflag:s23], s21  }
0xa2: {  	s7 =	ssub.s32 $0x0, s21;
	[sflag:s23] =	ssyncset.done $0x0  }
0xa3: {  	[sflag:s23] =	ssyncadd.s32 s7;
	_ =	sdelay $0x1  }
0xa4: {  	s24 =	simm.s32 $0x1B8B  }
0xa5: {  	_ =	swait.ge [sflag:s24], $0x1  }
0xa6: {  	[sflag:s24] =	ssyncset.done $0x0  }
0xa7: {  	s25 =	simm.s32 $0x1B8E;
	[sflag:s24] =	ssyncadd.s32 $0xFFFFFFFF  }
0xa8: {  	s26 =	simm.s32 $execute0_lowered;
	[smem:$0x3FD2] =	sst s25  }
0xa9: {  	s7 =	sshll.u32 s26, $0x1;
	_ =	strace $0x80000046;
	[dreg:$0x1] =	wrdreg $0xFFFFFFFF  }
0xaa: {  	s28 =	simm.s32 $_size_execute0_lowered;
	s6 =	sadd.s32 s6, s7;
	[dreg:$0x0] =	wrdreg $0x0  }
0xab: {  	s7 =	sshll.u32 s28, $0x1;
	[dreg:$0x2] =	wrdreg s6  }
0xac: {  	[dreg:$0x3] =	wrdreg s7  }
0xad: {  	[dreg:$0x4] =	wrdreg $0xC0  }
0xae: {  	_ =	task [dreg:s10], $0x5FFFF  }
0xaf: {  	[dreg:$0x1] =	wrdreg $0xFFFFFFFF  }
0xb0: {  	[dreg:$0x0] =	wrdreg $0x60  }
0xb1: {  	[dreg:$0x2] =	wrdreg s2  }
0xb2: {  	[dreg:$0x3] =	wrdreg s19  }
0xb3: {  	[dreg:$0x4] =	wrdreg s4  }
0xb4: {  	[dreg:$0x5] =	wrdreg s5  }
0xb5: {  	[dreg:$0x6] =	wrdreg $0x9  }
0xb6: {  	_ =	task.clear_ibuf [dreg:s10], $0x7FFFF;
	_ =	strace $0x90000046  }
0xb7: {  	s29 =	simm.s32 $0x9;
	_ =	strace $0x80000048  }
0xb8: {  	_ =	swait.ge [sflag:s29], $0x1  }
0xb9: {  	[sflag:s29] =	ssyncadd.s32 $0xFFFFFFFF  }
0xba: {  	_ =	strace $0x90000048  }
0xbb: {  	_ =	sfence  }
0xbc: {  	s30 =	sld [smem:$0x0];
	_ =	sdelay $0x2  }
0xbd: {  	s31 =	sshll.u32 s1, $0xD;
	s1 =	sshrl.u32 s1, $0x2  }
0xbe: {  	s3 =	sand.u32 $0x4000, s31;
	s1 =	sadd.s32 s1, s30  }
0xbf: {  	s0 =	sor.u32 s3, s0;
	s1 =	sshll.u32 s1, $0x11  }
0xc0: {  	s0 =	sor.u32 s1, s0  }
0xc1: {  	s0 =	sadd.s32 $0x8F2B, s0  }
0xc2: {  	[sflag:s0] =	ssyncadd.remote.s32 $0x1  }
0xc3: {  	_ =	sfence.sel $0xFFFF  }
0xc4: {  	[dreg:$0x0] =	wrdreg $0xFFFFFFFF;
	(pc) =	sbr.abs _section_cstart, $3  }
0xc5: {  	[dreg:$0x1] =	wrdreg $0xFFFFFFFF  }
0xc6: {  	_ =	task.clear_ibuf [dreg:s10], $0x2FFFF;
	_ =	strace $0x9FFFFFFF  }
0xc7: {  	(tm) =	ssettm $0x7FFFFFFF  }
tec
execute0_lowered:
.L_overlay_start_1:
0x0: {  	(tag) =	ssettag $0x1  }
0x1: {  	s0 =	rddreg [dreg:$0x0]  }
0x2: {  	v0 =	vlaneseq.u32;
	s4 =	srdreg.scid;
	s2 =	stileid.u32  }
0x3: {  	s1 =	rddreg [dreg:$0x1];
	v7 =	vmul.u32 $0x88, v0;
	s7 =	sand.u32 $0x1, s4;
	s6 =	sshll.u32 s2, $0x1  }
0x4: {  	s3 =	rddreg [dreg:$0x2];
	s9 =	sor.u32 s7, s6;
	s6 =	simm.s32 $0x0  }
0x5: {  	v5 =	vor.u32 $0x1, v7;
	[smem:$0x7FF] =	sst s6  }
0x6: {  	s5 =	rddreg [dreg:$0x3];
	v6 =	vor.u32 $0x2, v7;
	_ =	strace $0x80000047;
	[tilespmem:$0x1FE60] =	vst v5  }
0x7: {  	v8 =	vor.u32 $0x3, v7;
	[tilespmem:$0x1FE70] =	vst v6  }
0x8: {  	v10 =	vor.u32 $0x4, v7;
	[tilespmem:$0x1FE80] =	vst v8  }
0x9: {  	v11 =	vor.u32 $0x5, v7;
	[tilespmem:$0x1FE90] =	vst v10  }
0xa: {  	v12 =	vor.u32 $0x6, v7;
	[tilespmem:$0x1FEA0] =	vst v11  }
0xb: {  	v13 =	vor.u32 $0x7, v7;
	[tilespmem:$0x1FEB0] =	vst v12  }
0xc: {  	v14 =	vadd.s32 $0x880, v7;
	[tilespmem:$0x1FEC0] =	vst v13  }
0xd: {  	v15 =	vadd.s32 $0x881, v7;
	[tilespmem:$0x1FED0] =	vst v14  }
0xe: {  	v16 =	vadd.s32 $0x882, v7;
	[tilespmem:$0x1FEE0] =	vst v15  }
0xf: {  	v17 =	vadd.s32 $0x883, v7;
	[tilespmem:$0x1FEF0] =	vst v16  }
0x10: {  	v18 =	vadd.s32 $0x884, v7;
	[tilespmem:$0x1FF00] =	vst v17  }
0x11: {  	v19 =	vadd.s32 $0x885, v7;
	[tilespmem:$0x1FF10] =	vst v18  }
0x12: {  	v28 =	vadd.s32 $0x886, v7;
	[tilespmem:$0x1FF20] =	vst v19  }
0x13: {  	v29 =	vadd.s32 $0x887, v7;
	[tilespmem:$0x1FF30] =	vst v28  }
0x14: {  	v30 =	vadd.s32 $0x1100, v7;
	[tilespmem:$0x1FF40] =	vst v29  }
0x15: {  	v31 =	vadd.s32 $0x1101, v7;
	[tilespmem:$0x1FF50] =	vst v30  }
0x16: {  	v32 =	vadd.s32 $0x1102, v7;
	[tilespmem:$0x1FF60] =	vst v31  }
0x17: {  	v9 =	vadd.s32 $0x1103, v7;
	[tilespmem:$0x1FF70] =	vst v32  }
0x18: {  	v27 =	vadd.s32 $0x1104, v7;
	[tilespmem:$0x1FF80] =	vst v9  }
0x19: {  	s11 =	simm.s32 $0x4;
	s12 =	simm.s32 $0x100;
	v2 =	vadd.s32 $0x1105, v7;
	[tilespmem:$0x1FF90] =	vst v27  }
0x1a: {  	s13 =	simm.s32 $0x80;
	s14 =	simm.s32 $0x200;
	s15 =	simm.s32 $0x180;
	v3 =	vadd.s32 $0x1106, v7;
	[tilespmem:$0x1FFA0] =	vst v2  }
0x1b: {  	s16 =	simm.s32 $0x4200;
	s17 =	simm.s32 $0x1;
	s18 =	simm.s32 $0x8200;
	v4 =	vadd.s32 $0x1107, v7;
	[tilespmem:$0x1FFB0] =	vst v3  }
0x1c: {  	v1 =	vimm.s32 $0x0;
	vm0 =	vcmask $0x300;
	s19 =	simm.s32 $0x2;
	s8 =	ssub.s32 $0x2, s7;
	s7 =	smul.u32 $0x6400, s9;
	v62 =	vadd.s32 $0x1980, v7;
	[tilespmem:$0x1FFC0] =	vst v4  }
0x1d: {  	s20 =	simm.s32 $0xA400;
	s21 =	simm.s32 $0x3;
	v1 =	vsel vm0, $0x3, v1;
	s10 =	sshrl.u32 s8, $0x1;
	v63 =	vadd.s32 $0x1981, v7;
	[tilespmem:$0x1FFD0] =	vst v62  }
0x1e: {  	s22 =	simm.s32 $0x0;
	v59 =	vadd.s32 $0x1982, v7;
	v60 =	vadd.s32 $0x1983, v7;
	v61 =	vadd.s32 $0x1984, v7;
	s10 =	ssub.s32 s8, s10;
	[tilespmem:$0x1FFE0] =	vst v7;
	s31 =	sshrl.u32 s7, $0x3  }
0x1f: {  	s9 =	sshll.u32 s9, $0xA;
	v39 =	vadd.s32 $0x1985, v7;
	v34 =	vadd.s32 $0x1986, v7;
	v35 =	vadd.s32 $0x1987, v7;
	[tilespmem:$0x1FFF0] =	vst v63;
	s10 =	smax.u32 s10, $0x1;
	s8 =	sadd.s32 s0, s31  }
.LBB2_1:
0x20: {  	[tilespmem:s6], [sflag:$0x4] =	stream.linear.gather [hbm4b:s8+s6], $0x80, $0x38;
	[tilespmem:$0xC600] =	vst v63  }
0x21: {  	_ =	swait.ge [sflag:s11], $0x80  }
0x22: {  	[sflag:s11] =	ssyncset.done $0x0  }
0x23: {  	[sflag:s11] =	ssyncadd.s32 $0xFFFFFF80  }
0x24: {  	[tilespmem:s12], [sflag:$0x4] =	stream.linear.gather [hbm4b:s3+s6], $0x80, $0x38;
	[tilespmem:$0xC600] =	vst v63  }
0x25: {  	_ =	swait.ge [sflag:s11], $0x80  }
0x26: {  	[sflag:s11] =	ssyncset.done $0x0  }
0x27: {  	s23 =	simm.s32 $0x0;
	[sflag:s11] =	ssyncadd.s32 $0xFFFFFF80  }
0x28: {  	[tilespmem:s14], [sflag:$0x1] =	stream.indirect.gather [hbm4b:s1+s13], $0x80, s6, s13, $0xb8;
	[tilespmem:$0xC600] =	vst v63  }
.LBB2_2:
0x29: {  	s24 =	sshll.u32 s23, $0x8  }
0x2a: {  	s25 =	sor.u32 $0x80, s24  }
0x2b: {  	s26 =	sadd.s32 s7, s25  }
0x2c: {  	s26 =	sshrl.u32 s26, $0x3  }
0x2d: {  	s26 =	sadd.s32 s0, s26  }
0x2e: {  	[tilespmem:s13], [sflag:$0x4] =	stream.linear.gather [hbm4b:s26+s6], $0x80, $0x38;
	[tilespmem:$0xC600] =	vst v63  }
0x2f: {  	_ =	swait.ge [sflag:s11], $0x80  }
0x30: {  	s25 =	sshrl.u32 s25, $0x3;
	[sflag:s11] =	ssyncset.done $0x0  }
0x31: {  	s25 =	sadd.s32 s3, s25;
	[sflag:s11] =	ssyncadd.s32 $0xFFFFFF80  }
0x32: {  	[tilespmem:s15], [sflag:$0x4] =	stream.linear.gather [hbm4b:s25+s6], $0x80, $0x38;
	[tilespmem:$0xC600] =	vst v63  }
0x33: {  	_ =	swait.ge [sflag:s11], $0x80  }
0x34: {  	[sflag:s11] =	ssyncset.done $0x0  }
0x35: {  	[sflag:s11] =	ssyncadd.s32 $0xFFFFFF80  }
0x36: {  	[tilespmem:s16], [sflag:$0x2] =	stream.indirect.gather [hbm4b:s1+s13], $0x80, s13, s13, $0xb8;
	[tilespmem:$0xC600] =	vst v63  }
0x37: {  	_ =	swait.ge [sflag:s17], $0x4000  }
0x38: {  	p0 =	seq.s32 s23, $0x0;
	[sflag:s17] =	ssyncset.done $0x0  }
0x39: {  	s26 =	simm.s32 @!p0 $0x3;
	[sflag:s17] =	ssyncadd.s32 $0xFFFFC000  }
0x3a: {  	_ =	swait.ge @!p0 [sflag:s26], $0x2000  }
0x3b: {  	s28 =	simm.s32 $0x600;
	[sflag:s26] =	ssyncset.done @!p0 $0x0  }
0x3c: {  	v8 =	vmov v2;
	v16 =	vmov v3;
	v17 =	vmov v4;
	s25 =	sshll.u32 s23, $0x1;
	[sflag:s26] =	ssyncadd.s32 @!p0 $0xFFFFE000;
	s26 =	simm.s32 $0xF  }
.LBB2_3:
0x3d: {  	v49 =	vld [tilespmem:$0x100]  }
0x3e: {  	v33 =	vld [tilespmem:s28+$0xFFFFFC00]  }
0x3f: {  	v55 =	vld [tilespmem:s28+$0xFFFFFC80]  }
0x40: {  	v56 =	vld [tilespmem:s28+$0xFFFFFD00]  }
0x41: {  	v36 =	vld [tilespmem:s28+$0xFFFFFD80]  }
0x42: {  	v37 =	vld [tilespmem:s28+$0xFFFFFE00];
	s29 =	sadd.s32 $0xFFFFFFF1, s26;
	s31 =	sadd.s32 $0xFFFFFFF2, s26  }
0x43: {  	v38 =	vld [tilespmem:s28+$0xFFFFFE80];
	s30 =	sadd.s32 $0xFFFFFFF3, s26;
	s4 =	sadd.s32 $0xFFFFFFF4, s26;
	v58 =	vmov s29;
	v20 =	vmov s31  }
0x44: {  	v14 =	vmovc v34;
	v57 =	vld [tilespmem:s28+$0xFFFFFF00];
	v21 =	vmov s30;
	v22 =	vmov s4;
	s31 =	sadd.s32 $0xFFFFFFF5, s26;
	s4 =	sadd.s32 $0xFFFFFFF7, s26;
	v34 =	vshrl.u32 v20, $0x3  }
0x45: {  	v15 =	vmovc v35;
	v40 =	vld [tilespmem:s28+$0xFFFFFF80];
	s30 =	sadd.s32 $0xFFFFFFFB, s26;
	v35 =	vshrl.u32 v21, $0x3;
	v23 =	vmov s31;
	v44 =	vmov s4  }
0x46: {  	v41 =	vld [tilespmem:s28+$0x0];
	s4 =	sadd.s32 $0xFFFFFFFC, s26;
	v3 =	vmov s30;
	v34 =	vshll.u32 v34, v1;
	v35 =	vshll.u32 v35, v1  }
0x47: {  	v42 =	vld [tilespmem:s28+$0x80];
	v3 =	vshrl.u32 v3, $0x3;
	v5 =	vmov s4;
	v43 =	vadd.f32 v33, v49  }
0x48: {  	v34 =	vbroadcast v34, $0x0;
	v45 =	vadd.f32 v55, v49;
	v46 =	vadd.f32 v56, v49  }
0x49: {  	v35 =	vbroadcast v35, $0x0;
	v47 =	vadd.f32 v36, v49;
	v48 =	vadd.f32 v37, v49  }
0x4a: {  	v3 =	vshll.u32 v3, v1;
	v50 =	vadd.f32 v38, v49;
	v51 =	vadd.f32 v57, v49  }
0x4b: {  	v5 =	vshrl.u32 v5, $0x3;
	v52 =	vadd.f32 v40, v49;
	v53 =	vadd.f32 v41, v49  }
0x4c: {  	s29 =	sadd.s32 $0xFFFFFFF6, s26;
	v20 =	vld [tilespmem:$0x1FE60];
	s31 =	sadd.s32 $0xFFFFFFF8, s26;
	v33 =	vshrl.u32 v58, $0x3;
	v54 =	vadd.f32 v42, v49;
	v36 =	vshrl.u32 v22, $0x3  }
0x4d: {  	v21 =	vld [tilespmem:$0x1FE70];
	v37 =	vshrl.u32 v23, $0x3;
	v41 =	vmov s29;
	v58 =	vmov s31  }
0x4e: {  	v24 =	vld [tilespmem:$0x1FEA0];
	v23 =	vshrl.u32 v44, $0x3;
	v33 =	vshll.u32 v33, v1;
	v36 =	vshll.u32 v36, v1  }
0x4f: {  	v25 =	vld [tilespmem:$0x1FEB0];
	v37 =	vshll.u32 v37, v1;
	v38 =	vshrl.u32 v41, $0x3;
	v40 =	vshrl.u32 v58, $0x3  }
0x50: {  	v26 =	vld [tilespmem:$0x1FEC0];
	v44 =	vshll.u32 v23, v1;
	v33 =	vbroadcast v33, $0x0;
	v36 =	vbroadcast v36, $0x0  }
0x51: {  	v22 =	vld [tilespmem:$0x1FE80];
	v55 =	vadd.s32 v20, v34;
	v38 =	vshll.u32 v38, v1;
	v23 =	vshll.u32 v40, v1  }
0x52: {  	v13 =	vmovc v39;
	s31 =	sadd.s32 $0xFFFFFFF9, s26;
	v56 =	vadd.s32 v21, v35;
	v39 =	vbroadcast v38, $0x0;
	v38 =	vbroadcast v23, $0x0;
	v23 =	vld [tilespmem:$0x1FE90]  }
0x53: {  	v10 =	vmovc v59;
	v59 =	vld [tilespmem:s28+$0x180];
	s29 =	sadd.s32 $0xFFFFFFFA, s26;
	v40 =	vbroadcast v44, $0x0;
	v44 =	vmov s31;
	v42 =	vadd.s32 v7, v33  }
0x54: {  	v18 =	vmovc v62;
	v62 =	vld [tilespmem:s28+$0x200];
	v37 =	vbroadcast v37, $0x0;
	v41 =	vshrl.u32 v44, $0x3;
	v44 =	vmov s29  }
0x55: {  	v19 =	vmovc v63;
	v2 =	vld [tilespmem:s28+$0x280];
	v63 =	vadd.s32 v25, v40;
	v41 =	vshll.u32 v41, v1;
	v44 =	vshrl.u32 v44, $0x3  }
0x56: {  	v12 =	vmovc v61;
	v4 =	vld [tilespmem:s28+$0x300];
	v57 =	vadd.s32 v22, v36;
	v61 =	vadd.s32 v24, v39;
	v0 =	vadd.s32 v26, v38  }
0x57: {  	v11 =	vmovc v60;
	v6 =	vld [tilespmem:s28+$0x380];
	v41 =	vbroadcast v41, $0x0;
	v44 =	vshll.u32 v44, v1;
	v60 =	vadd.s32 v23, v37  }
0x58: {  	v58 =	vld [tilespmem:s28+$0x100];
	s31 =	sadd.s32 $0xFFFFFFFD, s26;
	v44 =	vbroadcast v44, $0x0;
	[tilespmem:v42+s18+$0x0] =	vst.idx.msk $0xffff, v43;
	v42 =	vbroadcast v3, $0x0;
	v3 =	vshll.u32 v5, v1  }
0x59: {  	v5 =	vadd.s32 v7, v41;
	[tilespmem:v55+s18+$0x0] =	vst.idx.msk $0xffff, v45;
	v43 =	vbroadcast v3, $0x0;
	v3 =	vmov s31  }
0x5a: {  	s4 =	sadd.s32 $0xFFFFFFFE, s26;
	v55 =	vadd.s32 v20, v44;
	[tilespmem:v56+s18+$0x0] =	vst.idx.msk $0xffff, v46;
	v56 =	vadd.s32 v21, v42;
	v3 =	vshrl.u32 v3, $0x3  }
0x5b: {  	s31 =	sadd.s32 $0xFFFFFFFF, s26;
	[tilespmem:v57+s18+$0x0] =	vst.idx.msk $0xffff, v47;
	v57 =	vadd.s32 v22, v43;
	v3 =	vshll.u32 v3, v1;
	v22 =	vmov s4  }
0x5c: {  	v20 =	vmov s31;
	[tilespmem:v60+s18+$0x0] =	vst.idx.msk $0xffff, v48;
	v45 =	vbroadcast v3, $0x0;
	v3 =	vshrl.u32 v22, $0x3  }
0x5d: {  	v21 =	vshrl.u32 v20, $0x3;
	v22 =	vmov s26;
	[tilespmem:v61+s18+$0x0] =	vst.idx.msk $0xffff, v50;
	v3 =	vshll.u32 v3, v1  }
0x5e: {  	v48 =	vshrl.u32 v22, $0x3;
	[tilespmem:v63+s18+$0x0] =	vst.idx.msk $0xffff, v51;
	v46 =	vbroadcast v3, $0x0;
	v3 =	vshll.u32 v21, v1  }
0x5f: {  	[tilespmem:v0+s18+$0x0] =	vst.idx.msk $0xffff, v52;
	v0 =	vadd.s32 v23, v45;
	v47 =	vbroadcast v3, $0x0;
	v3 =	vshll.u32 v48, v1  }
0x60: {  	v58 =	vadd.f32 v58, v49;
	[tilespmem:v5+s18+$0x0] =	vst.idx.msk $0xffff, v53;
	v5 =	vadd.s32 v24, v46;
	v48 =	vbroadcast v3, $0x0  }
0x61: {  	v3 =	vadd.f32 v59, v49;
	[tilespmem:v55+s18+$0x0] =	vst.idx.msk $0xffff, v54;
	v59 =	vadd.s32 v25, v47  }
0x62: {  	v20 =	vld [tilespmem:$0x1FED0];
	v60 =	vadd.f32 v62, v49;
	[tilespmem:v56+s18+$0x0] =	vst.idx.msk $0xffff, v58;
	v61 =	vadd.s32 v26, v48  }
0x63: {  	v2 =	vadd.f32 v2, v49;
	v22 =	vld [tilespmem:$0x1FEF0];
	[tilespmem:v57+s18+$0x0] =	vst.idx.msk $0xffff, v3  }
0x64: {  	v21 =	vld [tilespmem:$0x1FEE0];
	v3 =	vadd.f32 v4, v49;
	[tilespmem:v0+s18+$0x0] =	vst.idx.msk $0xffff, v60  }
0x65: {  	v23 =	vld [tilespmem:$0x1FF00];
	v0 =	vadd.f32 v6, v49;
	[tilespmem:v5+s18+$0x0] =	vst.idx.msk $0xffff, v2  }
0x66: {  	v24 =	vld [tilespmem:$0x1FF10];
	[tilespmem:v59+s18+$0x0] =	vst.idx.msk $0xffff, v3  }
0x67: {  	v25 =	vld [tilespmem:$0x1FF20];
	[tilespmem:v61+s18+$0x0] =	vst.idx.msk $0xffff, v0  }
0x68: {  	v0 =	vld [tilespmem:$0x110]  }
0x69: {  	v2 =	vld [tilespmem:s28+$0xFFFFFC10]  }
0x6a: {  	v3 =	vld [tilespmem:s28+$0xFFFFFC90]  }
0x6b: {  	v4 =	vld [tilespmem:s28+$0xFFFFFD10]  }
0x6c: {  	v5 =	vld [tilespmem:s28+$0xFFFFFD90]  }
0x6d: {  	v6 =	vld [tilespmem:s28+$0xFFFFFE10]  }
0x6e: {  	v49 =	vld [tilespmem:s28+$0xFFFFFE90]  }
0x6f: {  	v50 =	vld [tilespmem:s28+$0xFFFFFF10]  }
0x70: {  	v51 =	vld [tilespmem:s28+$0xFFFFFF90]  }
0x71: {  	v52 =	vld [tilespmem:s28+$0x10]  }
0x72: {  	v53 =	vld [tilespmem:s28+$0x90]  }
0x73: {  	v56 =	vadd.s32 v20, v33;
	v54 =	vld [tilespmem:s28+$0x110]  }
0x74: {  	v58 =	vadd.s32 v21, v34;
	v55 =	vld [tilespmem:s28+$0x190]  }
0x75: {  	v60 =	vadd.s32 v22, v35;
	v57 =	vld [tilespmem:s28+$0x210]  }
0x76: {  	v62 =	vadd.s32 v23, v36;
	v59 =	vld [tilespmem:s28+$0x290];
	v2 =	vadd.f32 v2, v0  }
0x77: {  	v7 =	vadd.s32 v24, v37;
	v61 =	vld [tilespmem:s28+$0x310];
	v3 =	vadd.f32 v3, v0  }
0x78: {  	v63 =	vld [tilespmem:s28+$0x390];
	v4 =	vadd.f32 v4, v0;
	[tilespmem:v56+s18+$0x0] =	vst.idx.msk $0xffff, v2;
	v2 =	vadd.s32 v25, v39  }
0x79: {  	v5 =	vadd.f32 v5, v0;
	[tilespmem:v58+s18+$0x0] =	vst.idx.msk $0xffff, v3;
	v3 =	vadd.s32 v28, v40  }
0x7a: {  	v6 =	vadd.f32 v6, v0;
	[tilespmem:v60+s18+$0x0] =	vst.idx.msk $0xffff, v4;
	v4 =	vadd.s32 v29, v38  }
0x7b: {  	v49 =	vadd.f32 v49, v0;
	[tilespmem:v62+s18+$0x0] =	vst.idx.msk $0xffff, v5;
	v5 =	vadd.s32 v20, v41  }
0x7c: {  	v50 =	vadd.f32 v50, v0;
	[tilespmem:v7+s18+$0x0] =	vst.idx.msk $0xffff, v6;
	v6 =	vadd.s32 v21, v44  }
0x7d: {  	v7 =	vadd.f32 v51, v0;
	[tilespmem:v2+s18+$0x0] =	vst.idx.msk $0xffff, v49;
	v2 =	vadd.s32 v22, v42  }
0x7e: {  	v62 =	vadd.f32 v52, v0;
	[tilespmem:v3+s18+$0x0] =	vst.idx.msk $0xffff, v50;
	v3 =	vadd.s32 v23, v43  }
0x7f: {  	v20 =	vadd.f32 v53, v0;
	[tilespmem:v4+s18+$0x0] =	vst.idx.msk $0xffff, v7;
	v4 =	vadd.s32 v24, v45  }
0x80: {  	v7 =	vadd.f32 v54, v0;
	[tilespmem:v5+s18+$0x0] =	vst.idx.msk $0xffff, v62;
	v5 =	vadd.s32 v25, v46  }
0x81: {  	v21 =	vadd.f32 v55, v0;
	[tilespmem:v6+s18+$0x0] =	vst.idx.msk $0xffff, v20;
	v6 =	vadd.s32 v28, v47  }
0x82: {  	v22 =	vadd.f32 v57, v0;
	[tilespmem:v2+s18+$0x0] =	vst.idx.msk $0xffff, v7;
	v2 =	vadd.s32 v29, v48  }
0x83: {  	v7 =	vadd.f32 v59, v0;
	[tilespmem:v3+s18+$0x0] =	vst.idx.msk $0xffff, v21  }
0x84: {  	v3 =	vadd.f32 v61, v0;
	[tilespmem:v4+s18+$0x0] =	vst.idx.msk $0xffff, v22  }
0x85: {  	v0 =	vadd.f32 v63, v0;
	[tilespmem:v5+s18+$0x0] =	vst.idx.msk $0xffff, v7  }
0x86: {  	[tilespmem:v6+s18+$0x0] =	vst.idx.msk $0xffff, v3  }
0x87: {  	[tilespmem:v2+s18+$0x0] =	vst.idx.msk $0xffff, v0  }
0x88: {  	v0 =	vld [tilespmem:$0x120]  }
0x89: {  	v2 =	vld [tilespmem:s28+$0xFFFFFC20]  }
0x8a: {  	v3 =	vld [tilespmem:s28+$0xFFFFFCA0]  }
0x8b: {  	v4 =	vld [tilespmem:s28+$0xFFFFFD20]  }
0x8c: {  	v5 =	vld [tilespmem:s28+$0xFFFFFDA0]  }
0x8d: {  	v6 =	vld [tilespmem:s28+$0xFFFFFE20]  }
0x8e: {  	v7 =	vld [tilespmem:s28+$0xFFFFFEA0]  }
0x8f: {  	v49 =	vld [tilespmem:s28+$0xFFFFFF20]  }
0x90: {  	v50 =	vld [tilespmem:s28+$0xFFFFFFA0]  }
0x91: {  	v51 =	vld [tilespmem:s28+$0x20]  }
0x92: {  	v52 =	vld [tilespmem:s28+$0xA0]  }
0x93: {  	v55 =	vadd.s32 v30, v33;
	v53 =	vld [tilespmem:s28+$0x120]  }
0x94: {  	v23 =	vadd.s32 v31, v34;
	v54 =	vld [tilespmem:s28+$0x1A0]  }
0x95: {  	v20 =	vadd.s32 v32, v35;
	v56 =	vld [tilespmem:s28+$0x220]  }
0x96: {  	v21 =	vadd.s32 v9, v36;
	v58 =	vld [tilespmem:s28+$0x2A0];
	v2 =	vadd.f32 v2, v0  }
0x97: {  	v22 =	vadd.s32 v27, v37;
	v60 =	vld [tilespmem:s28+$0x320];
	v3 =	vadd.f32 v3, v0  }
0x98: {  	v62 =	vld [tilespmem:s28+$0x3A0];
	[tilespmem:v55+s18+$0x0] =	vst.idx.msk $0xffff, v2;
	v2 =	vadd.f32 v4, v0;
	v4 =	vadd.s32 v8, v39  }
0x99: {  	[tilespmem:v23+s18+$0x0] =	vst.idx.msk $0xffff, v3;
	v3 =	vadd.f32 v5, v0;
	v5 =	vadd.s32 v16, v40  }
0x9a: {  	[tilespmem:v20+s18+$0x0] =	vst.idx.msk $0xffff, v2;
	v2 =	vadd.f32 v6, v0;
	v6 =	vadd.s32 v17, v38  }
0x9b: {  	[tilespmem:v21+s18+$0x0] =	vst.idx.msk $0xffff, v3;
	v3 =	vadd.f32 v7, v0;
	v7 =	vadd.s32 v30, v41  }
0x9c: {  	v23 =	vadd.s32 v31, v44;
	[tilespmem:v22+s18+$0x0] =	vst.idx.msk $0xffff, v2;
	v2 =	vadd.f32 v49, v0  }
0x9d: {  	v50 =	vadd.f32 v50, v0;
	[tilespmem:v4+s18+$0x0] =	vst.idx.msk $0xffff, v3;
	v3 =	vadd.s32 v32, v42  }
0x9e: {  	v4 =	vadd.f32 v51, v0;
	[tilespmem:v5+s18+$0x0] =	vst.idx.msk $0xffff, v2;
	v2 =	vadd.s32 v9, v43  }
0x9f: {  	v5 =	vadd.f32 v52, v0;
	[tilespmem:v6+s18+$0x0] =	vst.idx.msk $0xffff, v50;
	v6 =	vadd.s32 v27, v45  }
0xa0: {  	v55 =	vadd.f32 v53, v0;
	[tilespmem:v7+s18+$0x0] =	vst.idx.msk $0xffff, v4;
	v4 =	vadd.s32 v8, v46  }
0xa1: {  	v7 =	vadd.f32 v54, v0;
	[tilespmem:v23+s18+$0x0] =	vst.idx.msk $0xffff, v5;
	v5 =	vadd.s32 v16, v47  }
0xa2: {  	v57 =	vadd.f32 v56, v0;
	[tilespmem:v3+s18+$0x0] =	vst.idx.msk $0xffff, v55;
	v3 =	vadd.s32 v17, v48  }
0xa3: {  	v58 =	vadd.f32 v58, v0;
	[tilespmem:v2+s18+$0x0] =	vst.idx.msk $0xffff, v7  }
0xa4: {  	v2 =	vadd.f32 v60, v0;
	[tilespmem:v6+s18+$0x0] =	vst.idx.msk $0xffff, v57  }
0xa5: {  	v0 =	vadd.f32 v62, v0;
	[tilespmem:v4+s18+$0x0] =	vst.idx.msk $0xffff, v58  }
0xa6: {  	[tilespmem:v5+s18+$0x0] =	vst.idx.msk $0xffff, v2  }
0xa7: {  	[tilespmem:v3+s18+$0x0] =	vst.idx.msk $0xffff, v0  }
0xa8: {  	v0 =	vld [tilespmem:$0x130]  }
0xa9: {  	v2 =	vld [tilespmem:s28+$0xFFFFFC30]  }
0xaa: {  	v3 =	vld [tilespmem:s28+$0xFFFFFCB0]  }
0xab: {  	v4 =	vld [tilespmem:s28+$0xFFFFFD30]  }
0xac: {  	v5 =	vld [tilespmem:s28+$0xFFFFFDB0]  }
0xad: {  	v6 =	vld [tilespmem:s28+$0xFFFFFE30]  }
0xae: {  	v7 =	vld [tilespmem:s28+$0xFFFFFEB0]  }
0xaf: {  	v49 =	vld [tilespmem:s28+$0xFFFFFF30]  }
0xb0: {  	v50 =	vld [tilespmem:s28+$0xFFFFFFB0]  }
0xb1: {  	v51 =	vld [tilespmem:s28+$0x30]  }
0xb2: {  	v52 =	vld [tilespmem:s28+$0xB0]  }
0xb3: {  	v33 =	vadd.s32 v18, v33;
	v20 =	vld [tilespmem:s28+$0x130]  }
0xb4: {  	v34 =	vadd.s32 v19, v34;
	v21 =	vld [tilespmem:s28+$0x1B0]  }
0xb5: {  	v35 =	vadd.s32 v10, v35;
	v55 =	vld [tilespmem:s28+$0x230]  }
0xb6: {  	v36 =	vadd.s32 v11, v36;
	v22 =	vld [tilespmem:s28+$0x2B0];
	v2 =	vadd.f32 v2, v0  }
0xb7: {  	v37 =	vadd.s32 v12, v37;
	v57 =	vld [tilespmem:s28+$0x330];
	v3 =	vadd.f32 v3, v0  }
0xb8: {  	v23 =	vld [tilespmem:s28+$0x3B0];
	[tilespmem:v33+s18+$0x0] =	vst.idx.msk $0xffff, v2;
	v2 =	vadd.f32 v4, v0;
	v4 =	vadd.s32 v13, v39  }
0xb9: {  	[tilespmem:v34+s18+$0x0] =	vst.idx.msk $0xffff, v3;
	v3 =	vadd.f32 v5, v0;
	v5 =	vadd.s32 v14, v40  }
0xba: {  	[tilespmem:v35+s18+$0x0] =	vst.idx.msk $0xffff, v2;
	v2 =	vadd.f32 v6, v0;
	v6 =	vadd.s32 v15, v38  }
0xbb: {  	[tilespmem:v36+s18+$0x0] =	vst.idx.msk $0xffff, v3;
	v3 =	vadd.f32 v7, v0;
	v7 =	vadd.s32 v18, v41  }
0xbc: {  	[tilespmem:v37+s18+$0x0] =	vst.idx.msk $0xffff, v2;
	v2 =	vadd.f32 v49, v0;
	v49 =	vadd.s32 v19, v44  }
0xbd: {  	[tilespmem:v4+s18+$0x0] =	vst.idx.msk $0xffff, v3;
	v3 =	vadd.f32 v50, v0;
	v4 =	vadd.s32 v10, v42  }
0xbe: {  	[tilespmem:v5+s18+$0x0] =	vst.idx.msk $0xffff, v2;
	v2 =	vadd.f32 v51, v0;
	v5 =	vadd.s32 v11, v43  }
0xbf: {  	[tilespmem:v6+s18+$0x0] =	vst.idx.msk $0xffff, v3;
	v3 =	vadd.f32 v52, v0;
	v6 =	vadd.s32 v12, v45  }
0xc0: {  	[tilespmem:v7+s18+$0x0] =	vst.idx.msk $0xffff, v2;
	v2 =	vadd.f32 v20, v0;
	v7 =	vadd.s32 v13, v46  }
0xc1: {  	v54 =	vadd.s32 v14, v47;
	[tilespmem:v49+s18+$0x0] =	vst.idx.msk $0xffff, v3;
	v3 =	vadd.f32 v21, v0  }
0xc2: {  	p1 =	sne.s32 s26, $0x7F;
	[tilespmem:v4+s18+$0x0] =	vst.idx.msk $0xffff, v2;
	v2 =	vadd.f32 v55, v0;
	v4 =	vadd.s32 v15, v48  }
.Ltmp0:
0xc3: {  	[tilespmem:v5+s18+$0x0] =	vst.idx.msk $0xffff, v3;
	v3 =	vadd.f32 v22, v0;
	(pc) =	sbr.rel @p1 .LBB2_3-.Ltmp0, $4  }
0xc4: {  	[tilespmem:v6+s18+$0x0] =	vst.idx.msk $0xffff, v2;
	v2 =	vadd.f32 v57, v0  }
0xc5: {  	v0 =	vadd.f32 v23, v0;
	[tilespmem:v7+s18+$0x0] =	vst.idx.msk $0xffff, v3  }
0xc6: {  	v59 =	vmov v10;
	v61 =	vmov v12;
	v63 =	vmov v19;
	[tilespmem:v54+s18+$0x0] =	vst.idx.msk $0xffff, v2  }
0xc7: {  	s26 =	sadd.s32 $0x10, s26;
	v60 =	vmovc v11;
	v62 =	vmovc v18;
	s28 =	sadd.s32 $0x800, s28;
	v39 =	vmov v13;
	v34 =	vmov v14;
	v35 =	vmov v15;
	v7 =	vld [tilespmem:$0x1FFE0];
	[tilespmem:v4+s18+$0x0] =	vst.idx.msk $0xffff, v0  }
0xc8: {  	s26 =	sshll.u32 s23, $0x13  }
0xc9: {  	s26 =	sor.u32 s9, s26  }
0xca: {  	s26 =	sshrl.u32 s26, $0x3  }
0xcb: {  	s4 =	simm.s32 $0x8200;
	s28 =	sadd.s32 s5, s26  }
0xcc: {  	[hbm4b:s28+s6] =	stream.linear.scatter [tilespmem:s4], [sflag:$0x3], $0x80, $0x38;
	[tilespmem:$0xC600] =	vst v63  }
0xcd: {  	s4 =	simm.s32 $0x8288;
	s29 =	sadd.s32 $0x10, s28  }
0xce: {  	[hbm4b:s29+s6] =	stream.linear.scatter [tilespmem:s4], [sflag:$0x3], $0x80, $0x38;
	[tilespmem:$0xC600] =	vst v63  }
0xcf: {  	s4 =	simm.s32 $0x8310;
	s29 =	sadd.s32 $0x20, s28  }
0xd0: {  	[hbm4b:s29+s6] =	stream.linear.scatter [tilespmem:s4], [sflag:$0x3], $0x80, $0x38;
	[tilespmem:$0xC600] =	vst v63  }
0xd1: {  	s4 =	simm.s32 $0x8398;
	s29 =	sadd.s32 $0x30, s28  }
0xd2: {  	[hbm4b:s29+s6] =	stream.linear.scatter [tilespmem:s4], [sflag:$0x3], $0x80, $0x38;
	[tilespmem:$0xC600] =	vst v63  }
0xd3: {  	s4 =	simm.s32 $0x8420;
	s29 =	sadd.s32 $0x40, s28  }
0xd4: {  	[hbm4b:s29+s6] =	stream.linear.scatter [tilespmem:s4], [sflag:$0x3], $0x80, $0x38;
	[tilespmem:$0xC600] =	vst v63  }
0xd5: {  	s30 =	simm.s32 $0x85B8;
	s4 =	simm.s32 $0x84A8;
	s29 =	sadd.s32 $0x50, s28  }
0xd6: {  	[hbm4b:s29+s6] =	stream.linear.scatter [tilespmem:s4], [sflag:$0x3], $0x80, $0x38;
	[tilespmem:$0xC600] =	vst v63  }
0xd7: {  	s26 =	simm.s32 $0x440;
	s4 =	simm.s32 $0x8530;
	s29 =	sadd.s32 $0x60, s28  }
0xd8: {  	[hbm4b:s29+s6] =	stream.linear.scatter [tilespmem:s4], [sflag:$0x3], $0x80, $0x38;
	[tilespmem:$0xC600] =	vst v63  }
0xd9: {  	s31 =	sadd.s32 $0x70, s28;
	s28 =	sadd.s32 $0x1000, s28;
	s29 =	simm.s32 $0x2200  }
.LBB2_5:
0xda: {  	[hbm4b:s31+s6] =	stream.linear.scatter [tilespmem:s30], [sflag:$0x3], $0x80, $0x38;
	[tilespmem:$0xC600] =	vst v63  }
0xdb: {  	s30 =	smov.u32 s26;
	s26 =	smov.u32 s29  }
0xdc: {  	s4 =	sadd.s32 $0x1100, s29;
	s26 =	sshra.s32 s26, $0x2;
	s31 =	sadd.s32 $0x8200, s30  }
0xdd: {  	[hbm4b:s28+s6] =	stream.linear.scatter [tilespmem:s31], [sflag:$0x3], $0x80, $0x38;
	[tilespmem:$0xC600] =	vst v63  }
0xde: {  	p1 =	sne.s32 s29, $0x7700;
	s29 =	sadd.s32 $0x8288, s30;
	s31 =	sadd.s32 $0x10, s28  }
0xdf: {  	[hbm4b:s31+s6] =	stream.linear.scatter [tilespmem:s29], [sflag:$0x3], $0x80, $0x38;
	[tilespmem:$0xC600] =	vst v63  }
0xe0: {  	s29 =	sadd.s32 $0x8310, s30;
	s31 =	sadd.s32 $0x20, s28  }
0xe1: {  	[hbm4b:s31+s6] =	stream.linear.scatter [tilespmem:s29], [sflag:$0x3], $0x80, $0x38;
	[tilespmem:$0xC600] =	vst v63  }
0xe2: {  	s29 =	sadd.s32 $0x8398, s30;
	s31 =	sadd.s32 $0x30, s28  }
0xe3: {  	[hbm4b:s31+s6] =	stream.linear.scatter [tilespmem:s29], [sflag:$0x3], $0x80, $0x38;
	[tilespmem:$0xC600] =	vst v63  }
0xe4: {  	s29 =	sadd.s32 $0x8420, s30;
	s31 =	sadd.s32 $0x40, s28  }
0xe5: {  	[hbm4b:s31+s6] =	stream.linear.scatter [tilespmem:s29], [sflag:$0x3], $0x80, $0x38;
	[tilespmem:$0xC600] =	vst v63  }
.Ltmp1:
0xe6: {  	s29 =	sadd.s32 $0x84A8, s30;
	s31 =	sadd.s32 $0x50, s28;
	(pc) =	sbr.rel @p1 .LBB2_5-.Ltmp1, $4  }
0xe7: {  	[hbm4b:s31+s6] =	stream.linear.scatter [tilespmem:s29], [sflag:$0x3], $0x80, $0x38;
	[tilespmem:$0xC600] =	vst v63  }
0xe8: {  	s29 =	sadd.s32 $0x8530, s30;
	s31 =	sadd.s32 $0x60, s28;
	s30 =	sadd.s32 $0x85B8, s30  }
0xe9: {  	[hbm4b:s31+s6] =	stream.linear.scatter [tilespmem:s29], [sflag:$0x3], $0x80, $0x38;
	[tilespmem:$0xC600] =	vst v63  }
0xea: {  	s31 =	sadd.s32 $0x70, s28;
	s28 =	sadd.s32 $0x1000, s28;
	s29 =	smov.u32 s4  }
0xeb: {  	[hbm4b:s31+s6] =	stream.linear.scatter [tilespmem:s30], [sflag:$0x3], $0x80, $0x38;
	[tilespmem:$0xC600] =	vst v63  }
0xec: {  	s4 =	sadd.s32 $0x8200, s26  }
0xed: {  	[hbm4b:s28+s6] =	stream.linear.scatter [tilespmem:s4], [sflag:$0x3], $0x80, $0x38;
	[tilespmem:$0xC600] =	vst v63  }
0xee: {  	s31 =	sadd.s32 $0x8288, s26;
	s29 =	sadd.s32 $0x10, s28  }
0xef: {  	[hbm4b:s29+s6] =	stream.linear.scatter [tilespmem:s31], [sflag:$0x3], $0x80, $0x38;
	[tilespmem:$0xC600] =	vst v63  }
0xf0: {  	s30 =	sadd.s32 $0x8310, s26;
	s31 =	sadd.s32 $0x20, s28  }
0xf1: {  	[hbm4b:s31+s6] =	stream.linear.scatter [tilespmem:s30], [sflag:$0x3], $0x80, $0x38;
	[tilespmem:$0xC600] =	vst v63  }
0xf2: {  	s25 =	sor.u32 $0x1, s25;
	s30 =	sadd.s32 $0x8398, s26;
	s31 =	sadd.s32 $0x30, s28  }
0xf3: {  	[hbm4b:s31+s6] =	stream.linear.scatter [tilespmem:s30], [sflag:$0x3], $0x80, $0x38;
	[tilespmem:$0xC600] =	vst v63  }
0xf4: {  	p1 =	sgt.u32 s25, $0xC6;
	s30 =	sadd.s32 $0x8420, s26;
	s31 =	sadd.s32 $0x40, s28  }
0xf5: {  	[hbm4b:s31+s6] =	stream.linear.scatter [tilespmem:s30], [sflag:$0x3], $0x80, $0x38;
	[tilespmem:$0xC600] =	vst v63  }
0xf6: {  	s4 =	sadd.s32 @!p1 $0x100, s24;
	s30 =	sadd.s32 $0x84A8, s26;
	s31 =	sadd.s32 $0x50, s28  }
0xf7: {  	[hbm4b:s31+s6] =	stream.linear.scatter [tilespmem:s30], [sflag:$0x3], $0x80, $0x38;
	[tilespmem:$0xC600] =	vst v63  }
0xf8: {  	s24 =	sadd.s32 @!p1 s7, s4;
	s30 =	sadd.s32 $0x8530, s26;
	s31 =	sadd.s32 $0x60, s28  }
0xf9: {  	[hbm4b:s31+s6] =	stream.linear.scatter [tilespmem:s30], [sflag:$0x3], $0x80, $0x38;
	[tilespmem:$0xC600] =	vst v63  }
0xfa: {  	s24 =	sshrl.u32 @!p1 s24, $0x3;
	s30 =	sadd.s32 $0x85B8, s26;
	s31 =	sadd.s32 $0x70, s28  }
0xfb: {  	[hbm4b:s31+s6] =	stream.linear.scatter [tilespmem:s30], [sflag:$0x3], $0x80, $0x38;
	[tilespmem:$0xC600] =	vst v63  }
0xfc: {  	s24 =	sadd.s32 @!p1 s0, s24;
	s26 =	simm.s32 @!p1 $0x0  }
0xfd: {  	[tilespmem:s26], [sflag:$0x4] =	stream.linear.gather @!p1 [hbm4b:s24+s26], $0x80, $0x38;
	[tilespmem:$0xC600] =	vst v63  }
0xfe: {  	s24 =	simm.s32 @!p1 $0x4  }
0xff: {  	_ =	swait.ge @!p1 [sflag:s24], $0x80  }
0x100: {  	s4 =	sshrl.u32 @!p1 s4, $0x3;
	[sflag:s24] =	ssyncset.done @!p1 $0x0  }
0x101: {  	s4 =	sadd.s32 @!p1 s3, s4;
	s28 =	simm.s32 @!p1 $0x100;
	[sflag:s24] =	ssyncadd.s32 @!p1 $0xFFFFFF80  }
0x102: {  	[tilespmem:s28], [sflag:$0x4] =	stream.linear.gather @!p1 [hbm4b:s4+s26], $0x80, $0x38;
	[tilespmem:$0xC600] =	vst v63  }
0x103: {  	_ =	swait.ge @!p1 [sflag:s24], $0x80  }
0x104: {  	[sflag:s24] =	ssyncset.done @!p1 $0x0  }
0x105: {  	s4 =	simm.s32 @!p1 $0x80;
	[sflag:s24] =	ssyncadd.s32 @!p1 $0xFFFFFF80;
	s24 =	simm.s32 @!p1 $0x200  }
0x106: {  	[tilespmem:s24], [sflag:$0x1] =	stream.indirect.gather @!p1 [hbm4b:s1+s4], $0x80, s26, s4, $0xb8;
	[tilespmem:$0xC600] =	vst v63  }
0x107: {  	_ =	swait.ge [sflag:s19], $0x4000  }
0x108: {  	[sflag:s19] =	ssyncset.done $0x0  }
0x109: {  	s4 =	simm.s32 @!p0 $0x3;
	[sflag:s19] =	ssyncadd.s32 $0xFFFFC000  }
0x10a: {  	_ =	swait.ge @!p0 [sflag:s4], $0x2000  }
0x10b: {  	v23 =	vld [tilespmem:$0x1FF30]  }
0x10c: {  	v24 =	vld [tilespmem:$0x1FF40]  }
0x10d: {  	v25 =	vld [tilespmem:$0x1FF50]  }
0x10e: {  	v26 =	vld [tilespmem:$0x1FF60]  }
0x10f: {  	v27 =	vld [tilespmem:$0x1FF70]  }
0x110: {  	v28 =	vld [tilespmem:$0x1FF80]  }
0x111: {  	v29 =	vld [tilespmem:$0x1FF90]  }
0x112: {  	v30 =	vld [tilespmem:$0x1FFA0]  }
0x113: {  	v31 =	vld [tilespmem:$0x1FFB0]  }
0x114: {  	v32 =	vld [tilespmem:$0x1FFC0]  }
0x115: {  	[sflag:s4] =	ssyncset.done @!p0 $0x0;
	v9 =	vld [tilespmem:$0x1FFD0]  }
0x116: {  	s24 =	simm.s32 $0xF;
	s26 =	simm.s32 $0x4600;
	v8 =	vld [tilespmem:$0x1FFF0];
	[sflag:s4] =	ssyncadd.s32 @!p0 $0xFFFFE000  }
.LBB2_7:
0x117: {  	v49 =	vld [tilespmem:$0x180]  }
0x118: {  	v0 =	vld [tilespmem:s26+$0xFFFFFC00]  }
0x119: {  	v2 =	vld [tilespmem:s26+$0xFFFFFC80];
	s4 =	sadd.s32 $0xFFFFFFF1, s24;
	s30 =	sadd.s32 $0xFFFFFFF2, s24  }
0x11a: {  	v3 =	vld [tilespmem:s26+$0xFFFFFD00];
	s28 =	sadd.s32 $0xFFFFFFF3, s24;
	s31 =	sadd.s32 $0xFFFFFFF4, s24;
	s29 =	sadd.s32 $0xFFFFFFF5, s24;
	v36 =	vmov s4;
	v57 =	vmov s30  }
0x11b: {  	v4 =	vld [tilespmem:s26+$0xFFFFFD80];
	v58 =	vmov s28;
	v59 =	vmov s31;
	v37 =	vmov s29  }
0x11c: {  	v5 =	vld [tilespmem:s26+$0xFFFFFE00];
	s30 =	sadd.s32 $0xFFFFFFF6, s24;
	s31 =	sadd.s32 $0xFFFFFFF7, s24;
	s29 =	sadd.s32 $0xFFFFFFF8, s24;
	v56 =	vshrl.u32 v36, $0x3;
	v36 =	vshrl.u32 v59, $0x3;
	v37 =	vshrl.u32 v37, $0x3  }
0x11d: {  	v6 =	vld [tilespmem:s26+$0xFFFFFE80];
	s4 =	sadd.s32 $0xFFFFFFFA, s24;
	v38 =	vmov s30;
	v39 =	vmov s31;
	v40 =	vmov s29  }
0x11e: {  	v7 =	vld [tilespmem:s26+$0xFFFFFF00];
	v44 =	vmov s4;
	v36 =	vshll.u32 v36, v1;
	v37 =	vshll.u32 v37, v1  }
0x11f: {  	v33 =	vld [tilespmem:s26+$0xFFFFFF80];
	s29 =	sadd.s32 $0xFFFFFFF9, s24;
	s30 =	sadd.s32 $0xFFFFFFFB, s24;
	v38 =	vshrl.u32 v38, $0x3;
	v41 =	vshrl.u32 v39, $0x3;
	v40 =	vshrl.u32 v40, $0x3  }
0x120: {  	v34 =	vld [tilespmem:s26+$0x0];
	v62 =	vmov s29;
	v59 =	vmov s30;
	v44 =	vshrl.u32 v44, $0x3  }
0x121: {  	v35 =	vld [tilespmem:s26+$0x80];
	v36 =	vbroadcast v36, $0x0;
	v37 =	vbroadcast v37, $0x0;
	v38 =	vshll.u32 v38, v1  }
0x122: {  	v63 =	vld [tilespmem:$0x1FFE0];
	v60 =	vshll.u32 v41, v1;
	v0 =	vadd.f32 v0, v49;
	v2 =	vadd.f32 v2, v49  }
0x123: {  	v16 =	vld [tilespmem:$0x1FE60];
	v61 =	vshll.u32 v40, v1;
	v3 =	vadd.f32 v3, v49;
	v4 =	vadd.f32 v4, v49  }
0x124: {  	v17 =	vld [tilespmem:$0x1FE70];
	v41 =	vshrl.u32 v62, $0x3;
	v5 =	vadd.f32 v5, v49;
	v6 =	vadd.f32 v6, v49  }
0x125: {  	v18 =	vld [tilespmem:$0x1FE80];
	v59 =	vshrl.u32 v59, $0x3;
	v7 =	vadd.f32 v7, v49;
	v47 =	vadd.f32 v33, v49  }
0x126: {  	v51 =	vld [tilespmem:s26+$0x100];
	v44 =	vshll.u32 v44, v1;
	v48 =	vadd.f32 v34, v49;
	v50 =	vadd.f32 v35, v49  }
0x127: {  	v19 =	vld [tilespmem:$0x1FE90];
	v33 =	vshll.u32 v56, v1;
	v34 =	vshrl.u32 v57, $0x3;
	v35 =	vshrl.u32 v58, $0x3  }
0x128: {  	v20 =	vld [tilespmem:$0x1FEA0];
	v39 =	vbroadcast v38, $0x0;
	v33 =	vbroadcast v33, $0x0;
	v34 =	vshll.u32 v34, v1  }
0x129: {  	v21 =	vld [tilespmem:$0x1FEB0];
	v40 =	vbroadcast v60, $0x0;
	v35 =	vshll.u32 v35, v1;
	v34 =	vbroadcast v34, $0x0  }
0x12a: {  	v22 =	vld [tilespmem:$0x1FEC0];
	s31 =	sadd.s32 $0xFFFFFFFC, s24;
	v38 =	vbroadcast v61, $0x0;
	v35 =	vbroadcast v35, $0x0;
	v42 =	vadd.s32 v63, v33  }
0x12b: {  	v52 =	vld [tilespmem:s26+$0x180];
	v41 =	vshll.u32 v41, v1;
	v61 =	vmov s31;
	v43 =	vadd.s32 v16, v34  }
0x12c: {  	v55 =	vld [tilespmem:s26+$0x200];
	v59 =	vshll.u32 v59, v1;
	v44 =	vbroadcast v44, $0x0;
	v45 =	vadd.s32 v17, v35  }
0x12d: {  	v62 =	vld [tilespmem:s26+$0x380];
	v46 =	vadd.s32 v18, v36;
	v53 =	vadd.s32 v19, v37;
	v41 =	vbroadcast v41, $0x0  }
0x12e: {  	v58 =	vld [tilespmem:s26+$0x280];
	v61 =	vshrl.u32 v61, $0x3;
	v54 =	vadd.s32 v20, v39;
	v56 =	vadd.s32 v21, v40  }
0x12f: {  	s29 =	sadd.s32 $0xFFFFFFFD, s24;
	v60 =	vld [tilespmem:s26+$0x300];
	v57 =	vadd.s32 v22, v38;
	[tilespmem:v42+s20+$0x0] =	vst.idx.msk $0xffff, v0;
	v42 =	vbroadcast v59, $0x0;
	v0 =	vshll.u32 v61, v1  }
0x130: {  	[tilespmem:v43+s20+$0x0] =	vst.idx.msk $0xffff, v2;
	v2 =	vadd.s32 v63, v41;
	v43 =	vbroadcast v0, $0x0;
	v0 =	vmov s29  }
0x131: {  	s30 =	sadd.s32 $0xFFFFFFFE, s24;
	[tilespmem:v45+s20+$0x0] =	vst.idx.msk $0xffff, v3;
	v3 =	vadd.s32 v16, v44;
	v59 =	vadd.s32 v17, v42;
	v0 =	vshrl.u32 v0, $0x3  }
0x132: {  	s31 =	sadd.s32 $0xFFFFFFFF, s24;
	[tilespmem:v46+s20+$0x0] =	vst.idx.msk $0xffff, v4;
	v63 =	vadd.s32 v18, v43;
	v0 =	vshll.u32 v0, v1;
	v18 =	vmov s30  }
0x133: {  	v46 =	vmov s31;
	[tilespmem:v53+s20+$0x0] =	vst.idx.msk $0xffff, v5;
	v45 =	vbroadcast v0, $0x0;
	v0 =	vshrl.u32 v18, $0x3  }
0x134: {  	v5 =	vshrl.u32 v46, $0x3;
	[tilespmem:v54+s20+$0x0] =	vst.idx.msk $0xffff, v6;
	v0 =	vshll.u32 v0, v1;
	v6 =	vmov s24  }
0x135: {  	[tilespmem:v56+s20+$0x0] =	vst.idx.msk $0xffff, v7;
	v46 =	vbroadcast v0, $0x0;
	v0 =	vshll.u32 v5, v1;
	v53 =	vshrl.u32 v6, $0x3  }
0x136: {  	v6 =	vadd.s32 v19, v45;
	[tilespmem:v57+s20+$0x0] =	vst.idx.msk $0xffff, v47;
	v47 =	vbroadcast v0, $0x0;
	v0 =	vshll.u32 v53, v1  }
0x137: {  	v54 =	vadd.f32 v51, v49;
	[tilespmem:v2+s20+$0x0] =	vst.idx.msk $0xffff, v48;
	v2 =	vadd.s32 v20, v46;
	v48 =	vbroadcast v0, $0x0  }
0x138: {  	v0 =	vadd.f32 v52, v49;
	[tilespmem:v3+s20+$0x0] =	vst.idx.msk $0xffff, v50;
	v3 =	vadd.s32 v21, v47  }
0x139: {  	v16 =	vld [tilespmem:$0x1FED0];
	v7 =	vadd.f32 v55, v49;
	[tilespmem:v59+s20+$0x0] =	vst.idx.msk $0xffff, v54;
	v56 =	vadd.s32 v22, v48  }
0x13a: {  	v17 =	vld [tilespmem:$0x1FEE0];
	v57 =	vadd.f32 v58, v49;
	[tilespmem:v63+s20+$0x0] =	vst.idx.msk $0xffff, v0  }
0x13b: {  	v18 =	vld [tilespmem:$0x1FEF0];
	v0 =	vadd.f32 v60, v49;
	[tilespmem:v6+s20+$0x0] =	vst.idx.msk $0xffff, v7  }
0x13c: {  	v19 =	vld [tilespmem:$0x1FF00];
	v58 =	vadd.f32 v62, v49;
	[tilespmem:v2+s20+$0x0] =	vst.idx.msk $0xffff, v57  }
0x13d: {  	v20 =	vld [tilespmem:$0x1FF10];
	[tilespmem:v3+s20+$0x0] =	vst.idx.msk $0xffff, v0  }
0x13e: {  	v21 =	vld [tilespmem:$0x1FF20];
	[tilespmem:v56+s20+$0x0] =	vst.idx.msk $0xffff, v58  }
0x13f: {  	v0 =	vld [tilespmem:$0x190]  }
0x140: {  	v2 =	vld [tilespmem:s26+$0xFFFFFC10]  }
0x141: {  	v3 =	vld [tilespmem:s26+$0xFFFFFC90]  }
0x142: {  	v4 =	vld [tilespmem:s26+$0xFFFFFD10]  }
0x143: {  	v5 =	vld [tilespmem:s26+$0xFFFFFD90]  }
0x144: {  	v6 =	vld [tilespmem:s26+$0xFFFFFE10]  }
0x145: {  	v7 =	vld [tilespmem:s26+$0xFFFFFE90]  }
0x146: {  	v49 =	vld [tilespmem:s26+$0xFFFFFF10]  }
0x147: {  	v50 =	vld [tilespmem:s26+$0xFFFFFF90]  }
0x148: {  	v51 =	vld [tilespmem:s26+$0x10]  }
0x149: {  	v52 =	vld [tilespmem:s26+$0x90]  }
0x14a: {  	v55 =	vadd.s32 v16, v33;
	v53 =	vld [tilespmem:s26+$0x110]  }
0x14b: {  	v57 =	vadd.s32 v17, v34;
	v54 =	vld [tilespmem:s26+$0x190]  }
0x14c: {  	v59 =	vadd.s32 v18, v35;
	v56 =	vld [tilespmem:s26+$0x210]  }
0x14d: {  	v61 =	vadd.s32 v19, v36;
	v58 =	vld [tilespmem:s26+$0x290];
	v2 =	vadd.f32 v2, v0  }
0x14e: {  	v63 =	vadd.s32 v20, v37;
	v60 =	vld [tilespmem:s26+$0x310];
	v3 =	vadd.f32 v3, v0  }
0x14f: {  	v62 =	vld [tilespmem:s26+$0x390];
	v4 =	vadd.f32 v4, v0;
	[tilespmem:v55+s20+$0x0] =	vst.idx.msk $0xffff, v2;
	v2 =	vadd.s32 v21, v39  }
0x150: {  	v5 =	vadd.f32 v5, v0;
	[tilespmem:v57+s20+$0x0] =	vst.idx.msk $0xffff, v3;
	v3 =	vadd.s32 v23, v40  }
0x151: {  	v6 =	vadd.f32 v6, v0;
	[tilespmem:v59+s20+$0x0] =	vst.idx.msk $0xffff, v4;
	v59 =	vadd.s32 v24, v38  }
0x152: {  	v7 =	vadd.f32 v7, v0;
	[tilespmem:v61+s20+$0x0] =	vst.idx.msk $0xffff, v5;
	v61 =	vadd.s32 v16, v41  }
0x153: {  	v49 =	vadd.f32 v49, v0;
	[tilespmem:v63+s20+$0x0] =	vst.idx.msk $0xffff, v6;
	v6 =	vadd.s32 v17, v44  }
0x154: {  	v50 =	vadd.f32 v50, v0;
	[tilespmem:v2+s20+$0x0] =	vst.idx.msk $0xffff, v7;
	v2 =	vadd.s32 v18, v42  }
0x155: {  	v7 =	vadd.f32 v51, v0;
	[tilespmem:v3+s20+$0x0] =	vst.idx.msk $0xffff, v49;
	v3 =	vadd.s32 v19, v43  }
0x156: {  	v52 =	vadd.f32 v52, v0;
	v55 =	vadd.s32 v20, v45;
	[tilespmem:v59+s20+$0x0] =	vst.idx.msk $0xffff, v50  }
0x157: {  	v57 =	vadd.f32 v53, v0;
	v59 =	vadd.s32 v21, v46;
	[tilespmem:v61+s20+$0x0] =	vst.idx.msk $0xffff, v7  }
0x158: {  	v7 =	vadd.f32 v54, v0;
	[tilespmem:v6+s20+$0x0] =	vst.idx.msk $0xffff, v52;
	v6 =	vadd.s32 v23, v47  }
0x159: {  	v61 =	vadd.f32 v56, v0;
	[tilespmem:v2+s20+$0x0] =	vst.idx.msk $0xffff, v57;
	v2 =	vadd.s32 v24, v48  }
0x15a: {  	v63 =	vadd.f32 v58, v0;
	[tilespmem:v3+s20+$0x0] =	vst.idx.msk $0xffff, v7  }
0x15b: {  	v3 =	vadd.f32 v60, v0;
	[tilespmem:v55+s20+$0x0] =	vst.idx.msk $0xffff, v61  }
0x15c: {  	v0 =	vadd.f32 v62, v0;
	[tilespmem:v59+s20+$0x0] =	vst.idx.msk $0xffff, v63  }
0x15d: {  	[tilespmem:v6+s20+$0x0] =	vst.idx.msk $0xffff, v3  }
0x15e: {  	[tilespmem:v2+s20+$0x0] =	vst.idx.msk $0xffff, v0  }
0x15f: {  	v0 =	vld [tilespmem:$0x1A0]  }
0x160: {  	v2 =	vld [tilespmem:s26+$0xFFFFFC20]  }
0x161: {  	v3 =	vld [tilespmem:s26+$0xFFFFFCA0]  }
0x162: {  	v4 =	vld [tilespmem:s26+$0xFFFFFD20]  }
0x163: {  	v5 =	vld [tilespmem:s26+$0xFFFFFDA0]  }
0x164: {  	v6 =	vld [tilespmem:s26+$0xFFFFFE20]  }
0x165: {  	v7 =	vld [tilespmem:s26+$0xFFFFFEA0]  }
0x166: {  	v49 =	vld [tilespmem:s26+$0xFFFFFF20]  }
0x167: {  	v50 =	vld [tilespmem:s26+$0xFFFFFFA0]  }
0x168: {  	v51 =	vld [tilespmem:s26+$0x20]  }
0x169: {  	v52 =	vld [tilespmem:s26+$0xA0]  }
0x16a: {  	v55 =	vadd.s32 v25, v33;
	v53 =	vld [tilespmem:s26+$0x120]  }
0x16b: {  	v57 =	vadd.s32 v26, v34;
	v54 =	vld [tilespmem:s26+$0x1A0]  }
0x16c: {  	v59 =	vadd.s32 v27, v35;
	v56 =	vld [tilespmem:s26+$0x220]  }
0x16d: {  	v18 =	vadd.s32 v28, v36;
	v58 =	vld [tilespmem:s26+$0x2A0];
	v2 =	vadd.f32 v2, v0  }
0x16e: {  	v19 =	vadd.s32 v29, v37;
	v60 =	vld [tilespmem:s26+$0x320];
	v3 =	vadd.f32 v3, v0  }
0x16f: {  	v62 =	vld [tilespmem:s26+$0x3A0];
	[tilespmem:v55+s20+$0x0] =	vst.idx.msk $0xffff, v2;
	v2 =	vadd.f32 v4, v0;
	v55 =	vadd.s32 v30, v39  }
0x170: {  	[tilespmem:v57+s20+$0x0] =	vst.idx.msk $0xffff, v3;
	v3 =	vadd.f32 v5, v0;
	v57 =	vadd.s32 v31, v40  }
0x171: {  	[tilespmem:v59+s20+$0x0] =	vst.idx.msk $0xffff, v2;
	v2 =	vadd.f32 v6, v0;
	v6 =	vadd.s32 v32, v38  }
0x172: {  	[tilespmem:v18+s20+$0x0] =	vst.idx.msk $0xffff, v3;
	v3 =	vadd.f32 v7, v0;
	v7 =	vadd.s32 v25, v41  }
0x173: {  	v63 =	vadd.s32 v26, v44;
	[tilespmem:v19+s20+$0x0] =	vst.idx.msk $0xffff, v2;
	v2 =	vadd.f32 v49, v0  }
0x174: {  	v50 =	vadd.f32 v50, v0;
	[tilespmem:v55+s20+$0x0] =	vst.idx.msk $0xffff, v3;
	v3 =	vadd.s32 v27, v42  }
0x175: {  	v18 =	vadd.f32 v51, v0;
	[tilespmem:v57+s20+$0x0] =	vst.idx.msk $0xffff, v2;
	v2 =	vadd.s32 v28, v43  }
0x176: {  	v19 =	vadd.f32 v52, v0;
	[tilespmem:v6+s20+$0x0] =	vst.idx.msk $0xffff, v50;
	v6 =	vadd.s32 v29, v45  }
0x177: {  	v52 =	vadd.f32 v53, v0;
	v53 =	vadd.s32 v30, v46;
	[tilespmem:v7+s20+$0x0] =	vst.idx.msk $0xffff, v18  }
0x178: {  	v55 =	vadd.s32 v31, v47;
	v7 =	vadd.f32 v54, v0;
	[tilespmem:v63+s20+$0x0] =	vst.idx.msk $0xffff, v19  }
0x179: {  	v57 =	vadd.f32 v56, v0;
	[tilespmem:v3+s20+$0x0] =	vst.idx.msk $0xffff, v52;
	v3 =	vadd.s32 v32, v48  }
0x17a: {  	v59 =	vadd.f32 v58, v0;
	[tilespmem:v2+s20+$0x0] =	vst.idx.msk $0xffff, v7  }
0x17b: {  	v2 =	vadd.f32 v60, v0;
	[tilespmem:v6+s20+$0x0] =	vst.idx.msk $0xffff, v57  }
0x17c: {  	v0 =	vadd.f32 v62, v0;
	[tilespmem:v53+s20+$0x0] =	vst.idx.msk $0xffff, v59  }
0x17d: {  	[tilespmem:v55+s20+$0x0] =	vst.idx.msk $0xffff, v2  }
0x17e: {  	[tilespmem:v3+s20+$0x0] =	vst.idx.msk $0xffff, v0  }
0x17f: {  	v0 =	vld [tilespmem:$0x1B0]  }
0x180: {  	v2 =	vld [tilespmem:s26+$0xFFFFFC30]  }
0x181: {  	v3 =	vld [tilespmem:s26+$0xFFFFFCB0]  }
0x182: {  	v4 =	vld [tilespmem:s26+$0xFFFFFD30]  }
0x183: {  	v5 =	vld [tilespmem:s26+$0xFFFFFDB0]  }
0x184: {  	v6 =	vld [tilespmem:s26+$0xFFFFFE30]  }
0x185: {  	v7 =	vld [tilespmem:s26+$0xFFFFFEB0]  }
0x186: {  	v49 =	vld [tilespmem:s26+$0xFFFFFF30]  }
0x187: {  	v50 =	vld [tilespmem:s26+$0xFFFFFFB0]  }
0x188: {  	v61 =	vld [tilespmem:s26+$0x30]  }
0x189: {  	v52 =	vld [tilespmem:s26+$0xB0]  }
0x18a: {  	v33 =	vadd.s32 v9, v33;
	v62 =	vld [tilespmem:s26+$0x130]  }
0x18b: {  	v34 =	vadd.s32 v8, v34;
	v63 =	vld [tilespmem:s26+$0x1B0]  }
0x18c: {  	v35 =	vadd.s32 v10, v35;
	v55 =	vld [tilespmem:s26+$0x230]  }
0x18d: {  	v36 =	vadd.s32 v11, v36;
	v18 =	vld [tilespmem:s26+$0x2B0];
	v2 =	vadd.f32 v2, v0  }
0x18e: {  	v37 =	vadd.s32 v12, v37;
	v57 =	vld [tilespmem:s26+$0x330];
	v3 =	vadd.f32 v3, v0  }
0x18f: {  	v39 =	vadd.s32 v13, v39;
	v19 =	vld [tilespmem:s26+$0x3B0];
	[tilespmem:v33+s20+$0x0] =	vst.idx.msk $0xffff, v2;
	v2 =	vadd.f32 v4, v0  }
0x190: {  	v40 =	vadd.s32 v14, v40;
	[tilespmem:v34+s20+$0x0] =	vst.idx.msk $0xffff, v3;
	v3 =	vadd.f32 v5, v0  }
0x191: {  	[tilespmem:v35+s20+$0x0] =	vst.idx.msk $0xffff, v2;
	v2 =	vadd.f32 v6, v0;
	v6 =	vadd.s32 v15, v38  }
0x192: {  	[tilespmem:v36+s20+$0x0] =	vst.idx.msk $0xffff, v3;
	v3 =	vadd.f32 v7, v0;
	v7 =	vadd.s32 v9, v41  }
0x193: {  	v59 =	vadd.s32 v8, v44;
	[tilespmem:v37+s20+$0x0] =	vst.idx.msk $0xffff, v2;
	v2 =	vadd.f32 v49, v0  }
0x194: {  	v60 =	vadd.s32 v10, v42;
	[tilespmem:v39+s20+$0x0] =	vst.idx.msk $0xffff, v3;
	v3 =	vadd.f32 v50, v0  }
0x195: {  	[tilespmem:v40+s20+$0x0] =	vst.idx.msk $0xffff, v2;
	v2 =	vadd.f32 v61, v0;
	v61 =	vadd.s32 v11, v43  }
0x196: {  	[tilespmem:v6+s20+$0x0] =	vst.idx.msk $0xffff, v3;
	v3 =	vadd.f32 v52, v0;
	v6 =	vadd.s32 v12, v45  }
0x197: {  	[tilespmem:v7+s20+$0x0] =	vst.idx.msk $0xffff, v2;
	v2 =	vadd.f32 v62, v0;
	v7 =	vadd.s32 v13, v46  }
0x198: {  	v62 =	vadd.s32 v14, v47;
	[tilespmem:v59+s20+$0x0] =	vst.idx.msk $0xffff, v3;
	v3 =	vadd.f32 v63, v0  }
0x199: {  	p0 =	sne.s32 s24, $0x7F;
	v63 =	vadd.s32 v15, v48;
	[tilespmem:v60+s20+$0x0] =	vst.idx.msk $0xffff, v2;
	v2 =	vadd.f32 v55, v0  }
.Ltmp2:
0x19a: {  	[tilespmem:v61+s20+$0x0] =	vst.idx.msk $0xffff, v3;
	v3 =	vadd.f32 v18, v0;
	(pc) =	sbr.rel @p0 .LBB2_7-.Ltmp2, $4  }
0x19b: {  	[tilespmem:v6+s20+$0x0] =	vst.idx.msk $0xffff, v2;
	v2 =	vadd.f32 v57, v0  }
0x19c: {  	v0 =	vadd.f32 v19, v0;
	[tilespmem:v7+s20+$0x0] =	vst.idx.msk $0xffff, v3  }
0x19d: {  	[tilespmem:v62+s20+$0x0] =	vst.idx.msk $0xffff, v2  }
0x19e: {  	s24 =	sadd.s32 $0x10, s24;
	s26 =	sadd.s32 $0x800, s26;
	[tilespmem:v63+s20+$0x0] =	vst.idx.msk $0xffff, v0  }
0x19f: {  	s4 =	sshll.u32 s25, $0x12  }
0x1a0: {  	s4 =	sor.u32 s9, s4  }
0x1a1: {  	s4 =	sshrl.u32 s4, $0x3  }
0x1a2: {  	s24 =	simm.s32 $0xA400;
	s4 =	sadd.s32 s5, s4  }
0x1a3: {  	[hbm4b:s4+s6] =	stream.linear.scatter [tilespmem:s24], [sflag:$0x3], $0x80, $0x38;
	[tilespmem:$0xC600] =	vst v63  }
0x1a4: {  	s25 =	simm.s32 $0xA488;
	s26 =	sadd.s32 $0x10, s4  }
0x1a5: {  	[hbm4b:s26+s6] =	stream.linear.scatter [tilespmem:s25], [sflag:$0x3], $0x80, $0x38;
	[tilespmem:$0xC600] =	vst v63  }
0x1a6: {  	s30 =	simm.s32 $0xA510;
	s28 =	simm.s32 $0xA7B8;
	s31 =	sadd.s32 $0x20, s4  }
0x1a7: {  	[hbm4b:s31+s6] =	stream.linear.scatter [tilespmem:s30], [sflag:$0x3], $0x80, $0x38;
	[tilespmem:$0xC600] =	vst v63  }
0x1a8: {  	s24 =	simm.s32 $0x440;
	s25 =	simm.s32 $0xA598;
	s26 =	sadd.s32 $0x30, s4  }
0x1a9: {  	[hbm4b:s26+s6] =	stream.linear.scatter [tilespmem:s25], [sflag:$0x3], $0x80, $0x38;
	[tilespmem:$0xC600] =	vst v63  }
0x1aa: {  	s29 =	sadd.s32 $0x70, s4;
	s30 =	simm.s32 $0xA620;
	s31 =	sadd.s32 $0x40, s4  }
0x1ab: {  	[hbm4b:s31+s6] =	stream.linear.scatter [tilespmem:s30], [sflag:$0x3], $0x80, $0x38;
	[tilespmem:$0xC600] =	vst v63  }
0x1ac: {  	s25 =	simm.s32 $0xA6A8;
	s26 =	sadd.s32 $0x50, s4;
	s30 =	simm.s32 $0xA730  }
0x1ad: {  	[hbm4b:s26+s6] =	stream.linear.scatter [tilespmem:s25], [sflag:$0x3], $0x80, $0x38;
	[tilespmem:$0xC600] =	vst v63  }
0x1ae: {  	v59 =	vmov v10;
	s31 =	sadd.s32 $0x60, s4;
	s26 =	simm.s32 $0x2200;
	s25 =	sadd.s32 $0x1000, s4  }
0x1af: {  	v61 =	vmovc v12;
	v60 =	vmovc v11;
	v39 =	vmov v13;
	v34 =	vmov v14;
	v35 =	vmov v15;
	[hbm4b:s31+s6] =	stream.linear.scatter [tilespmem:s30], [sflag:$0x3], $0x80, $0x38;
	[tilespmem:$0xC600] =	vst v63  }
.LBB2_9:
0x1b0: {  	[hbm4b:s29+s6] =	stream.linear.scatter [tilespmem:s28], [sflag:$0x3], $0x80, $0x38;
	[tilespmem:$0xC600] =	vst v63  }
0x1b1: {  	s4 =	smov.u32 s24;
	s24 =	smov.u32 s26  }
0x1b2: {  	s30 =	sadd.s32 $0x1100, s26;
	s24 =	sshra.s32 s24, $0x2;
	s28 =	sadd.s32 $0xA400, s4  }
0x1b3: {  	[hbm4b:s25+s6] =	stream.linear.scatter [tilespmem:s28], [sflag:$0x3], $0x80, $0x38;
	[tilespmem:$0xC600] =	vst v63  }
0x1b4: {  	p0 =	sne.s32 s26, $0x7700;
	s26 =	sadd.s32 $0xA488, s4;
	s28 =	sadd.s32 $0x10, s25  }
0x1b5: {  	[hbm4b:s28+s6] =	stream.linear.scatter [tilespmem:s26], [sflag:$0x3], $0x80, $0x38;
	[tilespmem:$0xC600] =	vst v63  }
0x1b6: {  	s26 =	sadd.s32 $0xA510, s4;
	s28 =	sadd.s32 $0x20, s25  }
0x1b7: {  	[hbm4b:s28+s6] =	stream.linear.scatter [tilespmem:s26], [sflag:$0x3], $0x80, $0x38;
	[tilespmem:$0xC600] =	vst v63  }
0x1b8: {  	s26 =	sadd.s32 $0xA598, s4;
	s28 =	sadd.s32 $0x30, s25  }
0x1b9: {  	[hbm4b:s28+s6] =	stream.linear.scatter [tilespmem:s26], [sflag:$0x3], $0x80, $0x38;
	[tilespmem:$0xC600] =	vst v63  }
0x1ba: {  	s26 =	sadd.s32 $0xA620, s4;
	s28 =	sadd.s32 $0x40, s25  }
0x1bb: {  	[hbm4b:s28+s6] =	stream.linear.scatter [tilespmem:s26], [sflag:$0x3], $0x80, $0x38;
	[tilespmem:$0xC600] =	vst v63  }
.Ltmp3:
0x1bc: {  	s26 =	sadd.s32 $0xA6A8, s4;
	s28 =	sadd.s32 $0x50, s25;
	(pc) =	sbr.rel @p0 .LBB2_9-.Ltmp3, $4  }
0x1bd: {  	[hbm4b:s28+s6] =	stream.linear.scatter [tilespmem:s26], [sflag:$0x3], $0x80, $0x38;
	[tilespmem:$0xC600] =	vst v63  }
0x1be: {  	s29 =	sadd.s32 $0x70, s25;
	s26 =	sadd.s32 $0xA730, s4;
	s28 =	sadd.s32 $0x60, s25  }
0x1bf: {  	[hbm4b:s28+s6] =	stream.linear.scatter [tilespmem:s26], [sflag:$0x3], $0x80, $0x38;
	[tilespmem:$0xC600] =	vst v63  }
0x1c0: {  	s25 =	sadd.s32 $0x1000, s25;
	s28 =	sadd.s32 $0xA7B8, s4;
	s26 =	smov.u32 s30  }
0x1c1: {  	[hbm4b:s29+s6] =	stream.linear.scatter [tilespmem:s28], [sflag:$0x3], $0x80, $0x38;
	[tilespmem:$0xC600] =	vst v63  }
0x1c2: {  	s4 =	sadd.s32 $0xA400, s24  }
0x1c3: {  	[hbm4b:s25+s6] =	stream.linear.scatter [tilespmem:s4], [sflag:$0x3], $0x80, $0x38;
	[tilespmem:$0xC600] =	vst v63  }
0x1c4: {  	s31 =	sadd.s32 $0xA488, s24;
	s26 =	sadd.s32 $0x10, s25  }
0x1c5: {  	[hbm4b:s26+s6] =	stream.linear.scatter [tilespmem:s31], [sflag:$0x3], $0x80, $0x38;
	[tilespmem:$0xC600] =	vst v63  }
0x1c6: {  	s28 =	sadd.s32 $0xA510, s24;
	s29 =	sadd.s32 $0x20, s25;
	v7 =	vld [tilespmem:$0x1FFE0]  }
0x1c7: {  	v28 =	vld [tilespmem:$0x1FF30];
	[hbm4b:s29+s6] =	stream.linear.scatter [tilespmem:s28], [sflag:$0x3], $0x80, $0x38  }
0x1c8: {  	s30 =	sadd.s32 $0xA598, s24;
	v29 =	vld [tilespmem:$0x1FF40];
	s31 =	sadd.s32 $0x30, s25  }
0x1c9: {  	v30 =	vld [tilespmem:$0x1FF50];
	[hbm4b:s31+s6] =	stream.linear.scatter [tilespmem:s30], [sflag:$0x3], $0x80, $0x38  }
0x1ca: {  	s23 =	sadd.s32 $0x1, s23;
	v31 =	vld [tilespmem:$0x1FF60];
	s28 =	sadd.s32 $0xA620, s24;
	s29 =	sadd.s32 $0x40, s25  }
0x1cb: {  	v32 =	vld [tilespmem:$0x1FF70];
	[hbm4b:s29+s6] =	stream.linear.scatter [tilespmem:s28], [sflag:$0x3], $0x80, $0x38  }
0x1cc: {  	v9 =	vld [tilespmem:$0x1FF80];
	p0 =	sne.s32 s23, $0x64;
	s30 =	sadd.s32 $0xA6A8, s24;
	s31 =	sadd.s32 $0x50, s25  }
0x1cd: {  	v27 =	vld [tilespmem:$0x1FF90];
	[hbm4b:s31+s6] =	stream.linear.scatter [tilespmem:s30], [sflag:$0x3], $0x80, $0x38  }
.Ltmp4:
0x1ce: {  	v2 =	vld [tilespmem:$0x1FFA0];
	(pc) =	sbr.rel @p0 .LBB2_2-.Ltmp4, $4  }
0x1cf: {  	v3 =	vld [tilespmem:$0x1FFB0];
	s28 =	sadd.s32 $0xA730, s24;
	s29 =	sadd.s32 $0x60, s25  }
0x1d0: {  	v4 =	vld [tilespmem:$0x1FFC0];
	[hbm4b:s29+s6] =	stream.linear.scatter [tilespmem:s28], [sflag:$0x3], $0x80, $0x38  }
0x1d1: {  	v62 =	vld [tilespmem:$0x1FFD0];
	s30 =	sadd.s32 $0xA7B8, s24;
	s31 =	sadd.s32 $0x70, s25  }
0x1d2: {  	v63 =	vld [tilespmem:$0x1FFF0];
	[hbm4b:s31+s6] =	stream.linear.scatter [tilespmem:s30], [sflag:$0x3], $0x80, $0x38  }
0x1d3: {  	s22 =	sadd.s32 $0x1, s22  }
0x1d4: {  	_ =	swait.ge [sflag:s21], $0x2000;
	p0 =	sne.s32 s22, s10  }
.Ltmp5:
0x1d5: {  	[sflag:s21] =	ssyncset.done $0x0;
	(pc) =	sbr.rel @p0 .LBB2_1-.Ltmp5, $4  }
0x1d6: {  	[sflag:s21] =	ssyncadd.s32 $0xFFFFE000  }
0x1d7: {  	_ =	swait.ge [sflag:s21], $0x2000  }
0x1d8: {  	[sflag:s21] =	ssyncset.done $0x0  }
0x1d9: {  	[sflag:s21] =	ssyncadd.s32 $0xFFFFE000  }
0x1da: {  	_ =	sfence.sel $0x180000  }
0x1db: {  	[bflag:$0x0] =	sbarrier.arrive $0xFFFF  }
0x1dc: {  	_ =	strace $0x90000047  }
0x1dd: {  	[bflag:$0x2] =	sbarrier.arrive $0xFFFF  }
0x1de: {  	p0 =	sne.s32 s2, $0x0;
	s0 =	rddreg [dreg:$0x4]  }
0x1df: {  	s0 =	sadd.s32 @!p0 $0x100000, s0  }
0x1e0: {  	[sflag:s0] =	ssyncadd.tile.s32 @!p0 $0x1;
	_ =	shalt  }
.Lfunc_end2:
_tile_overlayer_lowered:
.L_overlay_start_2:
0x1e1: {  	(tag) =	ssettag $0x2  }
0x1e2: {  	s0 =	rddreg [dreg:$0x0];
	s2 =	stileid.u32  }
0x1e3: {  	s1 =	rddreg [dreg:$0x1];
	p0 =	sne.s32 s2, $0x0  }
0x1e4: {  	s3 =	rddreg [dreg:$0x2];
	[bflag:$0x3] =	sbarrier.arrive $0xFFFF;
	s2 =	simm.s32 @!p0 $0x1C04  }
0x1e5: {  	[timem:s3], [sflag:s2] =	dma.local @!p0 [hbm:s0], s1  }
0x1e6: {  	s0 =	simm.s32 @!p0 $0x4  }
0x1e7: {  	_ =	swait.ge @!p0 [sflag:s0], s1  }
0x1e8: {  	s1 =	ssub.s32 @!p0 $0x0, s1;
	[sflag:s0] =	ssyncset.done @!p0 $0x0  }
0x1e9: {  	[sflag:s0] =	ssyncadd.s32 @!p0 s1  }
0x1ea: {  	[bflag:$0x3] =	sbarrier.arrive $0xFFFF  }
0x1eb: {  	_ =	shalt  }

</sc_bundles>
